<compile_context>
chip_gen: v7x
topology: tpu7x:2x2x1
jax: 0.10.2.dev20260603
libtpu: 0.0.44.dev20260713+nightly
codegen_flags: <defaults>
</compile_context>

<pallas_src>
import functools

import jax
import jax.numpy as jnp
from jax import lax
from jax.experimental import pallas as pl
from jax.experimental.pallas import tpu as pltpu, tpu_sc as plsc

_MAGIC = 12582912.0

_N_TOKENS = 65536
_N_CW = 32
_D = 16
_G = 16

_GC = ((1, 1, 1, 1, 0, 1, 0, 1, 1, 0, 0, 1, 0, 0, 0, 0),
       (0, 1, 1, 1, 1, 0, 1, 0, 1, 1, 0, 0, 1, 0, 0, 0),
       (0, 0, 1, 1, 1, 1, 0, 1, 0, 1, 1, 0, 0, 1, 0, 0),
       (0, 0, 0, 1, 1, 1, 1, 0, 1, 0, 1, 1, 0, 0, 1, 0),
       (1, 1, 1, 1, 1, 1, 1, 1, 1, 1, 1, 1, 1, 1, 1, 1))


def _codebook():
    rows = []
    for k in range(_N_CW):
        u = [(k >> (4 - j)) & 1 for j in range(5)]
        rows.append([sum(u[j] * _GC[j][i] for j in range(5)) for i in range(_D)])
    return rows


def _rne(x):
    return (x + _MAGIC) - _MAGIC


def _tree(vals, merge, lo=0, hi=_D):
    if hi - lo == 1:
        return vals[lo]
    mid = (lo + hi) // 2
    return merge(_tree(vals, merge, lo, mid), _tree(vals, merge, mid, hi))


def _make_sc_quantizer():
    info = plsc.get_sparse_core_info()
    nw = info.num_cores * info.num_subcores
    tpb = _N_TOKENS // nw
    ngroups = tpb // _G

    cb = _codebook()
    bits = [[c & 1 for c in row] for row in cb]
    pbit = [sum(c >> 1 for c in row) & 1 for row in cb]
    usubs = [tuple(j for j in range(5) if (k >> (4 - j)) & 1)
             for k in range(_N_CW)]
    bitspack = [sum(b << c for c, b in enumerate(row)) for row in bits]
    perm = sorted(range(_D),
                  key=lambda c: sum(_GC[j][c] << (3 - j) for j in range(4)))
    bitsp = [[bits[k][perm[i]] for i in range(_D)] for k in range(_N_CW)]

    mesh = plsc.VectorSubcoreMesh(core_axis_name="c", subcore_axis_name="s")

    @functools.partial(
        pl.kernel,
        mesh=mesh,
        out_type=jax.ShapeDtypeStruct((_D, _N_TOKENS), jnp.float32),
        scratch_types=[
            pltpu.VMEM((_D, tpb), jnp.float32),
            pltpu.VMEM((_D, tpb), jnp.float32),
            pltpu.VMEM((_D,), jnp.float32),
        ],
    )
    def quantize(x_hbm, a_hbm, out_hbm, x_v, y_v, a_v):
        wid = lax.axis_index("s") * info.num_cores + lax.axis_index("c")
        tok0 = wid * tpb
        pltpu.sync_copy(a_hbm, a_v)
        pltpu.sync_copy(x_hbm.at[:, pl.ds(tok0, tpb)], x_v)
        av = a_v[...]

        def _group_body(x_v, y_v, g):
            gt = g * _G
            xv = [x_v[c, pl.ds(gt, _G)] for c in range(_D)]

            h0 = [(x / av) * 0.5 for x in xv]
            t0 = [h + _MAGIC for h in h0]
            f0 = [t - _MAGIC for t in t0]
            d0 = [h - f for h, f in zip(h0, f0)]
            e0 = [jnp.abs(d) for d in d0]
            h1 = [h - 0.5 for h in h0]
            t1 = [h + _MAGIC for h in h1]
            f1 = [t - _MAGIC for t in t1]
            d1 = [h - f for h, f in zip(h1, f1)]
            e1 = [jnp.abs(d) for d in d1]
            q0 = [d * d for d in d0]
            q1 = [d * d for d in d1]
            dq = [x - y for x, y in zip(q1, q0)]
            _bc = lambda t: lax.bitcast_convert_type(t, jnp.int32)
            odd0 = [_bc(t) & 1 for t in t0]
            odd1 = [_bc(t) & 1 for t in t1]
            z = [x ^ y for x, y in zip(odd0, odd1)]

            s_even = _tree(q0, lambda x, y: x + y)
            p_even = _tree(odd0, lambda x, y: x ^ y)
            w = []
            for j in range(5):
                acc = None
                for c in range(_D):
                    if _GC[j][c]:
                        acc = z[c] if acc is None else acc ^ z[c]
                w.append(acc)

            tp_cache = {(): p_even}

            def tpar(s):
                if s not in tp_cache:
                    tp_cache[s] = tpar(s[:-1]) ^ w[s[-1]]
                return tp_cache[s]

            cache = {}

            def memo_tree(tag, bk, leaf, merge, lo=0, hi=_D, skip_zero=False):
                if hi - lo == 1:
                    if skip_zero and not bk[lo]:
                        return None
                    return leaf(lo, bk[lo])
                key = (tag, lo, hi, tuple(bk[lo:hi]))
                if key not in cache:
                    mid = (lo + hi) // 2
                    l = memo_tree(tag, bk, leaf, merge, lo, mid, skip_zero)
                    r = memo_tree(tag, bk, leaf, merge, mid, hi, skip_zero)
                    cache[key] = r if l is None else (l if r is None
                                                     else merge(l, r))
                return cache[key]

            cands = []
            for k in range(_N_CW):
                bk = bitsp[k]
                ss = memo_tree("sum", bk, lambda i, b: dq[perm[i]],
                               lambda x, y: x + y, skip_zero=True)
                sq = s_even if ss is None else s_even + ss
                emax = memo_tree(
                    "max", bk,
                    lambda i, b: e1[perm[i]] if b else e0[perm[i]],
                    jnp.maximum)
                gk = jnp.where(emax > 0, 1.0 - 2.0 * emax, 0.0)
                par_i = tpar(usubs[k]) ^ pbit[k] if pbit[k] else tpar(usubs[k])
                park = par_i == 1
                d4 = sq + jnp.where(park, gk, 0.0)
                cands.append((d4, jnp.full((_G,), bitspack[k], jnp.int32),
                              par_i))

            def amerge(lv, rv):
                cond = lv[0] <= rv[0]
                return tuple(jnp.where(cond, x, y) for x, y in zip(lv, rv))

            best_d, best_bits, best_par = _tree(cands, amerge, 0, _N_CW)

            parb = best_par == 1
            bitb = [((best_bits >> c) & 1) == 1 for c in range(_D)]
            dsel = [jnp.where(bitb[c], d1[c], d0[c]) for c in range(_D)]
            fsel = [jnp.where(bitb[c], f1[c], f0[c]) for c in range(_D)]
            esel = [jnp.abs(d) for d in dsel]

            def tmerge(lv, rv):
                cond = lv[0] >= rv[0]
                return (jnp.where(cond, lv[0], rv[0]),
                        jnp.where(cond, lv[1], rv[1]))

            pairs = [(esel[c], jnp.full((_G,), c, jnp.int32))
                     for c in range(_D)]
            _, col = _tree(pairs, tmerge)
            col = jnp.where(parb, col, jnp.int32(_D))
            ys = []
            for c in range(_D):
                bitf = jnp.where(bitb[c], 1.0, 0.0)
                xq = fsel[c] * 2.0 + bitf
                flip = col == c
                ssel = jnp.sign(dsel[c])
                ys.append((xq + jnp.where(flip, ssel + ssel, 0.0)) * av)
            for c in range(_D):
                y_v[c, pl.ds(gt, _G)] = ys[c]

        def gb(g, carry):
            _group_body(x_v, y_v, g)
            return carry

        lax.fori_loop(0, tpb // _G, gb, None)
        pltpu.sync_copy(y_v, out_hbm.at[:, pl.ds(tok0, tpb)])

    return quantize


_sc_quantize = _make_sc_quantizer()


def kernel(x_in, C_rep, a):
    del C_rep
    yt = _sc_quantize(x_in.T, jnp.full((_D,), a, jnp.float32))
    return yt.T

# --- scband reference (transcript-rebuilt; emitter-appended) ---
"""Pipeline reference for scband-barnes-wall-quantizer-unit-vol-59785944760426 (READ-ONLY COPY).

The authoritative reference and input builder live on the scoring server;
editing this copy changes nothing except your own understanding.
"""

import jax, jax.numpy as jnp
import numpy as np
import itertools


def _barneswall_G():
    return np.array([
        [4, 0, 0, 0, 0, 0, 0, 0, 0, 0, 0, 0, 0, 0, 0, 0],
        [2, 2, 0, 0, 0, 0, 0, 0, 0, 0, 0, 0, 0, 0, 0, 0],
        [2, 0, 2, 0, 0, 0, 0, 0, 0, 0, 0, 0, 0, 0, 0, 0],
        [2, 0, 0, 2, 0, 0, 0, 0, 0, 0, 0, 0, 0, 0, 0, 0],
        [2, 0, 0, 0, 2, 0, 0, 0, 0, 0, 0, 0, 0, 0, 0, 0],
        [2, 0, 0, 0, 0, 2, 0, 0, 0, 0, 0, 0, 0, 0, 0, 0],
        [2, 0, 0, 0, 0, 0, 2, 0, 0, 0, 0, 0, 0, 0, 0, 0],
        [2, 0, 0, 0, 0, 0, 0, 2, 0, 0, 0, 0, 0, 0, 0, 0],
        [2, 0, 0, 0, 0, 0, 0, 0, 2, 0, 0, 0, 0, 0, 0, 0],
        [2, 0, 0, 0, 0, 0, 0, 0, 0, 2, 0, 0, 0, 0, 0, 0],
        [2, 0, 0, 0, 0, 0, 0, 0, 0, 0, 2, 0, 0, 0, 0, 0],
        [1, 1, 1, 1, 0, 1, 0, 1, 1, 0, 0, 1, 0, 0, 0, 0],
        [0, 1, 1, 1, 1, 0, 1, 0, 1, 1, 0, 0, 1, 0, 0, 0],
        [0, 0, 1, 1, 1, 1, 0, 1, 0, 1, 1, 0, 0, 1, 0, 0],
        [0, 0, 0, 1, 1, 1, 1, 0, 1, 0, 1, 1, 0, 0, 1, 0],
        [1, 1, 1, 1, 1, 1, 1, 1, 1, 1, 1, 1, 1, 1, 1, 1]], dtype=np.float64)


def _compute_a():
    G = _barneswall_G()
    vol = np.sqrt(np.linalg.det(G @ G.T))
    return float(1.0 / vol ** (1.0 / 16.0))


def _rm14_codewords():
    Gc = np.array([
        [1, 1, 1, 1, 0, 1, 0, 1, 1, 0, 0, 1, 0, 0, 0, 0],
        [0, 1, 1, 1, 1, 0, 1, 0, 1, 1, 0, 0, 1, 0, 0, 0],
        [0, 0, 1, 1, 1, 1, 0, 1, 0, 1, 1, 0, 0, 1, 0, 0],
        [0, 0, 0, 1, 1, 1, 1, 0, 1, 0, 1, 1, 0, 0, 1, 0],
        [1, 1, 1, 1, 1, 1, 1, 1, 1, 1, 1, 1, 1, 1, 1, 1]], dtype=np.int64)
    binary_inputs = np.array([list(i) for i in itertools.product([0, 1], repeat=5)], dtype=np.int64)
    return (binary_inputs @ Gc).astype(np.float32)


def setup_inputs(seed: int = 0) -> dict:
    key = jax.random.key(seed)
    x_in = jax.random.normal(key, (65536, 16), dtype=jnp.float32)
    return {"x_in": x_in, "C_rep": jnp.asarray(_rm14_codewords()), "a": _compute_a()}


def _quantize_2d16(x_in):
    x = x_in / 2.0
    f_x = jnp.round(x)
    mask = (jnp.sum(f_x, axis=1) % 2.0) == 1.0
    col = jnp.argmax(jnp.abs(x - f_x), axis=1)
    rows = jnp.arange(x.shape[0])
    x_ = x[rows, col]
    fxc = f_x[rows, col]
    up = jnp.ceil(x_)
    down = jnp.floor(x_)
    flipped = up + down - fxc
    fxc_final = jnp.where(mask, flipped, fxc)
    f_x = f_x.at[rows, col].set(fxc_final)
    return f_x * 2.0


def reference(x_in, C_rep, a):
    x = x_in / a
    inputs = x[:, None, :] - C_rep[None, :, :]
    Xq = _quantize_2d16(inputs.reshape(-1, 16)).reshape(-1, 32, 16) + C_rep[None, :, :]
    D = jnp.sum((Xq - x[:, None, :]) ** 2, axis=2)
    idx_keep = jnp.argmin(D, axis=1)
    y = jnp.take_along_axis(Xq, idx_keep[:, None, None], axis=1)[:, 0, :]
    return y * a

if __name__ == "__main__":
    import jax
    _d = setup_inputs()
    print(jax.jit(kernel)(*tuple(_d.values())))

</pallas_src>

<mosaic_0001>
#map = affine_map<(d0, d1) -> (0, 0)>
#map1 = affine_map<(d0, d1) -> (0)>
module attributes {stable_mosaic.version = 14 : i64} {
  func.func @quantize(%arg0: i32, %arg1: i32, %arg2: memref<16x65536xf32, #tpu.memory_space<hbm>>, %arg3: memref<16xf32, #tpu.memory_space<hbm>>, %arg4: memref<16x65536xf32, #tpu.memory_space<hbm>>, %arg5: memref<16x2048xf32, #tpu.memory_space<vmem>>, %arg6: memref<16x2048xf32, #tpu.memory_space<vmem>>, %arg7: memref<16xf32, #tpu.memory_space<vmem>>) attributes {dimension_semantics = [#tpu.dimension_semantics<core_parallel>, #tpu.dimension_semantics<subcore_parallel>], iteration_bounds = array<i64: 2, 16>, scalar_prefetch = 0 : i64, scratch_operands = 3 : i64, tpu.core_type = #tpu.core_type<sc_vector_subcore>, window_params = [{transform_indices = #map}, {transform_indices = #map1}, {transform_indices = #map}]} {
    %mul3A = arith.constant 2 : i32
    %mul3A_0 = arith.muli %arg1, %mul3A : i32
    %add3A = arith.addi %mul3A_0, %arg0 : i32
    %mul3A_1 = arith.constant 2048 : i32
    %mul3A_2 = arith.muli %add3A, %mul3A_1 : i32
    "tpu.region"() ({
      %run_scoped3A = tpu.sem_alloc : memref<!tpu.dma_semaphore, #tpu.memory_space<semaphore_mem>>
      tpu.enqueue_dma source(%arg3 : memref<16xf32, #tpu.memory_space<hbm>>) target(%arg7 : memref<16xf32, #tpu.memory_space<vmem>>) target_semaphore(%run_scoped3A : memref<!tpu.dma_semaphore, #tpu.memory_space<semaphore_mem>>)
      tpu.wait_dma2 semaphore(%run_scoped3A : memref<!tpu.dma_semaphore, #tpu.memory_space<semaphore_mem>>) src(%arg3 : memref<16xf32, #tpu.memory_space<hbm>>) dst(%arg7 : memref<16xf32, #tpu.memory_space<vmem>>)
      tpu.yield
    }) : () -> ()
    "tpu.region"() ({
      %run_scoped3A = tpu.sem_alloc : memref<!tpu.dma_semaphore, #tpu.memory_space<semaphore_mem>>
      %dma_start3A = arith.constant 0 : i32
      %dma_start3A_9 = tpu.memref_slice %arg2[%dma_start3A, %mul3A_2] : memref<16x65536xf32, #tpu.memory_space<hbm>> -> memref<16x2048xf32, #tpu.memory_space<hbm>>
      %dma_start3A_10 = arith.constant 0 : i32
      %dma_start3A_11 = tpu.memref_slice %arg2[%dma_start3A_10, %mul3A_2] : memref<16x65536xf32, #tpu.memory_space<hbm>> -> memref<16x2048xf32, #tpu.memory_space<hbm>>
      tpu.enqueue_dma source(%dma_start3A_11 : memref<16x2048xf32, #tpu.memory_space<hbm>>) target(%arg5 : memref<16x2048xf32, #tpu.memory_space<vmem>>) target_semaphore(%run_scoped3A : memref<!tpu.dma_semaphore, #tpu.memory_space<semaphore_mem>>)
      %dma_wait3A = arith.constant 0 : i32
      %dma_wait3A_12 = tpu.memref_slice %arg2[%dma_wait3A, %mul3A_2] : memref<16x65536xf32, #tpu.memory_space<hbm>> -> memref<16x2048xf32, #tpu.memory_space<hbm>>
      %dma_wait3A_13 = arith.constant 0 : i32
      %dma_wait3A_14 = tpu.memref_slice %arg2[%dma_wait3A_13, %mul3A_2] : memref<16x65536xf32, #tpu.memory_space<hbm>> -> memref<16x2048xf32, #tpu.memory_space<hbm>>
      tpu.wait_dma2 semaphore(%run_scoped3A : memref<!tpu.dma_semaphore, #tpu.memory_space<semaphore_mem>>) src(%dma_wait3A_14 : memref<16x2048xf32, #tpu.memory_space<hbm>>) dst(%arg5 : memref<16x2048xf32, #tpu.memory_space<vmem>>)
      tpu.yield
    }) : () -> ()
    %get3A = arith.constant 0 : index
    %get3A_3 = tpu.vector_load %arg7[%get3A] {strides = array<i32>} : memref<16xf32, #tpu.memory_space<vmem>>, vector<16xf32>,
    %get3A_4 = vector.shape_cast %get3A_3 : vector<16xf32> to vector<16xf32>
    %scan3A = arith.constant 0 : i32
    %scan3A_5 = arith.constant 128 : i32
    %scan3A_6 = arith.addi %scan3A, %scan3A_5 : i32
    %scan3A_7 = arith.constant 1 : i32
    scf.for %scan3A_9 = %scan3A to %scan3A_6 step %scan3A_7  : i32 {
      %mul3A_10 = arith.constant 16 : i32
      %mul3A_11 = arith.muli %scan3A_9, %mul3A_10 : i32
      %get3A_12 = arith.constant 0 : i32
      %get3A_13 = arith.index_cast %get3A_12 : i32 to index
      %get3A_14 = arith.index_cast %mul3A_11 : i32 to index
      %get3A_15 = tpu.vector_load %arg5[%get3A_13, %get3A_14] {strides = array<i32>} : memref<16x2048xf32, #tpu.memory_space<vmem>>, vector<1x16xf32>,
      %get3A_16 = vector.shape_cast %get3A_15 : vector<1x16xf32> to vector<16xf32>
      %get3A_17 = arith.constant 1 : i32
      %get3A_18 = arith.index_cast %get3A_17 : i32 to index
      %get3A_19 = arith.index_cast %mul3A_11 : i32 to index
      %get3A_20 = tpu.vector_load %arg5[%get3A_18, %get3A_19] {strides = array<i32>} : memref<16x2048xf32, #tpu.memory_space<vmem>>, vector<1x16xf32>,
      %get3A_21 = vector.shape_cast %get3A_20 : vector<1x16xf32> to vector<16xf32>
      %get3A_22 = arith.constant 2 : i32
      %get3A_23 = arith.index_cast %get3A_22 : i32 to index
      %get3A_24 = arith.index_cast %mul3A_11 : i32 to index
      %get3A_25 = tpu.vector_load %arg5[%get3A_23, %get3A_24] {strides = array<i32>} : memref<16x2048xf32, #tpu.memory_space<vmem>>, vector<1x16xf32>,
      %get3A_26 = vector.shape_cast %get3A_25 : vector<1x16xf32> to vector<16xf32>
      %get3A_27 = arith.constant 3 : i32
      %get3A_28 = arith.index_cast %get3A_27 : i32 to index
      %get3A_29 = arith.index_cast %mul3A_11 : i32 to index
      %get3A_30 = tpu.vector_load %arg5[%get3A_28, %get3A_29] {strides = array<i32>} : memref<16x2048xf32, #tpu.memory_space<vmem>>, vector<1x16xf32>,
      %get3A_31 = vector.shape_cast %get3A_30 : vector<1x16xf32> to vector<16xf32>
      %get3A_32 = arith.constant 4 : i32
      %get3A_33 = arith.index_cast %get3A_32 : i32 to index
      %get3A_34 = arith.index_cast %mul3A_11 : i32 to index
      %get3A_35 = tpu.vector_load %arg5[%get3A_33, %get3A_34] {strides = array<i32>} : memref<16x2048xf32, #tpu.memory_space<vmem>>, vector<1x16xf32>,
      %get3A_36 = vector.shape_cast %get3A_35 : vector<1x16xf32> to vector<16xf32>
      %get3A_37 = arith.constant 5 : i32
      %get3A_38 = arith.index_cast %get3A_37 : i32 to index
      %get3A_39 = arith.index_cast %mul3A_11 : i32 to index
      %get3A_40 = tpu.vector_load %arg5[%get3A_38, %get3A_39] {strides = array<i32>} : memref<16x2048xf32, #tpu.memory_space<vmem>>, vector<1x16xf32>,
      %get3A_41 = vector.shape_cast %get3A_40 : vector<1x16xf32> to vector<16xf32>
      %get3A_42 = arith.constant 6 : i32
      %get3A_43 = arith.index_cast %get3A_42 : i32 to index
      %get3A_44 = arith.index_cast %mul3A_11 : i32 to index
      %get3A_45 = tpu.vector_load %arg5[%get3A_43, %get3A_44] {strides = array<i32>} : memref<16x2048xf32, #tpu.memory_space<vmem>>, vector<1x16xf32>,
      %get3A_46 = vector.shape_cast %get3A_45 : vector<1x16xf32> to vector<16xf32>
      %get3A_47 = arith.constant 7 : i32
      %get3A_48 = arith.index_cast %get3A_47 : i32 to index
      %get3A_49 = arith.index_cast %mul3A_11 : i32 to index
      %get3A_50 = tpu.vector_load %arg5[%get3A_48, %get3A_49] {strides = array<i32>} : memref<16x2048xf32, #tpu.memory_space<vmem>>, vector<1x16xf32>,
      %get3A_51 = vector.shape_cast %get3A_50 : vector<1x16xf32> to vector<16xf32>
      %get3A_52 = arith.constant 8 : i32
      %get3A_53 = arith.index_cast %get3A_52 : i32 to index
      %get3A_54 = arith.index_cast %mul3A_11 : i32 to index
      %get3A_55 = tpu.vector_load %arg5[%get3A_53, %get3A_54] {strides = array<i32>} : memref<16x2048xf32, #tpu.memory_space<vmem>>, vector<1x16xf32>,
      %get3A_56 = vector.shape_cast %get3A_55 : vector<1x16xf32> to vector<16xf32>
      %get3A_57 = arith.constant 9 : i32
      %get3A_58 = arith.index_cast %get3A_57 : i32 to index
      %get3A_59 = arith.index_cast %mul3A_11 : i32 to index
      %get3A_60 = tpu.vector_load %arg5[%get3A_58, %get3A_59] {strides = array<i32>} : memref<16x2048xf32, #tpu.memory_space<vmem>>, vector<1x16xf32>,
      %get3A_61 = vector.shape_cast %get3A_60 : vector<1x16xf32> to vector<16xf32>
      %get3A_62 = arith.constant 10 : i32
      %get3A_63 = arith.index_cast %get3A_62 : i32 to index
      %get3A_64 = arith.index_cast %mul3A_11 : i32 to index
      %get3A_65 = tpu.vector_load %arg5[%get3A_63, %get3A_64] {strides = array<i32>} : memref<16x2048xf32, #tpu.memory_space<vmem>>, vector<1x16xf32>,
      %get3A_66 = vector.shape_cast %get3A_65 : vector<1x16xf32> to vector<16xf32>
      %get3A_67 = arith.constant 11 : i32
      %get3A_68 = arith.index_cast %get3A_67 : i32 to index
      %get3A_69 = arith.index_cast %mul3A_11 : i32 to index
      %get3A_70 = tpu.vector_load %arg5[%get3A_68, %get3A_69] {strides = array<i32>} : memref<16x2048xf32, #tpu.memory_space<vmem>>, vector<1x16xf32>,
      %get3A_71 = vector.shape_cast %get3A_70 : vector<1x16xf32> to vector<16xf32>
      %get3A_72 = arith.constant 12 : i32
      %get3A_73 = arith.index_cast %get3A_72 : i32 to index
      %get3A_74 = arith.index_cast %mul3A_11 : i32 to index
      %get3A_75 = tpu.vector_load %arg5[%get3A_73, %get3A_74] {strides = array<i32>} : memref<16x2048xf32, #tpu.memory_space<vmem>>, vector<1x16xf32>,
      %get3A_76 = vector.shape_cast %get3A_75 : vector<1x16xf32> to vector<16xf32>
      %get3A_77 = arith.constant 13 : i32
      %get3A_78 = arith.index_cast %get3A_77 : i32 to index
      %get3A_79 = arith.index_cast %mul3A_11 : i32 to index
      %get3A_80 = tpu.vector_load %arg5[%get3A_78, %get3A_79] {strides = array<i32>} : memref<16x2048xf32, #tpu.memory_space<vmem>>, vector<1x16xf32>,
      %get3A_81 = vector.shape_cast %get3A_80 : vector<1x16xf32> to vector<16xf32>
      %get3A_82 = arith.constant 14 : i32
      %get3A_83 = arith.index_cast %get3A_82 : i32 to index
      %get3A_84 = arith.index_cast %mul3A_11 : i32 to index
      %get3A_85 = tpu.vector_load %arg5[%get3A_83, %get3A_84] {strides = array<i32>} : memref<16x2048xf32, #tpu.memory_space<vmem>>, vector<1x16xf32>,
      %get3A_86 = vector.shape_cast %get3A_85 : vector<1x16xf32> to vector<16xf32>
      %get3A_87 = arith.constant 15 : i32
      %get3A_88 = arith.index_cast %get3A_87 : i32 to index
      %get3A_89 = arith.index_cast %mul3A_11 : i32 to index
      %get3A_90 = tpu.vector_load %arg5[%get3A_88, %get3A_89] {strides = array<i32>} : memref<16x2048xf32, #tpu.memory_space<vmem>>, vector<1x16xf32>,
      %get3A_91 = vector.shape_cast %get3A_90 : vector<1x16xf32> to vector<16xf32>
      %div3A = arith.divf %get3A_16, %get3A_4 : vector<16xf32>
      %mul3A_92 = arith.constant 5.000000e-01 : f32
      %mul3A_93 = vector.broadcast %mul3A_92 : f32 to vector<16xf32>
      %mul3A_94 = arith.mulf %div3A, %mul3A_93 : vector<16xf32>
      %div3A_95 = arith.divf %get3A_21, %get3A_4 : vector<16xf32>
      %mul3A_96 = arith.constant 5.000000e-01 : f32
      %mul3A_97 = vector.broadcast %mul3A_96 : f32 to vector<16xf32>
      %mul3A_98 = arith.mulf %div3A_95, %mul3A_97 : vector<16xf32>
      %div3A_99 = arith.divf %get3A_26, %get3A_4 : vector<16xf32>
      %mul3A_100 = arith.constant 5.000000e-01 : f32
      %mul3A_101 = vector.broadcast %mul3A_100 : f32 to vector<16xf32>
      %mul3A_102 = arith.mulf %div3A_99, %mul3A_101 : vector<16xf32>
      %div3A_103 = arith.divf %get3A_31, %get3A_4 : vector<16xf32>
      %mul3A_104 = arith.constant 5.000000e-01 : f32
      %mul3A_105 = vector.broadcast %mul3A_104 : f32 to vector<16xf32>
      %mul3A_106 = arith.mulf %div3A_103, %mul3A_105 : vector<16xf32>
      %div3A_107 = arith.divf %get3A_36, %get3A_4 : vector<16xf32>
      %mul3A_108 = arith.constant 5.000000e-01 : f32
      %mul3A_109 = vector.broadcast %mul3A_108 : f32 to vector<16xf32>
      %mul3A_110 = arith.mulf %div3A_107, %mul3A_109 : vector<16xf32>
      %div3A_111 = arith.divf %get3A_41, %get3A_4 : vector<16xf32>
      %mul3A_112 = arith.constant 5.000000e-01 : f32
      %mul3A_113 = vector.broadcast %mul3A_112 : f32 to vector<16xf32>
      %mul3A_114 = arith.mulf %div3A_111, %mul3A_113 : vector<16xf32>
      %div3A_115 = arith.divf %get3A_46, %get3A_4 : vector<16xf32>
      %mul3A_116 = arith.constant 5.000000e-01 : f32
      %mul3A_117 = vector.broadcast %mul3A_116 : f32 to vector<16xf32>
      %mul3A_118 = arith.mulf %div3A_115, %mul3A_117 : vector<16xf32>
      %div3A_119 = arith.divf %get3A_51, %get3A_4 : vector<16xf32>
      %mul3A_120 = arith.constant 5.000000e-01 : f32
      %mul3A_121 = vector.broadcast %mul3A_120 : f32 to vector<16xf32>
      %mul3A_122 = arith.mulf %div3A_119, %mul3A_121 : vector<16xf32>
      %div3A_123 = arith.divf %get3A_56, %get3A_4 : vector<16xf32>
      %mul3A_124 = arith.constant 5.000000e-01 : f32
      %mul3A_125 = vector.broadcast %mul3A_124 : f32 to vector<16xf32>
      %mul3A_126 = arith.mulf %div3A_123, %mul3A_125 : vector<16xf32>
      %div3A_127 = arith.divf %get3A_61, %get3A_4 : vector<16xf32>
      %mul3A_128 = arith.constant 5.000000e-01 : f32
      %mul3A_129 = vector.broadcast %mul3A_128 : f32 to vector<16xf32>
      %mul3A_130 = arith.mulf %div3A_127, %mul3A_129 : vector<16xf32>
      %div3A_131 = arith.divf %get3A_66, %get3A_4 : vector<16xf32>
      %mul3A_132 = arith.constant 5.000000e-01 : f32
      %mul3A_133 = vector.broadcast %mul3A_132 : f32 to vector<16xf32>
      %mul3A_134 = arith.mulf %div3A_131, %mul3A_133 : vector<16xf32>
      %div3A_135 = arith.divf %get3A_71, %get3A_4 : vector<16xf32>
      %mul3A_136 = arith.constant 5.000000e-01 : f32
      %mul3A_137 = vector.broadcast %mul3A_136 : f32 to vector<16xf32>
      %mul3A_138 = arith.mulf %div3A_135, %mul3A_137 : vector<16xf32>
      %div3A_139 = arith.divf %get3A_76, %get3A_4 : vector<16xf32>
      %mul3A_140 = arith.constant 5.000000e-01 : f32
      %mul3A_141 = vector.broadcast %mul3A_140 : f32 to vector<16xf32>
      %mul3A_142 = arith.mulf %div3A_139, %mul3A_141 : vector<16xf32>
      %div3A_143 = arith.divf %get3A_81, %get3A_4 : vector<16xf32>
      %mul3A_144 = arith.constant 5.000000e-01 : f32
      %mul3A_145 = vector.broadcast %mul3A_144 : f32 to vector<16xf32>
      %mul3A_146 = arith.mulf %div3A_143, %mul3A_145 : vector<16xf32>
      %div3A_147 = arith.divf %get3A_86, %get3A_4 : vector<16xf32>
      %mul3A_148 = arith.constant 5.000000e-01 : f32
      %mul3A_149 = vector.broadcast %mul3A_148 : f32 to vector<16xf32>
      %mul3A_150 = arith.mulf %div3A_147, %mul3A_149 : vector<16xf32>
      %div3A_151 = arith.divf %get3A_91, %get3A_4 : vector<16xf32>
      %mul3A_152 = arith.constant 5.000000e-01 : f32
      %mul3A_153 = vector.broadcast %mul3A_152 : f32 to vector<16xf32>
      %mul3A_154 = arith.mulf %div3A_151, %mul3A_153 : vector<16xf32>
      %add3A_155 = arith.constant 0x4B400000 : f32
      %add3A_156 = vector.broadcast %add3A_155 : f32 to vector<16xf32>
      %add3A_157 = arith.addf %mul3A_94, %add3A_156 : vector<16xf32>
      %add3A_158 = arith.constant 0x4B400000 : f32
      %add3A_159 = vector.broadcast %add3A_158 : f32 to vector<16xf32>
      %add3A_160 = arith.addf %mul3A_98, %add3A_159 : vector<16xf32>
      %add3A_161 = arith.constant 0x4B400000 : f32
      %add3A_162 = vector.broadcast %add3A_161 : f32 to vector<16xf32>
      %add3A_163 = arith.addf %mul3A_102, %add3A_162 : vector<16xf32>
      %add3A_164 = arith.constant 0x4B400000 : f32
      %add3A_165 = vector.broadcast %add3A_164 : f32 to vector<16xf32>
      %add3A_166 = arith.addf %mul3A_106, %add3A_165 : vector<16xf32>
      %add3A_167 = arith.constant 0x4B400000 : f32
      %add3A_168 = vector.broadcast %add3A_167 : f32 to vector<16xf32>
      %add3A_169 = arith.addf %mul3A_110, %add3A_168 : vector<16xf32>
      %add3A_170 = arith.constant 0x4B400000 : f32
      %add3A_171 = vector.broadcast %add3A_170 : f32 to vector<16xf32>
      %add3A_172 = arith.addf %mul3A_114, %add3A_171 : vector<16xf32>
      %add3A_173 = arith.constant 0x4B400000 : f32
      %add3A_174 = vector.broadcast %add3A_173 : f32 to vector<16xf32>
      %add3A_175 = arith.addf %mul3A_118, %add3A_174 : vector<16xf32>
      %add3A_176 = arith.constant 0x4B400000 : f32
      %add3A_177 = vector.broadcast %add3A_176 : f32 to vector<16xf32>
      %add3A_178 = arith.addf %mul3A_122, %add3A_177 : vector<16xf32>
      %add3A_179 = arith.constant 0x4B400000 : f32
      %add3A_180 = vector.broadcast %add3A_179 : f32 to vector<16xf32>
      %add3A_181 = arith.addf %mul3A_126, %add3A_180 : vector<16xf32>
      %add3A_182 = arith.constant 0x4B400000 : f32
      %add3A_183 = vector.broadcast %add3A_182 : f32 to vector<16xf32>
      %add3A_184 = arith.addf %mul3A_130, %add3A_183 : vector<16xf32>
      %add3A_185 = arith.constant 0x4B400000 : f32
      %add3A_186 = vector.broadcast %add3A_185 : f32 to vector<16xf32>
      %add3A_187 = arith.addf %mul3A_134, %add3A_186 : vector<16xf32>
      %add3A_188 = arith.constant 0x4B400000 : f32
      %add3A_189 = vector.broadcast %add3A_188 : f32 to vector<16xf32>
      %add3A_190 = arith.addf %mul3A_138, %add3A_189 : vector<16xf32>
      %add3A_191 = arith.constant 0x4B400000 : f32
      %add3A_192 = vector.broadcast %add3A_191 : f32 to vector<16xf32>
      %add3A_193 = arith.addf %mul3A_142, %add3A_192 : vector<16xf32>
      %add3A_194 = arith.constant 0x4B400000 : f32
      %add3A_195 = vector.broadcast %add3A_194 : f32 to vector<16xf32>
      %add3A_196 = arith.addf %mul3A_146, %add3A_195 : vector<16xf32>
      %add3A_197 = arith.constant 0x4B400000 : f32
      %add3A_198 = vector.broadcast %add3A_197 : f32 to vector<16xf32>
      %add3A_199 = arith.addf %mul3A_150, %add3A_198 : vector<16xf32>
      %add3A_200 = arith.constant 0x4B400000 : f32
      %add3A_201 = vector.broadcast %add3A_200 : f32 to vector<16xf32>
      %add3A_202 = arith.addf %mul3A_154, %add3A_201 : vector<16xf32>
      %sub3A = arith.constant 0x4B400000 : f32
      %sub3A_203 = vector.broadcast %sub3A : f32 to vector<16xf32>
      %sub3A_204 = arith.subf %add3A_157, %sub3A_203 : vector<16xf32>
      %sub3A_205 = arith.constant 0x4B400000 : f32
      %sub3A_206 = vector.broadcast %sub3A_205 : f32 to vector<16xf32>
      %sub3A_207 = arith.subf %add3A_160, %sub3A_206 : vector<16xf32>
      %sub3A_208 = arith.constant 0x4B400000 : f32
      %sub3A_209 = vector.broadcast %sub3A_208 : f32 to vector<16xf32>
      %sub3A_210 = arith.subf %add3A_163, %sub3A_209 : vector<16xf32>
      %sub3A_211 = arith.constant 0x4B400000 : f32
      %sub3A_212 = vector.broadcast %sub3A_211 : f32 to vector<16xf32>
      %sub3A_213 = arith.subf %add3A_166, %sub3A_212 : vector<16xf32>
      %sub3A_214 = arith.constant 0x4B400000 : f32
      %sub3A_215 = vector.broadcast %sub3A_214 : f32 to vector<16xf32>
      %sub3A_216 = arith.subf %add3A_169, %sub3A_215 : vector<16xf32>
      %sub3A_217 = arith.constant 0x4B400000 : f32
      %sub3A_218 = vector.broadcast %sub3A_217 : f32 to vector<16xf32>
      %sub3A_219 = arith.subf %add3A_172, %sub3A_218 : vector<16xf32>
      %sub3A_220 = arith.constant 0x4B400000 : f32
      %sub3A_221 = vector.broadcast %sub3A_220 : f32 to vector<16xf32>
      %sub3A_222 = arith.subf %add3A_175, %sub3A_221 : vector<16xf32>
      %sub3A_223 = arith.constant 0x4B400000 : f32
      %sub3A_224 = vector.broadcast %sub3A_223 : f32 to vector<16xf32>
      %sub3A_225 = arith.subf %add3A_178, %sub3A_224 : vector<16xf32>
      %sub3A_226 = arith.constant 0x4B400000 : f32
      %sub3A_227 = vector.broadcast %sub3A_226 : f32 to vector<16xf32>
      %sub3A_228 = arith.subf %add3A_181, %sub3A_227 : vector<16xf32>
      %sub3A_229 = arith.constant 0x4B400000 : f32
      %sub3A_230 = vector.broadcast %sub3A_229 : f32 to vector<16xf32>
      %sub3A_231 = arith.subf %add3A_184, %sub3A_230 : vector<16xf32>
      %sub3A_232 = arith.constant 0x4B400000 : f32
      %sub3A_233 = vector.broadcast %sub3A_232 : f32 to vector<16xf32>
      %sub3A_234 = arith.subf %add3A_187, %sub3A_233 : vector<16xf32>
      %sub3A_235 = arith.constant 0x4B400000 : f32
      %sub3A_236 = vector.broadcast %sub3A_235 : f32 to vector<16xf32>
      %sub3A_237 = arith.subf %add3A_190, %sub3A_236 : vector<16xf32>
      %sub3A_238 = arith.constant 0x4B400000 : f32
      %sub3A_239 = vector.broadcast %sub3A_238 : f32 to vector<16xf32>
      %sub3A_240 = arith.subf %add3A_193, %sub3A_239 : vector<16xf32>
      %sub3A_241 = arith.constant 0x4B400000 : f32
      %sub3A_242 = vector.broadcast %sub3A_241 : f32 to vector<16xf32>
      %sub3A_243 = arith.subf %add3A_196, %sub3A_242 : vector<16xf32>
      %sub3A_244 = arith.constant 0x4B400000 : f32
      %sub3A_245 = vector.broadcast %sub3A_244 : f32 to vector<16xf32>
      %sub3A_246 = arith.subf %add3A_199, %sub3A_245 : vector<16xf32>
      %sub3A_247 = arith.constant 0x4B400000 : f32
      %sub3A_248 = vector.broadcast %sub3A_247 : f32 to vector<16xf32>
      %sub3A_249 = arith.subf %add3A_202, %sub3A_248 : vector<16xf32>
      %sub3A_250 = arith.subf %mul3A_94, %sub3A_204 : vector<16xf32>
      %sub3A_251 = arith.subf %mul3A_98, %sub3A_207 : vector<16xf32>
      %sub3A_252 = arith.subf %mul3A_102, %sub3A_210 : vector<16xf32>
      %sub3A_253 = arith.subf %mul3A_106, %sub3A_213 : vector<16xf32>
      %sub3A_254 = arith.subf %mul3A_110, %sub3A_216 : vector<16xf32>
      %sub3A_255 = arith.subf %mul3A_114, %sub3A_219 : vector<16xf32>
      %sub3A_256 = arith.subf %mul3A_118, %sub3A_222 : vector<16xf32>
      %sub3A_257 = arith.subf %mul3A_122, %sub3A_225 : vector<16xf32>
      %sub3A_258 = arith.subf %mul3A_126, %sub3A_228 : vector<16xf32>
      %sub3A_259 = arith.subf %mul3A_130, %sub3A_231 : vector<16xf32>
      %sub3A_260 = arith.subf %mul3A_134, %sub3A_234 : vector<16xf32>
      %sub3A_261 = arith.subf %mul3A_138, %sub3A_237 : vector<16xf32>
      %sub3A_262 = arith.subf %mul3A_142, %sub3A_240 : vector<16xf32>
      %sub3A_263 = arith.subf %mul3A_146, %sub3A_243 : vector<16xf32>
      %sub3A_264 = arith.subf %mul3A_150, %sub3A_246 : vector<16xf32>
      %sub3A_265 = arith.subf %mul3A_154, %sub3A_249 : vector<16xf32>
      %abs3A = math.absf %sub3A_250 : vector<16xf32>
      %abs3A_266 = math.absf %sub3A_251 : vector<16xf32>
      %abs3A_267 = math.absf %sub3A_252 : vector<16xf32>
      %abs3A_268 = math.absf %sub3A_253 : vector<16xf32>
      %abs3A_269 = math.absf %sub3A_254 : vector<16xf32>
      %abs3A_270 = math.absf %sub3A_255 : vector<16xf32>
      %abs3A_271 = math.absf %sub3A_256 : vector<16xf32>
      %abs3A_272 = math.absf %sub3A_257 : vector<16xf32>
      %abs3A_273 = math.absf %sub3A_258 : vector<16xf32>
      %abs3A_274 = math.absf %sub3A_259 : vector<16xf32>
      %abs3A_275 = math.absf %sub3A_260 : vector<16xf32>
      %abs3A_276 = math.absf %sub3A_261 : vector<16xf32>
      %abs3A_277 = math.absf %sub3A_262 : vector<16xf32>
      %abs3A_278 = math.absf %sub3A_263 : vector<16xf32>
      %abs3A_279 = math.absf %sub3A_264 : vector<16xf32>
      %abs3A_280 = math.absf %sub3A_265 : vector<16xf32>
      %sub3A_281 = arith.constant 5.000000e-01 : f32
      %sub3A_282 = vector.broadcast %sub3A_281 : f32 to vector<16xf32>
      %sub3A_283 = arith.subf %mul3A_94, %sub3A_282 : vector<16xf32>
      %sub3A_284 = arith.constant 5.000000e-01 : f32
      %sub3A_285 = vector.broadcast %sub3A_284 : f32 to vector<16xf32>
      %sub3A_286 = arith.subf %mul3A_98, %sub3A_285 : vector<16xf32>
      %sub3A_287 = arith.constant 5.000000e-01 : f32
      %sub3A_288 = vector.broadcast %sub3A_287 : f32 to vector<16xf32>
      %sub3A_289 = arith.subf %mul3A_102, %sub3A_288 : vector<16xf32>
      %sub3A_290 = arith.constant 5.000000e-01 : f32
      %sub3A_291 = vector.broadcast %sub3A_290 : f32 to vector<16xf32>
      %sub3A_292 = arith.subf %mul3A_106, %sub3A_291 : vector<16xf32>
      %sub3A_293 = arith.constant 5.000000e-01 : f32
      %sub3A_294 = vector.broadcast %sub3A_293 : f32 to vector<16xf32>
      %sub3A_295 = arith.subf %mul3A_110, %sub3A_294 : vector<16xf32>
      %sub3A_296 = arith.constant 5.000000e-01 : f32
      %sub3A_297 = vector.broadcast %sub3A_296 : f32 to vector<16xf32>
      %sub3A_298 = arith.subf %mul3A_114, %sub3A_297 : vector<16xf32>
      %sub3A_299 = arith.constant 5.000000e-01 : f32
      %sub3A_300 = vector.broadcast %sub3A_299 : f32 to vector<16xf32>
      %sub3A_301 = arith.subf %mul3A_118, %sub3A_300 : vector<16xf32>
      %sub3A_302 = arith.constant 5.000000e-01 : f32
      %sub3A_303 = vector.broadcast %sub3A_302 : f32 to vector<16xf32>
      %sub3A_304 = arith.subf %mul3A_122, %sub3A_303 : vector<16xf32>
      %sub3A_305 = arith.constant 5.000000e-01 : f32
      %sub3A_306 = vector.broadcast %sub3A_305 : f32 to vector<16xf32>
      %sub3A_307 = arith.subf %mul3A_126, %sub3A_306 : vector<16xf32>
      %sub3A_308 = arith.constant 5.000000e-01 : f32
      %sub3A_309 = vector.broadcast %sub3A_308 : f32 to vector<16xf32>
      %sub3A_310 = arith.subf %mul3A_130, %sub3A_309 : vector<16xf32>
      %sub3A_311 = arith.constant 5.000000e-01 : f32
      %sub3A_312 = vector.broadcast %sub3A_311 : f32 to vector<16xf32>
      %sub3A_313 = arith.subf %mul3A_134, %sub3A_312 : vector<16xf32>
      %sub3A_314 = arith.constant 5.000000e-01 : f32
      %sub3A_315 = vector.broadcast %sub3A_314 : f32 to vector<16xf32>
      %sub3A_316 = arith.subf %mul3A_138, %sub3A_315 : vector<16xf32>
      %sub3A_317 = arith.constant 5.000000e-01 : f32
      %sub3A_318 = vector.broadcast %sub3A_317 : f32 to vector<16xf32>
      %sub3A_319 = arith.subf %mul3A_142, %sub3A_318 : vector<16xf32>
      %sub3A_320 = arith.constant 5.000000e-01 : f32
      %sub3A_321 = vector.broadcast %sub3A_320 : f32 to vector<16xf32>
      %sub3A_322 = arith.subf %mul3A_146, %sub3A_321 : vector<16xf32>
      %sub3A_323 = arith.constant 5.000000e-01 : f32
      %sub3A_324 = vector.broadcast %sub3A_323 : f32 to vector<16xf32>
      %sub3A_325 = arith.subf %mul3A_150, %sub3A_324 : vector<16xf32>
      %sub3A_326 = arith.constant 5.000000e-01 : f32
      %sub3A_327 = vector.broadcast %sub3A_326 : f32 to vector<16xf32>
      %sub3A_328 = arith.subf %mul3A_154, %sub3A_327 : vector<16xf32>
      %add3A_329 = arith.constant 0x4B400000 : f32
      %add3A_330 = vector.broadcast %add3A_329 : f32 to vector<16xf32>
      %add3A_331 = arith.addf %sub3A_283, %add3A_330 : vector<16xf32>
      %add3A_332 = arith.constant 0x4B400000 : f32
      %add3A_333 = vector.broadcast %add3A_332 : f32 to vector<16xf32>
      %add3A_334 = arith.addf %sub3A_286, %add3A_333 : vector<16xf32>
      %add3A_335 = arith.constant 0x4B400000 : f32
      %add3A_336 = vector.broadcast %add3A_335 : f32 to vector<16xf32>
      %add3A_337 = arith.addf %sub3A_289, %add3A_336 : vector<16xf32>
      %add3A_338 = arith.constant 0x4B400000 : f32
      %add3A_339 = vector.broadcast %add3A_338 : f32 to vector<16xf32>
      %add3A_340 = arith.addf %sub3A_292, %add3A_339 : vector<16xf32>
      %add3A_341 = arith.constant 0x4B400000 : f32
      %add3A_342 = vector.broadcast %add3A_341 : f32 to vector<16xf32>
      %add3A_343 = arith.addf %sub3A_295, %add3A_342 : vector<16xf32>
      %add3A_344 = arith.constant 0x4B400000 : f32
      %add3A_345 = vector.broadcast %add3A_344 : f32 to vector<16xf32>
      %add3A_346 = arith.addf %sub3A_298, %add3A_345 : vector<16xf32>
      %add3A_347 = arith.constant 0x4B400000 : f32
      %add3A_348 = vector.broadcast %add3A_347 : f32 to vector<16xf32>
      %add3A_349 = arith.addf %sub3A_301, %add3A_348 : vector<16xf32>
      %add3A_350 = arith.constant 0x4B400000 : f32
      %add3A_351 = vector.broadcast %add3A_350 : f32 to vector<16xf32>
      %add3A_352 = arith.addf %sub3A_304, %add3A_351 : vector<16xf32>
      %add3A_353 = arith.constant 0x4B400000 : f32
      %add3A_354 = vector.broadcast %add3A_353 : f32 to vector<16xf32>
      %add3A_355 = arith.addf %sub3A_307, %add3A_354 : vector<16xf32>
      %add3A_356 = arith.constant 0x4B400000 : f32
      %add3A_357 = vector.broadcast %add3A_356 : f32 to vector<16xf32>
      %add3A_358 = arith.addf %sub3A_310, %add3A_357 : vector<16xf32>
      %add3A_359 = arith.constant 0x4B400000 : f32
      %add3A_360 = vector.broadcast %add3A_359 : f32 to vector<16xf32>
      %add3A_361 = arith.addf %sub3A_313, %add3A_360 : vector<16xf32>
      %add3A_362 = arith.constant 0x4B400000 : f32
      %add3A_363 = vector.broadcast %add3A_362 : f32 to vector<16xf32>
      %add3A_364 = arith.addf %sub3A_316, %add3A_363 : vector<16xf32>
      %add3A_365 = arith.constant 0x4B400000 : f32
      %add3A_366 = vector.broadcast %add3A_365 : f32 to vector<16xf32>
      %add3A_367 = arith.addf %sub3A_319, %add3A_366 : vector<16xf32>
      %add3A_368 = arith.constant 0x4B400000 : f32
      %add3A_369 = vector.broadcast %add3A_368 : f32 to vector<16xf32>
      %add3A_370 = arith.addf %sub3A_322, %add3A_369 : vector<16xf32>
      %add3A_371 = arith.constant 0x4B400000 : f32
      %add3A_372 = vector.broadcast %add3A_371 : f32 to vector<16xf32>
      %add3A_373 = arith.addf %sub3A_325, %add3A_372 : vector<16xf32>
      %add3A_374 = arith.constant 0x4B400000 : f32
      %add3A_375 = vector.broadcast %add3A_374 : f32 to vector<16xf32>
      %add3A_376 = arith.addf %sub3A_328, %add3A_375 : vector<16xf32>
      %sub3A_377 = arith.constant 0x4B400000 : f32
      %sub3A_378 = vector.broadcast %sub3A_377 : f32 to vector<16xf32>
      %sub3A_379 = arith.subf %add3A_331, %sub3A_378 : vector<16xf32>
      %sub3A_380 = arith.constant 0x4B400000 : f32
      %sub3A_381 = vector.broadcast %sub3A_380 : f32 to vector<16xf32>
      %sub3A_382 = arith.subf %add3A_334, %sub3A_381 : vector<16xf32>
      %sub3A_383 = arith.constant 0x4B400000 : f32
      %sub3A_384 = vector.broadcast %sub3A_383 : f32 to vector<16xf32>
      %sub3A_385 = arith.subf %add3A_337, %sub3A_384 : vector<16xf32>
      %sub3A_386 = arith.constant 0x4B400000 : f32
      %sub3A_387 = vector.broadcast %sub3A_386 : f32 to vector<16xf32>
      %sub3A_388 = arith.subf %add3A_340, %sub3A_387 : vector<16xf32>
      %sub3A_389 = arith.constant 0x4B400000 : f32
      %sub3A_390 = vector.broadcast %sub3A_389 : f32 to vector<16xf32>
      %sub3A_391 = arith.subf %add3A_343, %sub3A_390 : vector<16xf32>
      %sub3A_392 = arith.constant 0x4B400000 : f32
      %sub3A_393 = vector.broadcast %sub3A_392 : f32 to vector<16xf32>
      %sub3A_394 = arith.subf %add3A_346, %sub3A_393 : vector<16xf32>
      %sub3A_395 = arith.constant 0x4B400000 : f32
      %sub3A_396 = vector.broadcast %sub3A_395 : f32 to vector<16xf32>
      %sub3A_397 = arith.subf %add3A_349, %sub3A_396 : vector<16xf32>
      %sub3A_398 = arith.constant 0x4B400000 : f32
      %sub3A_399 = vector.broadcast %sub3A_398 : f32 to vector<16xf32>
      %sub3A_400 = arith.subf %add3A_352, %sub3A_399 : vector<16xf32>
      %sub3A_401 = arith.constant 0x4B400000 : f32
      %sub3A_402 = vector.broadcast %sub3A_401 : f32 to vector<16xf32>
      %sub3A_403 = arith.subf %add3A_355, %sub3A_402 : vector<16xf32>
      %sub3A_404 = arith.constant 0x4B400000 : f32
      %sub3A_405 = vector.broadcast %sub3A_404 : f32 to vector<16xf32>
      %sub3A_406 = arith.subf %add3A_358, %sub3A_405 : vector<16xf32>
      %sub3A_407 = arith.constant 0x4B400000 : f32
      %sub3A_408 = vector.broadcast %sub3A_407 : f32 to vector<16xf32>
      %sub3A_409 = arith.subf %add3A_361, %sub3A_408 : vector<16xf32>
      %sub3A_410 = arith.constant 0x4B400000 : f32
      %sub3A_411 = vector.broadcast %sub3A_410 : f32 to vector<16xf32>
      %sub3A_412 = arith.subf %add3A_364, %sub3A_411 : vector<16xf32>
      %sub3A_413 = arith.constant 0x4B400000 : f32
      %sub3A_414 = vector.broadcast %sub3A_413 : f32 to vector<16xf32>
      %sub3A_415 = arith.subf %add3A_367, %sub3A_414 : vector<16xf32>
      %sub3A_416 = arith.constant 0x4B400000 : f32
      %sub3A_417 = vector.broadcast %sub3A_416 : f32 to vector<16xf32>
      %sub3A_418 = arith.subf %add3A_370, %sub3A_417 : vector<16xf32>
      %sub3A_419 = arith.constant 0x4B400000 : f32
      %sub3A_420 = vector.broadcast %sub3A_419 : f32 to vector<16xf32>
      %sub3A_421 = arith.subf %add3A_373, %sub3A_420 : vector<16xf32>
      %sub3A_422 = arith.constant 0x4B400000 : f32
      %sub3A_423 = vector.broadcast %sub3A_422 : f32 to vector<16xf32>
      %sub3A_424 = arith.subf %add3A_376, %sub3A_423 : vector<16xf32>
      %sub3A_425 = arith.subf %sub3A_283, %sub3A_379 : vector<16xf32>
      %sub3A_426 = arith.subf %sub3A_286, %sub3A_382 : vector<16xf32>
      %sub3A_427 = arith.subf %sub3A_289, %sub3A_385 : vector<16xf32>
      %sub3A_428 = arith.subf %sub3A_292, %sub3A_388 : vector<16xf32>
      %sub3A_429 = arith.subf %sub3A_295, %sub3A_391 : vector<16xf32>
      %sub3A_430 = arith.subf %sub3A_298, %sub3A_394 : vector<16xf32>
      %sub3A_431 = arith.subf %sub3A_301, %sub3A_397 : vector<16xf32>
      %sub3A_432 = arith.subf %sub3A_304, %sub3A_400 : vector<16xf32>
      %sub3A_433 = arith.subf %sub3A_307, %sub3A_403 : vector<16xf32>
      %sub3A_434 = arith.subf %sub3A_310, %sub3A_406 : vector<16xf32>
      %sub3A_435 = arith.subf %sub3A_313, %sub3A_409 : vector<16xf32>
      %sub3A_436 = arith.subf %sub3A_316, %sub3A_412 : vector<16xf32>
      %sub3A_437 = arith.subf %sub3A_319, %sub3A_415 : vector<16xf32>
      %sub3A_438 = arith.subf %sub3A_322, %sub3A_418 : vector<16xf32>
      %sub3A_439 = arith.subf %sub3A_325, %sub3A_421 : vector<16xf32>
      %sub3A_440 = arith.subf %sub3A_328, %sub3A_424 : vector<16xf32>
      %abs3A_441 = math.absf %sub3A_425 : vector<16xf32>
      %abs3A_442 = math.absf %sub3A_426 : vector<16xf32>
      %abs3A_443 = math.absf %sub3A_427 : vector<16xf32>
      %abs3A_444 = math.absf %sub3A_428 : vector<16xf32>
      %abs3A_445 = math.absf %sub3A_429 : vector<16xf32>
      %abs3A_446 = math.absf %sub3A_430 : vector<16xf32>
      %abs3A_447 = math.absf %sub3A_431 : vector<16xf32>
      %abs3A_448 = math.absf %sub3A_432 : vector<16xf32>
      %abs3A_449 = math.absf %sub3A_433 : vector<16xf32>
      %abs3A_450 = math.absf %sub3A_434 : vector<16xf32>
      %abs3A_451 = math.absf %sub3A_435 : vector<16xf32>
      %abs3A_452 = math.absf %sub3A_436 : vector<16xf32>
      %abs3A_453 = math.absf %sub3A_437 : vector<16xf32>
      %abs3A_454 = math.absf %sub3A_438 : vector<16xf32>
      %abs3A_455 = math.absf %sub3A_439 : vector<16xf32>
      %abs3A_456 = math.absf %sub3A_440 : vector<16xf32>
      %mul3A_457 = arith.mulf %sub3A_250, %sub3A_250 : vector<16xf32>
      %mul3A_458 = arith.mulf %sub3A_251, %sub3A_251 : vector<16xf32>
      %mul3A_459 = arith.mulf %sub3A_252, %sub3A_252 : vector<16xf32>
      %mul3A_460 = arith.mulf %sub3A_253, %sub3A_253 : vector<16xf32>
      %mul3A_461 = arith.mulf %sub3A_254, %sub3A_254 : vector<16xf32>
      %mul3A_462 = arith.mulf %sub3A_255, %sub3A_255 : vector<16xf32>
      %mul3A_463 = arith.mulf %sub3A_256, %sub3A_256 : vector<16xf32>
      %mul3A_464 = arith.mulf %sub3A_257, %sub3A_257 : vector<16xf32>
      %mul3A_465 = arith.mulf %sub3A_258, %sub3A_258 : vector<16xf32>
      %mul3A_466 = arith.mulf %sub3A_259, %sub3A_259 : vector<16xf32>
      %mul3A_467 = arith.mulf %sub3A_260, %sub3A_260 : vector<16xf32>
      %mul3A_468 = arith.mulf %sub3A_261, %sub3A_261 : vector<16xf32>
      %mul3A_469 = arith.mulf %sub3A_262, %sub3A_262 : vector<16xf32>
      %mul3A_470 = arith.mulf %sub3A_263, %sub3A_263 : vector<16xf32>
      %mul3A_471 = arith.mulf %sub3A_264, %sub3A_264 : vector<16xf32>
      %mul3A_472 = arith.mulf %sub3A_265, %sub3A_265 : vector<16xf32>
      %mul3A_473 = arith.mulf %sub3A_425, %sub3A_425 : vector<16xf32>
      %mul3A_474 = arith.mulf %sub3A_426, %sub3A_426 : vector<16xf32>
      %mul3A_475 = arith.mulf %sub3A_427, %sub3A_427 : vector<16xf32>
      %mul3A_476 = arith.mulf %sub3A_428, %sub3A_428 : vector<16xf32>
      %mul3A_477 = arith.mulf %sub3A_429, %sub3A_429 : vector<16xf32>
      %mul3A_478 = arith.mulf %sub3A_430, %sub3A_430 : vector<16xf32>
      %mul3A_479 = arith.mulf %sub3A_431, %sub3A_431 : vector<16xf32>
      %mul3A_480 = arith.mulf %sub3A_432, %sub3A_432 : vector<16xf32>
      %mul3A_481 = arith.mulf %sub3A_433, %sub3A_433 : vector<16xf32>
      %mul3A_482 = arith.mulf %sub3A_434, %sub3A_434 : vector<16xf32>
      %mul3A_483 = arith.mulf %sub3A_435, %sub3A_435 : vector<16xf32>
      %mul3A_484 = arith.mulf %sub3A_436, %sub3A_436 : vector<16xf32>
      %mul3A_485 = arith.mulf %sub3A_437, %sub3A_437 : vector<16xf32>
      %mul3A_486 = arith.mulf %sub3A_438, %sub3A_438 : vector<16xf32>
      %mul3A_487 = arith.mulf %sub3A_439, %sub3A_439 : vector<16xf32>
      %mul3A_488 = arith.mulf %sub3A_440, %sub3A_440 : vector<16xf32>
      %sub3A_489 = arith.subf %mul3A_473, %mul3A_457 : vector<16xf32>
      %sub3A_490 = arith.subf %mul3A_474, %mul3A_458 : vector<16xf32>
      %sub3A_491 = arith.subf %mul3A_475, %mul3A_459 : vector<16xf32>
      %sub3A_492 = arith.subf %mul3A_476, %mul3A_460 : vector<16xf32>
      %sub3A_493 = arith.subf %mul3A_477, %mul3A_461 : vector<16xf32>
      %sub3A_494 = arith.subf %mul3A_478, %mul3A_462 : vector<16xf32>
      %sub3A_495 = arith.subf %mul3A_479, %mul3A_463 : vector<16xf32>
      %sub3A_496 = arith.subf %mul3A_480, %mul3A_464 : vector<16xf32>
      %sub3A_497 = arith.subf %mul3A_481, %mul3A_465 : vector<16xf32>
      %sub3A_498 = arith.subf %mul3A_482, %mul3A_466 : vector<16xf32>
      %sub3A_499 = arith.subf %mul3A_483, %mul3A_467 : vector<16xf32>
      %sub3A_500 = arith.subf %mul3A_484, %mul3A_468 : vector<16xf32>
      %sub3A_501 = arith.subf %mul3A_485, %mul3A_469 : vector<16xf32>
      %sub3A_502 = arith.subf %mul3A_486, %mul3A_470 : vector<16xf32>
      %sub3A_503 = arith.subf %mul3A_487, %mul3A_471 : vector<16xf32>
      %sub3A_504 = arith.subf %mul3A_488, %mul3A_472 : vector<16xf32>
      %bitcast_convert_type3A = tpu.bitcast %add3A_157 : vector<16xf32> -> vector<16xi32>
      %and3A = arith.constant 1 : i32
      %and3A_505 = vector.broadcast %and3A : i32 to vector<16xi32>
      %and3A_506 = arith.andi %bitcast_convert_type3A, %and3A_505 : vector<16xi32>
      %bitcast_convert_type3A_507 = tpu.bitcast %add3A_160 : vector<16xf32> -> vector<16xi32>
      %and3A_508 = arith.constant 1 : i32
      %and3A_509 = vector.broadcast %and3A_508 : i32 to vector<16xi32>
      %and3A_510 = arith.andi %bitcast_convert_type3A_507, %and3A_509 : vector<16xi32>
      %bitcast_convert_type3A_511 = tpu.bitcast %add3A_163 : vector<16xf32> -> vector<16xi32>
      %and3A_512 = arith.constant 1 : i32
      %and3A_513 = vector.broadcast %and3A_512 : i32 to vector<16xi32>
      %and3A_514 = arith.andi %bitcast_convert_type3A_511, %and3A_513 : vector<16xi32>
      %bitcast_convert_type3A_515 = tpu.bitcast %add3A_166 : vector<16xf32> -> vector<16xi32>
      %and3A_516 = arith.constant 1 : i32
      %and3A_517 = vector.broadcast %and3A_516 : i32 to vector<16xi32>
      %and3A_518 = arith.andi %bitcast_convert_type3A_515, %and3A_517 : vector<16xi32>
      %bitcast_convert_type3A_519 = tpu.bitcast %add3A_169 : vector<16xf32> -> vector<16xi32>
      %and3A_520 = arith.constant 1 : i32
      %and3A_521 = vector.broadcast %and3A_520 : i32 to vector<16xi32>
      %and3A_522 = arith.andi %bitcast_convert_type3A_519, %and3A_521 : vector<16xi32>
      %bitcast_convert_type3A_523 = tpu.bitcast %add3A_172 : vector<16xf32> -> vector<16xi32>
      %and3A_524 = arith.constant 1 : i32
      %and3A_525 = vector.broadcast %and3A_524 : i32 to vector<16xi32>
      %and3A_526 = arith.andi %bitcast_convert_type3A_523, %and3A_525 : vector<16xi32>
      %bitcast_convert_type3A_527 = tpu.bitcast %add3A_175 : vector<16xf32> -> vector<16xi32>
      %and3A_528 = arith.constant 1 : i32
      %and3A_529 = vector.broadcast %and3A_528 : i32 to vector<16xi32>
      %and3A_530 = arith.andi %bitcast_convert_type3A_527, %and3A_529 : vector<16xi32>
      %bitcast_convert_type3A_531 = tpu.bitcast %add3A_178 : vector<16xf32> -> vector<16xi32>
      %and3A_532 = arith.constant 1 : i32
      %and3A_533 = vector.broadcast %and3A_532 : i32 to vector<16xi32>
      %and3A_534 = arith.andi %bitcast_convert_type3A_531, %and3A_533 : vector<16xi32>
      %bitcast_convert_type3A_535 = tpu.bitcast %add3A_181 : vector<16xf32> -> vector<16xi32>
      %and3A_536 = arith.constant 1 : i32
      %and3A_537 = vector.broadcast %and3A_536 : i32 to vector<16xi32>
      %and3A_538 = arith.andi %bitcast_convert_type3A_535, %and3A_537 : vector<16xi32>
      %bitcast_convert_type3A_539 = tpu.bitcast %add3A_184 : vector<16xf32> -> vector<16xi32>
      %and3A_540 = arith.constant 1 : i32
      %and3A_541 = vector.broadcast %and3A_540 : i32 to vector<16xi32>
      %and3A_542 = arith.andi %bitcast_convert_type3A_539, %and3A_541 : vector<16xi32>
      %bitcast_convert_type3A_543 = tpu.bitcast %add3A_187 : vector<16xf32> -> vector<16xi32>
      %and3A_544 = arith.constant 1 : i32
      %and3A_545 = vector.broadcast %and3A_544 : i32 to vector<16xi32>
      %and3A_546 = arith.andi %bitcast_convert_type3A_543, %and3A_545 : vector<16xi32>
      %bitcast_convert_type3A_547 = tpu.bitcast %add3A_190 : vector<16xf32> -> vector<16xi32>
      %and3A_548 = arith.constant 1 : i32
      %and3A_549 = vector.broadcast %and3A_548 : i32 to vector<16xi32>
      %and3A_550 = arith.andi %bitcast_convert_type3A_547, %and3A_549 : vector<16xi32>
      %bitcast_convert_type3A_551 = tpu.bitcast %add3A_193 : vector<16xf32> -> vector<16xi32>
      %and3A_552 = arith.constant 1 : i32
      %and3A_553 = vector.broadcast %and3A_552 : i32 to vector<16xi32>
      %and3A_554 = arith.andi %bitcast_convert_type3A_551, %and3A_553 : vector<16xi32>
      %bitcast_convert_type3A_555 = tpu.bitcast %add3A_196 : vector<16xf32> -> vector<16xi32>
      %and3A_556 = arith.constant 1 : i32
      %and3A_557 = vector.broadcast %and3A_556 : i32 to vector<16xi32>
      %and3A_558 = arith.andi %bitcast_convert_type3A_555, %and3A_557 : vector<16xi32>
      %bitcast_convert_type3A_559 = tpu.bitcast %add3A_199 : vector<16xf32> -> vector<16xi32>
      %and3A_560 = arith.constant 1 : i32
      %and3A_561 = vector.broadcast %and3A_560 : i32 to vector<16xi32>
      %and3A_562 = arith.andi %bitcast_convert_type3A_559, %and3A_561 : vector<16xi32>
      %bitcast_convert_type3A_563 = tpu.bitcast %add3A_202 : vector<16xf32> -> vector<16xi32>
      %and3A_564 = arith.constant 1 : i32
      %and3A_565 = vector.broadcast %and3A_564 : i32 to vector<16xi32>
      %and3A_566 = arith.andi %bitcast_convert_type3A_563, %and3A_565 : vector<16xi32>
      %bitcast_convert_type3A_567 = tpu.bitcast %add3A_331 : vector<16xf32> -> vector<16xi32>
      %and3A_568 = arith.constant 1 : i32
      %and3A_569 = vector.broadcast %and3A_568 : i32 to vector<16xi32>
      %and3A_570 = arith.andi %bitcast_convert_type3A_567, %and3A_569 : vector<16xi32>
      %bitcast_convert_type3A_571 = tpu.bitcast %add3A_334 : vector<16xf32> -> vector<16xi32>
      %and3A_572 = arith.constant 1 : i32
      %and3A_573 = vector.broadcast %and3A_572 : i32 to vector<16xi32>
      %and3A_574 = arith.andi %bitcast_convert_type3A_571, %and3A_573 : vector<16xi32>
      %bitcast_convert_type3A_575 = tpu.bitcast %add3A_337 : vector<16xf32> -> vector<16xi32>
      %and3A_576 = arith.constant 1 : i32
      %and3A_577 = vector.broadcast %and3A_576 : i32 to vector<16xi32>
      %and3A_578 = arith.andi %bitcast_convert_type3A_575, %and3A_577 : vector<16xi32>
      %bitcast_convert_type3A_579 = tpu.bitcast %add3A_340 : vector<16xf32> -> vector<16xi32>
      %and3A_580 = arith.constant 1 : i32
      %and3A_581 = vector.broadcast %and3A_580 : i32 to vector<16xi32>
      %and3A_582 = arith.andi %bitcast_convert_type3A_579, %and3A_581 : vector<16xi32>
      %bitcast_convert_type3A_583 = tpu.bitcast %add3A_343 : vector<16xf32> -> vector<16xi32>
      %and3A_584 = arith.constant 1 : i32
      %and3A_585 = vector.broadcast %and3A_584 : i32 to vector<16xi32>
      %and3A_586 = arith.andi %bitcast_convert_type3A_583, %and3A_585 : vector<16xi32>
      %bitcast_convert_type3A_587 = tpu.bitcast %add3A_346 : vector<16xf32> -> vector<16xi32>
      %and3A_588 = arith.constant 1 : i32
      %and3A_589 = vector.broadcast %and3A_588 : i32 to vector<16xi32>
      %and3A_590 = arith.andi %bitcast_convert_type3A_587, %and3A_589 : vector<16xi32>
      %bitcast_convert_type3A_591 = tpu.bitcast %add3A_349 : vector<16xf32> -> vector<16xi32>
      %and3A_592 = arith.constant 1 : i32
      %and3A_593 = vector.broadcast %and3A_592 : i32 to vector<16xi32>
      %and3A_594 = arith.andi %bitcast_convert_type3A_591, %and3A_593 : vector<16xi32>
      %bitcast_convert_type3A_595 = tpu.bitcast %add3A_352 : vector<16xf32> -> vector<16xi32>
      %and3A_596 = arith.constant 1 : i32
      %and3A_597 = vector.broadcast %and3A_596 : i32 to vector<16xi32>
      %and3A_598 = arith.andi %bitcast_convert_type3A_595, %and3A_597 : vector<16xi32>
      %bitcast_convert_type3A_599 = tpu.bitcast %add3A_355 : vector<16xf32> -> vector<16xi32>
      %and3A_600 = arith.constant 1 : i32
      %and3A_601 = vector.broadcast %and3A_600 : i32 to vector<16xi32>
      %and3A_602 = arith.andi %bitcast_convert_type3A_599, %and3A_601 : vector<16xi32>
      %bitcast_convert_type3A_603 = tpu.bitcast %add3A_358 : vector<16xf32> -> vector<16xi32>
      %and3A_604 = arith.constant 1 : i32
      %and3A_605 = vector.broadcast %and3A_604 : i32 to vector<16xi32>
      %and3A_606 = arith.andi %bitcast_convert_type3A_603, %and3A_605 : vector<16xi32>
      %bitcast_convert_type3A_607 = tpu.bitcast %add3A_361 : vector<16xf32> -> vector<16xi32>
      %and3A_608 = arith.constant 1 : i32
      %and3A_609 = vector.broadcast %and3A_608 : i32 to vector<16xi32>
      %and3A_610 = arith.andi %bitcast_convert_type3A_607, %and3A_609 : vector<16xi32>
      %bitcast_convert_type3A_611 = tpu.bitcast %add3A_364 : vector<16xf32> -> vector<16xi32>
      %and3A_612 = arith.constant 1 : i32
      %and3A_613 = vector.broadcast %and3A_612 : i32 to vector<16xi32>
      %and3A_614 = arith.andi %bitcast_convert_type3A_611, %and3A_613 : vector<16xi32>
      %bitcast_convert_type3A_615 = tpu.bitcast %add3A_367 : vector<16xf32> -> vector<16xi32>
      %and3A_616 = arith.constant 1 : i32
      %and3A_617 = vector.broadcast %and3A_616 : i32 to vector<16xi32>
      %and3A_618 = arith.andi %bitcast_convert_type3A_615, %and3A_617 : vector<16xi32>
      %bitcast_convert_type3A_619 = tpu.bitcast %add3A_370 : vector<16xf32> -> vector<16xi32>
      %and3A_620 = arith.constant 1 : i32
      %and3A_621 = vector.broadcast %and3A_620 : i32 to vector<16xi32>
      %and3A_622 = arith.andi %bitcast_convert_type3A_619, %and3A_621 : vector<16xi32>
      %bitcast_convert_type3A_623 = tpu.bitcast %add3A_373 : vector<16xf32> -> vector<16xi32>
      %and3A_624 = arith.constant 1 : i32
      %and3A_625 = vector.broadcast %and3A_624 : i32 to vector<16xi32>
      %and3A_626 = arith.andi %bitcast_convert_type3A_623, %and3A_625 : vector<16xi32>
      %bitcast_convert_type3A_627 = tpu.bitcast %add3A_376 : vector<16xf32> -> vector<16xi32>
      %and3A_628 = arith.constant 1 : i32
      %and3A_629 = vector.broadcast %and3A_628 : i32 to vector<16xi32>
      %and3A_630 = arith.andi %bitcast_convert_type3A_627, %and3A_629 : vector<16xi32>
      %xor3A = arith.xori %and3A_506, %and3A_570 : vector<16xi32>
      %xor3A_631 = arith.xori %and3A_510, %and3A_574 : vector<16xi32>
      %xor3A_632 = arith.xori %and3A_514, %and3A_578 : vector<16xi32>
      %xor3A_633 = arith.xori %and3A_518, %and3A_582 : vector<16xi32>
      %xor3A_634 = arith.xori %and3A_522, %and3A_586 : vector<16xi32>
      %xor3A_635 = arith.xori %and3A_526, %and3A_590 : vector<16xi32>
      %xor3A_636 = arith.xori %and3A_530, %and3A_594 : vector<16xi32>
      %xor3A_637 = arith.xori %and3A_534, %and3A_598 : vector<16xi32>
      %xor3A_638 = arith.xori %and3A_538, %and3A_602 : vector<16xi32>
      %xor3A_639 = arith.xori %and3A_542, %and3A_606 : vector<16xi32>
      %xor3A_640 = arith.xori %and3A_546, %and3A_610 : vector<16xi32>
      %xor3A_641 = arith.xori %and3A_550, %and3A_614 : vector<16xi32>
      %xor3A_642 = arith.xori %and3A_554, %and3A_618 : vector<16xi32>
      %xor3A_643 = arith.xori %and3A_558, %and3A_622 : vector<16xi32>
      %xor3A_644 = arith.xori %and3A_562, %and3A_626 : vector<16xi32>
      %xor3A_645 = arith.xori %and3A_566, %and3A_630 : vector<16xi32>
      %add3A_646 = arith.addf %mul3A_457, %mul3A_458 : vector<16xf32>
      %add3A_647 = arith.addf %mul3A_459, %mul3A_460 : vector<16xf32>
      %add3A_648 = arith.addf %add3A_646, %add3A_647 : vector<16xf32>
      %add3A_649 = arith.addf %mul3A_461, %mul3A_462 : vector<16xf32>
      %add3A_650 = arith.addf %mul3A_463, %mul3A_464 : vector<16xf32>
      %add3A_651 = arith.addf %add3A_649, %add3A_650 : vector<16xf32>
      %add3A_652 = arith.addf %add3A_648, %add3A_651 : vector<16xf32>
      %add3A_653 = arith.addf %mul3A_465, %mul3A_466 : vector<16xf32>
      %add3A_654 = arith.addf %mul3A_467, %mul3A_468 : vector<16xf32>
      %add3A_655 = arith.addf %add3A_653, %add3A_654 : vector<16xf32>
      %add3A_656 = arith.addf %mul3A_469, %mul3A_470 : vector<16xf32>
      %add3A_657 = arith.addf %mul3A_471, %mul3A_472 : vector<16xf32>
      %add3A_658 = arith.addf %add3A_656, %add3A_657 : vector<16xf32>
      %add3A_659 = arith.addf %add3A_655, %add3A_658 : vector<16xf32>
      %add3A_660 = arith.addf %add3A_652, %add3A_659 : vector<16xf32>
      %xor3A_661 = arith.xori %and3A_506, %and3A_510 : vector<16xi32>
      %xor3A_662 = arith.xori %and3A_514, %and3A_518 : vector<16xi32>
      %xor3A_663 = arith.xori %xor3A_661, %xor3A_662 : vector<16xi32>
      %xor3A_664 = arith.xori %and3A_522, %and3A_526 : vector<16xi32>
      %xor3A_665 = arith.xori %and3A_530, %and3A_534 : vector<16xi32>
      %xor3A_666 = arith.xori %xor3A_664, %xor3A_665 : vector<16xi32>
      %xor3A_667 = arith.xori %xor3A_663, %xor3A_666 : vector<16xi32>
      %xor3A_668 = arith.xori %and3A_538, %and3A_542 : vector<16xi32>
      %xor3A_669 = arith.xori %and3A_546, %and3A_550 : vector<16xi32>
      %xor3A_670 = arith.xori %xor3A_668, %xor3A_669 : vector<16xi32>
      %xor3A_671 = arith.xori %and3A_554, %and3A_558 : vector<16xi32>
      %xor3A_672 = arith.xori %and3A_562, %and3A_566 : vector<16xi32>
      %xor3A_673 = arith.xori %xor3A_671, %xor3A_672 : vector<16xi32>
      %xor3A_674 = arith.xori %xor3A_670, %xor3A_673 : vector<16xi32>
      %xor3A_675 = arith.xori %xor3A_667, %xor3A_674 : vector<16xi32>
      %xor3A_676 = arith.xori %xor3A, %xor3A_631 : vector<16xi32>
      %xor3A_677 = arith.xori %xor3A_676, %xor3A_632 : vector<16xi32>
      %xor3A_678 = arith.xori %xor3A_677, %xor3A_633 : vector<16xi32>
      %xor3A_679 = arith.xori %xor3A_678, %xor3A_635 : vector<16xi32>
      %xor3A_680 = arith.xori %xor3A_679, %xor3A_637 : vector<16xi32>
      %xor3A_681 = arith.xori %xor3A_680, %xor3A_638 : vector<16xi32>
      %xor3A_682 = arith.xori %xor3A_681, %xor3A_641 : vector<16xi32>
      %xor3A_683 = arith.xori %xor3A_631, %xor3A_632 : vector<16xi32>
      %xor3A_684 = arith.xori %xor3A_683, %xor3A_633 : vector<16xi32>
      %xor3A_685 = arith.xori %xor3A_684, %xor3A_634 : vector<16xi32>
      %xor3A_686 = arith.xori %xor3A_685, %xor3A_636 : vector<16xi32>
      %xor3A_687 = arith.xori %xor3A_686, %xor3A_638 : vector<16xi32>
      %xor3A_688 = arith.xori %xor3A_687, %xor3A_639 : vector<16xi32>
      %xor3A_689 = arith.xori %xor3A_688, %xor3A_642 : vector<16xi32>
      %xor3A_690 = arith.xori %xor3A_632, %xor3A_633 : vector<16xi32>
      %xor3A_691 = arith.xori %xor3A_690, %xor3A_634 : vector<16xi32>
      %xor3A_692 = arith.xori %xor3A_691, %xor3A_635 : vector<16xi32>
      %xor3A_693 = arith.xori %xor3A_692, %xor3A_637 : vector<16xi32>
      %xor3A_694 = arith.xori %xor3A_693, %xor3A_639 : vector<16xi32>
      %xor3A_695 = arith.xori %xor3A_694, %xor3A_640 : vector<16xi32>
      %xor3A_696 = arith.xori %xor3A_695, %xor3A_643 : vector<16xi32>
      %xor3A_697 = arith.xori %xor3A_633, %xor3A_634 : vector<16xi32>
      %xor3A_698 = arith.xori %xor3A_697, %xor3A_635 : vector<16xi32>
      %xor3A_699 = arith.xori %xor3A_698, %xor3A_636 : vector<16xi32>
      %xor3A_700 = arith.xori %xor3A_699, %xor3A_638 : vector<16xi32>
      %xor3A_701 = arith.xori %xor3A_700, %xor3A_640 : vector<16xi32>
      %xor3A_702 = arith.xori %xor3A_701, %xor3A_641 : vector<16xi32>
      %xor3A_703 = arith.xori %xor3A_702, %xor3A_644 : vector<16xi32>
      %xor3A_704 = arith.xori %xor3A, %xor3A_631 : vector<16xi32>
      %xor3A_705 = arith.xori %xor3A_704, %xor3A_632 : vector<16xi32>
      %xor3A_706 = arith.xori %xor3A_705, %xor3A_633 : vector<16xi32>
      %xor3A_707 = arith.xori %xor3A_706, %xor3A_634 : vector<16xi32>
      %xor3A_708 = arith.xori %xor3A_707, %xor3A_635 : vector<16xi32>
      %xor3A_709 = arith.xori %xor3A_708, %xor3A_636 : vector<16xi32>
      %xor3A_710 = arith.xori %xor3A_709, %xor3A_637 : vector<16xi32>
      %xor3A_711 = arith.xori %xor3A_710, %xor3A_638 : vector<16xi32>
      %xor3A_712 = arith.xori %xor3A_711, %xor3A_639 : vector<16xi32>
      %xor3A_713 = arith.xori %xor3A_712, %xor3A_640 : vector<16xi32>
      %xor3A_714 = arith.xori %xor3A_713, %xor3A_641 : vector<16xi32>
      %xor3A_715 = arith.xori %xor3A_714, %xor3A_642 : vector<16xi32>
      %xor3A_716 = arith.xori %xor3A_715, %xor3A_643 : vector<16xi32>
      %xor3A_717 = arith.xori %xor3A_716, %xor3A_644 : vector<16xi32>
      %xor3A_718 = arith.xori %xor3A_717, %xor3A_645 : vector<16xi32>
      %max3A = arith.maximumf %abs3A_280, %abs3A_279 : vector<16xf32>
      %max3A_719 = arith.maximumf %abs3A_278, %abs3A_275 : vector<16xf32>
      %max3A_720 = arith.maximumf %max3A, %max3A_719 : vector<16xf32>
      %max3A_721 = arith.maximumf %abs3A_277, %abs3A_271 : vector<16xf32>
      %max3A_722 = arith.maximumf %abs3A_274, %abs3A_269 : vector<16xf32>
      %max3A_723 = arith.maximumf %max3A_721, %max3A_722 : vector<16xf32>
      %max3A_724 = arith.maximumf %max3A_720, %max3A_723 : vector<16xf32>
      %max3A_725 = arith.maximumf %abs3A, %abs3A_276 : vector<16xf32>
      %max3A_726 = arith.maximumf %abs3A_272, %abs3A_270 : vector<16xf32>
      %max3A_727 = arith.maximumf %max3A_725, %max3A_726 : vector<16xf32>
      %max3A_728 = arith.maximumf %abs3A_266, %abs3A_273 : vector<16xf32>
      %max3A_729 = arith.maximumf %abs3A_267, %abs3A_268 : vector<16xf32>
      %max3A_730 = arith.maximumf %max3A_728, %max3A_729 : vector<16xf32>
      %max3A_731 = arith.maximumf %max3A_727, %max3A_730 : vector<16xf32>
      %max3A_732 = arith.maximumf %max3A_724, %max3A_731 : vector<16xf32>
      %gt3A = arith.constant 0.000000e+00 : f32
      %gt3A_733 = vector.broadcast %gt3A : f32 to vector<16xf32>
      %gt3A_734 = arith.cmpf ogt, %max3A_732, %gt3A_733 : vector<16xf32>
      %mul3A_735 = arith.constant 2.000000e+00 : f32
      %mul3A_736 = vector.broadcast %mul3A_735 : f32 to vector<16xf32>
      %mul3A_737 = arith.mulf %mul3A_736, %max3A_732 : vector<16xf32>
      %sub3A_738 = arith.constant 1.000000e+00 : f32
      %sub3A_739 = vector.broadcast %sub3A_738 : f32 to vector<16xf32>
      %sub3A_740 = arith.subf %sub3A_739, %mul3A_737 : vector<16xf32>
      %jit3A = arith.constant 0.000000e+00 : f32
      %broadcast_in_dim3A = vector.broadcast %jit3A : f32 to vector<16xf32>
      %select_n3A = arith.select %gt3A_734, %sub3A_740, %broadcast_in_dim3A : vector<16xi1>, vector<16xf32>
      %eq3A = arith.constant 1 : i32
      %eq3A_741 = vector.broadcast %eq3A : i32 to vector<16xi32>
      %eq3A_742 = arith.cmpi eq, %xor3A_675, %eq3A_741 : vector<16xi32>
      %jit3A_743 = arith.constant 0.000000e+00 : f32
      %broadcast_in_dim3A_744 = vector.broadcast %jit3A_743 : f32 to vector<16xf32>
      %select_n3A_745 = arith.select %eq3A_742, %select_n3A, %broadcast_in_dim3A_744 : vector<16xi1>, vector<16xf32>
      %add3A_746 = arith.addf %add3A_660, %select_n3A_745 : vector<16xf32>
      %broadcast_in_dim3A_747 = arith.constant 0 : i32
      %broadcast_in_dim3A_748 = vector.broadcast %broadcast_in_dim3A_747 : i32 to vector<16xi32>
      %add3A_749 = arith.addf %sub3A_504, %sub3A_503 : vector<16xf32>
      %add3A_750 = arith.addf %sub3A_502, %sub3A_499 : vector<16xf32>
      %add3A_751 = arith.addf %add3A_749, %add3A_750 : vector<16xf32>
      %add3A_752 = arith.addf %sub3A_501, %sub3A_495 : vector<16xf32>
      %add3A_753 = arith.addf %sub3A_498, %sub3A_493 : vector<16xf32>
      %add3A_754 = arith.addf %add3A_752, %add3A_753 : vector<16xf32>
      %add3A_755 = arith.addf %add3A_751, %add3A_754 : vector<16xf32>
      %add3A_756 = arith.addf %sub3A_489, %sub3A_500 : vector<16xf32>
      %add3A_757 = arith.addf %sub3A_496, %sub3A_494 : vector<16xf32>
      %add3A_758 = arith.addf %add3A_756, %add3A_757 : vector<16xf32>
      %add3A_759 = arith.addf %sub3A_490, %sub3A_497 : vector<16xf32>
      %add3A_760 = arith.addf %sub3A_491, %sub3A_492 : vector<16xf32>
      %add3A_761 = arith.addf %add3A_759, %add3A_760 : vector<16xf32>
      %add3A_762 = arith.addf %add3A_758, %add3A_761 : vector<16xf32>
      %add3A_763 = arith.addf %add3A_755, %add3A_762 : vector<16xf32>
      %add3A_764 = arith.addf %add3A_660, %add3A_763 : vector<16xf32>
      %max3A_765 = arith.maximumf %abs3A_456, %abs3A_455 : vector<16xf32>
      %max3A_766 = arith.maximumf %abs3A_454, %abs3A_451 : vector<16xf32>
      %max3A_767 = arith.maximumf %max3A_765, %max3A_766 : vector<16xf32>
      %max3A_768 = arith.maximumf %abs3A_453, %abs3A_447 : vector<16xf32>
      %max3A_769 = arith.maximumf %abs3A_450, %abs3A_445 : vector<16xf32>
      %max3A_770 = arith.maximumf %max3A_768, %max3A_769 : vector<16xf32>
      %max3A_771 = arith.maximumf %max3A_767, %max3A_770 : vector<16xf32>
      %max3A_772 = arith.maximumf %abs3A_441, %abs3A_452 : vector<16xf32>
      %max3A_773 = arith.maximumf %abs3A_448, %abs3A_446 : vector<16xf32>
      %max3A_774 = arith.maximumf %max3A_772, %max3A_773 : vector<16xf32>
      %max3A_775 = arith.maximumf %abs3A_442, %abs3A_449 : vector<16xf32>
      %max3A_776 = arith.maximumf %abs3A_443, %abs3A_444 : vector<16xf32>
      %max3A_777 = arith.maximumf %max3A_775, %max3A_776 : vector<16xf32>
      %max3A_778 = arith.maximumf %max3A_774, %max3A_777 : vector<16xf32>
      %max3A_779 = arith.maximumf %max3A_771, %max3A_778 : vector<16xf32>
      %gt3A_780 = arith.constant 0.000000e+00 : f32
      %gt3A_781 = vector.broadcast %gt3A_780 : f32 to vector<16xf32>
      %gt3A_782 = arith.cmpf ogt, %max3A_779, %gt3A_781 : vector<16xf32>
      %mul3A_783 = arith.constant 2.000000e+00 : f32
      %mul3A_784 = vector.broadcast %mul3A_783 : f32 to vector<16xf32>
      %mul3A_785 = arith.mulf %mul3A_784, %max3A_779 : vector<16xf32>
      %sub3A_786 = arith.constant 1.000000e+00 : f32
      %sub3A_787 = vector.broadcast %sub3A_786 : f32 to vector<16xf32>
      %sub3A_788 = arith.subf %sub3A_787, %mul3A_785 : vector<16xf32>
      %jit3A_789 = arith.constant 0.000000e+00 : f32
      %broadcast_in_dim3A_790 = vector.broadcast %jit3A_789 : f32 to vector<16xf32>
      %select_n3A_791 = arith.select %gt3A_782, %sub3A_788, %broadcast_in_dim3A_790 : vector<16xi1>, vector<16xf32>
      %xor3A_792 = arith.xori %xor3A_675, %xor3A_718 : vector<16xi32>
      %eq3A_793 = arith.constant 1 : i32
      %eq3A_794 = vector.broadcast %eq3A_793 : i32 to vector<16xi32>
      %eq3A_795 = arith.cmpi eq, %xor3A_792, %eq3A_794 : vector<16xi32>
      %jit3A_796 = arith.constant 0.000000e+00 : f32
      %broadcast_in_dim3A_797 = vector.broadcast %jit3A_796 : f32 to vector<16xf32>
      %select_n3A_798 = arith.select %eq3A_795, %select_n3A_791, %broadcast_in_dim3A_797 : vector<16xi1>, vector<16xf32>
      %add3A_799 = arith.addf %add3A_764, %select_n3A_798 : vector<16xf32>
      %broadcast_in_dim3A_800 = arith.constant 65535 : i32
      %broadcast_in_dim3A_801 = vector.broadcast %broadcast_in_dim3A_800 : i32 to vector<16xi32>
      %add3A_802 = arith.addf %sub3A_503, %sub3A_499 : vector<16xf32>
      %add3A_803 = arith.addf %sub3A_495, %sub3A_493 : vector<16xf32>
      %add3A_804 = arith.addf %add3A_802, %add3A_803 : vector<16xf32>
      %add3A_805 = arith.addf %sub3A_500, %sub3A_494 : vector<16xf32>
      %add3A_806 = arith.addf %sub3A_497, %sub3A_492 : vector<16xf32>
      %add3A_807 = arith.addf %add3A_805, %add3A_806 : vector<16xf32>
      %add3A_808 = arith.addf %add3A_804, %add3A_807 : vector<16xf32>
      %add3A_809 = arith.addf %add3A_660, %add3A_808 : vector<16xf32>
      %max3A_810 = arith.maximumf %abs3A_280, %abs3A_455 : vector<16xf32>
      %max3A_811 = arith.maximumf %abs3A_278, %abs3A_451 : vector<16xf32>
      %max3A_812 = arith.maximumf %max3A_810, %max3A_811 : vector<16xf32>
      %max3A_813 = arith.maximumf %abs3A_277, %abs3A_447 : vector<16xf32>
      %max3A_814 = arith.maximumf %abs3A_274, %abs3A_445 : vector<16xf32>
      %max3A_815 = arith.maximumf %max3A_813, %max3A_814 : vector<16xf32>
      %max3A_816 = arith.maximumf %max3A_812, %max3A_815 : vector<16xf32>
      %max3A_817 = arith.maximumf %abs3A, %abs3A_452 : vector<16xf32>
      %max3A_818 = arith.maximumf %abs3A_272, %abs3A_446 : vector<16xf32>
      %max3A_819 = arith.maximumf %max3A_817, %max3A_818 : vector<16xf32>
      %max3A_820 = arith.maximumf %abs3A_266, %abs3A_449 : vector<16xf32>
      %max3A_821 = arith.maximumf %abs3A_267, %abs3A_444 : vector<16xf32>
      %max3A_822 = arith.maximumf %max3A_820, %max3A_821 : vector<16xf32>
      %max3A_823 = arith.maximumf %max3A_819, %max3A_822 : vector<16xf32>
      %max3A_824 = arith.maximumf %max3A_816, %max3A_823 : vector<16xf32>
      %gt3A_825 = arith.constant 0.000000e+00 : f32
      %gt3A_826 = vector.broadcast %gt3A_825 : f32 to vector<16xf32>
      %gt3A_827 = arith.cmpf ogt, %max3A_824, %gt3A_826 : vector<16xf32>
      %mul3A_828 = arith.constant 2.000000e+00 : f32
      %mul3A_829 = vector.broadcast %mul3A_828 : f32 to vector<16xf32>
      %mul3A_830 = arith.mulf %mul3A_829, %max3A_824 : vector<16xf32>
      %sub3A_831 = arith.constant 1.000000e+00 : f32
      %sub3A_832 = vector.broadcast %sub3A_831 : f32 to vector<16xf32>
      %sub3A_833 = arith.subf %sub3A_832, %mul3A_830 : vector<16xf32>
      %jit3A_834 = arith.constant 0.000000e+00 : f32
      %broadcast_in_dim3A_835 = vector.broadcast %jit3A_834 : f32 to vector<16xf32>
      %select_n3A_836 = arith.select %gt3A_827, %sub3A_833, %broadcast_in_dim3A_835 : vector<16xi1>, vector<16xf32>
      %xor3A_837 = arith.xori %xor3A_675, %xor3A_703 : vector<16xi32>
      %eq3A_838 = arith.constant 1 : i32
      %eq3A_839 = vector.broadcast %eq3A_838 : i32 to vector<16xi32>
      %eq3A_840 = arith.cmpi eq, %xor3A_837, %eq3A_839 : vector<16xi32>
      %jit3A_841 = arith.constant 0.000000e+00 : f32
      %broadcast_in_dim3A_842 = vector.broadcast %jit3A_841 : f32 to vector<16xf32>
      %select_n3A_843 = arith.select %eq3A_840, %select_n3A_836, %broadcast_in_dim3A_842 : vector<16xi1>, vector<16xf32>
      %add3A_844 = arith.addf %add3A_809, %select_n3A_843 : vector<16xf32>
      %broadcast_in_dim3A_845 = arith.constant 19832 : i32
      %broadcast_in_dim3A_846 = vector.broadcast %broadcast_in_dim3A_845 : i32 to vector<16xi32>
      %add3A_847 = arith.addf %sub3A_504, %sub3A_502 : vector<16xf32>
      %add3A_848 = arith.addf %sub3A_501, %sub3A_498 : vector<16xf32>
      %add3A_849 = arith.addf %add3A_847, %add3A_848 : vector<16xf32>
      %add3A_850 = arith.addf %sub3A_489, %sub3A_496 : vector<16xf32>
      %add3A_851 = arith.addf %sub3A_490, %sub3A_491 : vector<16xf32>
      %add3A_852 = arith.addf %add3A_850, %add3A_851 : vector<16xf32>
      %add3A_853 = arith.addf %add3A_849, %add3A_852 : vector<16xf32>
      %add3A_854 = arith.addf %add3A_660, %add3A_853 : vector<16xf32>
      %max3A_855 = arith.maximumf %abs3A_456, %abs3A_279 : vector<16xf32>
      %max3A_856 = arith.maximumf %abs3A_454, %abs3A_275 : vector<16xf32>
      %max3A_857 = arith.maximumf %max3A_855, %max3A_856 : vector<16xf32>
      %max3A_858 = arith.maximumf %abs3A_453, %abs3A_271 : vector<16xf32>
      %max3A_859 = arith.maximumf %abs3A_450, %abs3A_269 : vector<16xf32>
      %max3A_860 = arith.maximumf %max3A_858, %max3A_859 : vector<16xf32>
      %max3A_861 = arith.maximumf %max3A_857, %max3A_860 : vector<16xf32>
      %max3A_862 = arith.maximumf %abs3A_441, %abs3A_276 : vector<16xf32>
      %max3A_863 = arith.maximumf %abs3A_448, %abs3A_270 : vector<16xf32>
      %max3A_864 = arith.maximumf %max3A_862, %max3A_863 : vector<16xf32>
      %max3A_865 = arith.maximumf %abs3A_442, %abs3A_273 : vector<16xf32>
      %max3A_866 = arith.maximumf %abs3A_443, %abs3A_268 : vector<16xf32>
      %max3A_867 = arith.maximumf %max3A_865, %max3A_866 : vector<16xf32>
      %max3A_868 = arith.maximumf %max3A_864, %max3A_867 : vector<16xf32>
      %max3A_869 = arith.maximumf %max3A_861, %max3A_868 : vector<16xf32>
      %gt3A_870 = arith.constant 0.000000e+00 : f32
      %gt3A_871 = vector.broadcast %gt3A_870 : f32 to vector<16xf32>
      %gt3A_872 = arith.cmpf ogt, %max3A_869, %gt3A_871 : vector<16xf32>
      %mul3A_873 = arith.constant 2.000000e+00 : f32
      %mul3A_874 = vector.broadcast %mul3A_873 : f32 to vector<16xf32>
      %mul3A_875 = arith.mulf %mul3A_874, %max3A_869 : vector<16xf32>
      %sub3A_876 = arith.constant 1.000000e+00 : f32
      %sub3A_877 = vector.broadcast %sub3A_876 : f32 to vector<16xf32>
      %sub3A_878 = arith.subf %sub3A_877, %mul3A_875 : vector<16xf32>
      %jit3A_879 = arith.constant 0.000000e+00 : f32
      %broadcast_in_dim3A_880 = vector.broadcast %jit3A_879 : f32 to vector<16xf32>
      %select_n3A_881 = arith.select %gt3A_872, %sub3A_878, %broadcast_in_dim3A_880 : vector<16xi1>, vector<16xf32>
      %xor3A_882 = arith.xori %xor3A_837, %xor3A_718 : vector<16xi32>
      %eq3A_883 = arith.constant 1 : i32
      %eq3A_884 = vector.broadcast %eq3A_883 : i32 to vector<16xi32>
      %eq3A_885 = arith.cmpi eq, %xor3A_882, %eq3A_884 : vector<16xi32>
      %jit3A_886 = arith.constant 0.000000e+00 : f32
      %broadcast_in_dim3A_887 = vector.broadcast %jit3A_886 : f32 to vector<16xf32>
      %select_n3A_888 = arith.select %eq3A_885, %select_n3A_881, %broadcast_in_dim3A_887 : vector<16xi1>, vector<16xf32>
      %add3A_889 = arith.addf %add3A_854, %select_n3A_888 : vector<16xf32>
      %broadcast_in_dim3A_890 = arith.constant 45703 : i32
      %broadcast_in_dim3A_891 = vector.broadcast %broadcast_in_dim3A_890 : i32 to vector<16xi32>
      %add3A_892 = arith.addf %add3A_750, %add3A_753 : vector<16xf32>
      %add3A_893 = arith.addf %add3A_757, %add3A_760 : vector<16xf32>
      %add3A_894 = arith.addf %add3A_892, %add3A_893 : vector<16xf32>
      %add3A_895 = arith.addf %add3A_660, %add3A_894 : vector<16xf32>
      %max3A_896 = arith.maximumf %max3A, %max3A_766 : vector<16xf32>
      %max3A_897 = arith.maximumf %max3A_721, %max3A_769 : vector<16xf32>
      %max3A_898 = arith.maximumf %max3A_896, %max3A_897 : vector<16xf32>
      %max3A_899 = arith.maximumf %max3A_725, %max3A_773 : vector<16xf32>
      %max3A_900 = arith.maximumf %max3A_728, %max3A_776 : vector<16xf32>
      %max3A_901 = arith.maximumf %max3A_899, %max3A_900 : vector<16xf32>
      %max3A_902 = arith.maximumf %max3A_898, %max3A_901 : vector<16xf32>
      %gt3A_903 = arith.constant 0.000000e+00 : f32
      %gt3A_904 = vector.broadcast %gt3A_903 : f32 to vector<16xf32>
      %gt3A_905 = arith.cmpf ogt, %max3A_902, %gt3A_904 : vector<16xf32>
      %mul3A_906 = arith.constant 2.000000e+00 : f32
      %mul3A_907 = vector.broadcast %mul3A_906 : f32 to vector<16xf32>
      %mul3A_908 = arith.mulf %mul3A_907, %max3A_902 : vector<16xf32>
      %sub3A_909 = arith.constant 1.000000e+00 : f32
      %sub3A_910 = vector.broadcast %sub3A_909 : f32 to vector<16xf32>
      %sub3A_911 = arith.subf %sub3A_910, %mul3A_908 : vector<16xf32>
      %jit3A_912 = arith.constant 0.000000e+00 : f32
      %broadcast_in_dim3A_913 = vector.broadcast %jit3A_912 : f32 to vector<16xf32>
      %select_n3A_914 = arith.select %gt3A_905, %sub3A_911, %broadcast_in_dim3A_913 : vector<16xi1>, vector<16xf32>
      %xor3A_915 = arith.xori %xor3A_675, %xor3A_696 : vector<16xi32>
      %eq3A_916 = arith.constant 1 : i32
      %eq3A_917 = vector.broadcast %eq3A_916 : i32 to vector<16xi32>
      %eq3A_918 = arith.cmpi eq, %xor3A_915, %eq3A_917 : vector<16xi32>
      %jit3A_919 = arith.constant 0.000000e+00 : f32
      %broadcast_in_dim3A_920 = vector.broadcast %jit3A_919 : f32 to vector<16xf32>
      %select_n3A_921 = arith.select %eq3A_918, %select_n3A_914, %broadcast_in_dim3A_920 : vector<16xi1>, vector<16xf32>
      %add3A_922 = arith.addf %add3A_895, %select_n3A_921 : vector<16xf32>
      %broadcast_in_dim3A_923 = arith.constant 9916 : i32
      %broadcast_in_dim3A_924 = vector.broadcast %broadcast_in_dim3A_923 : i32 to vector<16xi32>
      %add3A_925 = arith.addf %add3A_749, %add3A_752 : vector<16xf32>
      %add3A_926 = arith.addf %add3A_756, %add3A_759 : vector<16xf32>
      %add3A_927 = arith.addf %add3A_925, %add3A_926 : vector<16xf32>
      %add3A_928 = arith.addf %add3A_660, %add3A_927 : vector<16xf32>
      %max3A_929 = arith.maximumf %max3A_765, %max3A_719 : vector<16xf32>
      %max3A_930 = arith.maximumf %max3A_768, %max3A_722 : vector<16xf32>
      %max3A_931 = arith.maximumf %max3A_929, %max3A_930 : vector<16xf32>
      %max3A_932 = arith.maximumf %max3A_772, %max3A_726 : vector<16xf32>
      %max3A_933 = arith.maximumf %max3A_775, %max3A_729 : vector<16xf32>
      %max3A_934 = arith.maximumf %max3A_932, %max3A_933 : vector<16xf32>
      %max3A_935 = arith.maximumf %max3A_931, %max3A_934 : vector<16xf32>
      %gt3A_936 = arith.constant 0.000000e+00 : f32
      %gt3A_937 = vector.broadcast %gt3A_936 : f32 to vector<16xf32>
      %gt3A_938 = arith.cmpf ogt, %max3A_935, %gt3A_937 : vector<16xf32>
      %mul3A_939 = arith.constant 2.000000e+00 : f32
      %mul3A_940 = vector.broadcast %mul3A_939 : f32 to vector<16xf32>
      %mul3A_941 = arith.mulf %mul3A_940, %max3A_935 : vector<16xf32>
      %sub3A_942 = arith.constant 1.000000e+00 : f32
      %sub3A_943 = vector.broadcast %sub3A_942 : f32 to vector<16xf32>
      %sub3A_944 = arith.subf %sub3A_943, %mul3A_941 : vector<16xf32>
      %jit3A_945 = arith.constant 0.000000e+00 : f32
      %broadcast_in_dim3A_946 = vector.broadcast %jit3A_945 : f32 to vector<16xf32>
      %select_n3A_947 = arith.select %gt3A_938, %sub3A_944, %broadcast_in_dim3A_946 : vector<16xi1>, vector<16xf32>
      %xor3A_948 = arith.xori %xor3A_915, %xor3A_718 : vector<16xi32>
      %eq3A_949 = arith.constant 1 : i32
      %eq3A_950 = vector.broadcast %eq3A_949 : i32 to vector<16xi32>
      %eq3A_951 = arith.cmpi eq, %xor3A_948, %eq3A_950 : vector<16xi32>
      %jit3A_952 = arith.constant 0.000000e+00 : f32
      %broadcast_in_dim3A_953 = vector.broadcast %jit3A_952 : f32 to vector<16xf32>
      %select_n3A_954 = arith.select %eq3A_951, %select_n3A_947, %broadcast_in_dim3A_953 : vector<16xi1>, vector<16xf32>
      %add3A_955 = arith.addf %add3A_928, %select_n3A_954 : vector<16xf32>
      %broadcast_in_dim3A_956 = arith.constant 55619 : i32
      %broadcast_in_dim3A_957 = vector.broadcast %broadcast_in_dim3A_956 : i32 to vector<16xi32>
      %add3A_958 = arith.addf %sub3A_503, %sub3A_502 : vector<16xf32>
      %add3A_959 = arith.addf %sub3A_495, %sub3A_498 : vector<16xf32>
      %add3A_960 = arith.addf %add3A_958, %add3A_959 : vector<16xf32>
      %add3A_961 = arith.addf %sub3A_500, %sub3A_496 : vector<16xf32>
      %add3A_962 = arith.addf %sub3A_497, %sub3A_491 : vector<16xf32>
      %add3A_963 = arith.addf %add3A_961, %add3A_962 : vector<16xf32>
      %add3A_964 = arith.addf %add3A_960, %add3A_963 : vector<16xf32>
      %add3A_965 = arith.addf %add3A_660, %add3A_964 : vector<16xf32>
      %max3A_966 = arith.maximumf %max3A_810, %max3A_856 : vector<16xf32>
      %max3A_967 = arith.maximumf %max3A_813, %max3A_859 : vector<16xf32>
      %max3A_968 = arith.maximumf %max3A_966, %max3A_967 : vector<16xf32>
      %max3A_969 = arith.maximumf %max3A_817, %max3A_863 : vector<16xf32>
      %max3A_970 = arith.maximumf %max3A_820, %max3A_866 : vector<16xf32>
      %max3A_971 = arith.maximumf %max3A_969, %max3A_970 : vector<16xf32>
      %max3A_972 = arith.maximumf %max3A_968, %max3A_971 : vector<16xf32>
      %gt3A_973 = arith.constant 0.000000e+00 : f32
      %gt3A_974 = vector.broadcast %gt3A_973 : f32 to vector<16xf32>
      %gt3A_975 = arith.cmpf ogt, %max3A_972, %gt3A_974 : vector<16xf32>
      %mul3A_976 = arith.constant 2.000000e+00 : f32
      %mul3A_977 = vector.broadcast %mul3A_976 : f32 to vector<16xf32>
      %mul3A_978 = arith.mulf %mul3A_977, %max3A_972 : vector<16xf32>
      %sub3A_979 = arith.constant 1.000000e+00 : f32
      %sub3A_980 = vector.broadcast %sub3A_979 : f32 to vector<16xf32>
      %sub3A_981 = arith.subf %sub3A_980, %mul3A_978 : vector<16xf32>
      %jit3A_982 = arith.constant 0.000000e+00 : f32
      %broadcast_in_dim3A_983 = vector.broadcast %jit3A_982 : f32 to vector<16xf32>
      %select_n3A_984 = arith.select %gt3A_975, %sub3A_981, %broadcast_in_dim3A_983 : vector<16xi1>, vector<16xf32>
      %xor3A_985 = arith.xori %xor3A_915, %xor3A_703 : vector<16xi32>
      %eq3A_986 = arith.constant 1 : i32
      %eq3A_987 = vector.broadcast %eq3A_986 : i32 to vector<16xi32>
      %eq3A_988 = arith.cmpi eq, %xor3A_985, %eq3A_987 : vector<16xi32>
      %jit3A_989 = arith.constant 0.000000e+00 : f32
      %broadcast_in_dim3A_990 = vector.broadcast %jit3A_989 : f32 to vector<16xf32>
      %select_n3A_991 = arith.select %eq3A_988, %select_n3A_984, %broadcast_in_dim3A_990 : vector<16xi1>, vector<16xf32>
      %add3A_992 = arith.addf %add3A_965, %select_n3A_991 : vector<16xf32>
      %broadcast_in_dim3A_993 = arith.constant 27588 : i32
      %broadcast_in_dim3A_994 = vector.broadcast %broadcast_in_dim3A_993 : i32 to vector<16xi32>
      %add3A_995 = arith.addf %sub3A_504, %sub3A_499 : vector<16xf32>
      %add3A_996 = arith.addf %sub3A_501, %sub3A_493 : vector<16xf32>
      %add3A_997 = arith.addf %add3A_995, %add3A_996 : vector<16xf32>
      %add3A_998 = arith.addf %sub3A_489, %sub3A_494 : vector<16xf32>
      %add3A_999 = arith.addf %sub3A_490, %sub3A_492 : vector<16xf32>
      %add3A_1000 = arith.addf %add3A_998, %add3A_999 : vector<16xf32>
      %add3A_1001 = arith.addf %add3A_997, %add3A_1000 : vector<16xf32>
      %add3A_1002 = arith.addf %add3A_660, %add3A_1001 : vector<16xf32>
      %max3A_1003 = arith.maximumf %max3A_855, %max3A_811 : vector<16xf32>
      %max3A_1004 = arith.maximumf %max3A_858, %max3A_814 : vector<16xf32>
      %max3A_1005 = arith.maximumf %max3A_1003, %max3A_1004 : vector<16xf32>
      %max3A_1006 = arith.maximumf %max3A_862, %max3A_818 : vector<16xf32>
      %max3A_1007 = arith.maximumf %max3A_865, %max3A_821 : vector<16xf32>
      %max3A_1008 = arith.maximumf %max3A_1006, %max3A_1007 : vector<16xf32>
      %max3A_1009 = arith.maximumf %max3A_1005, %max3A_1008 : vector<16xf32>
      %gt3A_1010 = arith.constant 0.000000e+00 : f32
      %gt3A_1011 = vector.broadcast %gt3A_1010 : f32 to vector<16xf32>
      %gt3A_1012 = arith.cmpf ogt, %max3A_1009, %gt3A_1011 : vector<16xf32>
      %mul3A_1013 = arith.constant 2.000000e+00 : f32
      %mul3A_1014 = vector.broadcast %mul3A_1013 : f32 to vector<16xf32>
      %mul3A_1015 = arith.mulf %mul3A_1014, %max3A_1009 : vector<16xf32>
      %sub3A_1016 = arith.constant 1.000000e+00 : f32
      %sub3A_1017 = vector.broadcast %sub3A_1016 : f32 to vector<16xf32>
      %sub3A_1018 = arith.subf %sub3A_1017, %mul3A_1015 : vector<16xf32>
      %jit3A_1019 = arith.constant 0.000000e+00 : f32
      %broadcast_in_dim3A_1020 = vector.broadcast %jit3A_1019 : f32 to vector<16xf32>
      %select_n3A_1021 = arith.select %gt3A_1012, %sub3A_1018, %broadcast_in_dim3A_1020 : vector<16xi1>, vector<16xf32>
      %xor3A_1022 = arith.xori %xor3A_985, %xor3A_718 : vector<16xi32>
      %eq3A_1023 = arith.constant 1 : i32
      %eq3A_1024 = vector.broadcast %eq3A_1023 : i32 to vector<16xi32>
      %eq3A_1025 = arith.cmpi eq, %xor3A_1022, %eq3A_1024 : vector<16xi32>
      %jit3A_1026 = arith.constant 0.000000e+00 : f32
      %broadcast_in_dim3A_1027 = vector.broadcast %jit3A_1026 : f32 to vector<16xf32>
      %select_n3A_1028 = arith.select %eq3A_1025, %select_n3A_1021, %broadcast_in_dim3A_1027 : vector<16xi1>, vector<16xf32>
      %add3A_1029 = arith.addf %add3A_1002, %select_n3A_1028 : vector<16xf32>
      %broadcast_in_dim3A_1030 = arith.constant 37947 : i32
      %broadcast_in_dim3A_1031 = vector.broadcast %broadcast_in_dim3A_1030 : i32 to vector<16xi32>
      %add3A_1032 = arith.addf %add3A_754, %add3A_761 : vector<16xf32>
      %add3A_1033 = arith.addf %add3A_660, %add3A_1032 : vector<16xf32>
      %max3A_1034 = arith.maximumf %max3A_720, %max3A_770 : vector<16xf32>
      %max3A_1035 = arith.maximumf %max3A_727, %max3A_777 : vector<16xf32>
      %max3A_1036 = arith.maximumf %max3A_1034, %max3A_1035 : vector<16xf32>
      %gt3A_1037 = arith.constant 0.000000e+00 : f32
      %gt3A_1038 = vector.broadcast %gt3A_1037 : f32 to vector<16xf32>
      %gt3A_1039 = arith.cmpf ogt, %max3A_1036, %gt3A_1038 : vector<16xf32>
      %mul3A_1040 = arith.constant 2.000000e+00 : f32
      %mul3A_1041 = vector.broadcast %mul3A_1040 : f32 to vector<16xf32>
      %mul3A_1042 = arith.mulf %mul3A_1041, %max3A_1036 : vector<16xf32>
      %sub3A_1043 = arith.constant 1.000000e+00 : f32
      %sub3A_1044 = vector.broadcast %sub3A_1043 : f32 to vector<16xf32>
      %sub3A_1045 = arith.subf %sub3A_1044, %mul3A_1042 : vector<16xf32>
      %jit3A_1046 = arith.constant 0.000000e+00 : f32
      %broadcast_in_dim3A_1047 = vector.broadcast %jit3A_1046 : f32 to vector<16xf32>
      %select_n3A_1048 = arith.select %gt3A_1039, %sub3A_1045, %broadcast_in_dim3A_1047 : vector<16xi1>, vector<16xf32>
      %xor3A_1049 = arith.xori %xor3A_675, %xor3A_689 : vector<16xi32>
      %eq3A_1050 = arith.constant 1 : i32
      %eq3A_1051 = vector.broadcast %eq3A_1050 : i32 to vector<16xi32>
      %eq3A_1052 = arith.cmpi eq, %xor3A_1049, %eq3A_1051 : vector<16xi32>
      %jit3A_1053 = arith.constant 0.000000e+00 : f32
      %broadcast_in_dim3A_1054 = vector.broadcast %jit3A_1053 : f32 to vector<16xf32>
      %select_n3A_1055 = arith.select %eq3A_1052, %select_n3A_1048, %broadcast_in_dim3A_1054 : vector<16xi1>, vector<16xf32>
      %add3A_1056 = arith.addf %add3A_1033, %select_n3A_1055 : vector<16xf32>
      %broadcast_in_dim3A_1057 = arith.constant 4958 : i32
      %broadcast_in_dim3A_1058 = vector.broadcast %broadcast_in_dim3A_1057 : i32 to vector<16xi32>
      %add3A_1059 = arith.addf %add3A_751, %add3A_758 : vector<16xf32>
      %add3A_1060 = arith.addf %add3A_660, %add3A_1059 : vector<16xf32>
      %max3A_1061 = arith.maximumf %max3A_767, %max3A_723 : vector<16xf32>
      %max3A_1062 = arith.maximumf %max3A_774, %max3A_730 : vector<16xf32>
      %max3A_1063 = arith.maximumf %max3A_1061, %max3A_1062 : vector<16xf32>
      %gt3A_1064 = arith.constant 0.000000e+00 : f32
      %gt3A_1065 = vector.broadcast %gt3A_1064 : f32 to vector<16xf32>
      %gt3A_1066 = arith.cmpf ogt, %max3A_1063, %gt3A_1065 : vector<16xf32>
      %mul3A_1067 = arith.constant 2.000000e+00 : f32
      %mul3A_1068 = vector.broadcast %mul3A_1067 : f32 to vector<16xf32>
      %mul3A_1069 = arith.mulf %mul3A_1068, %max3A_1063 : vector<16xf32>
      %sub3A_1070 = arith.constant 1.000000e+00 : f32
      %sub3A_1071 = vector.broadcast %sub3A_1070 : f32 to vector<16xf32>
      %sub3A_1072 = arith.subf %sub3A_1071, %mul3A_1069 : vector<16xf32>
      %jit3A_1073 = arith.constant 0.000000e+00 : f32
      %broadcast_in_dim3A_1074 = vector.broadcast %jit3A_1073 : f32 to vector<16xf32>
      %select_n3A_1075 = arith.select %gt3A_1066, %sub3A_1072, %broadcast_in_dim3A_1074 : vector<16xi1>, vector<16xf32>
      %xor3A_1076 = arith.xori %xor3A_1049, %xor3A_718 : vector<16xi32>
      %eq3A_1077 = arith.constant 1 : i32
      %eq3A_1078 = vector.broadcast %eq3A_1077 : i32 to vector<16xi32>
      %eq3A_1079 = arith.cmpi eq, %xor3A_1076, %eq3A_1078 : vector<16xi32>
      %jit3A_1080 = arith.constant 0.000000e+00 : f32
      %broadcast_in_dim3A_1081 = vector.broadcast %jit3A_1080 : f32 to vector<16xf32>
      %select_n3A_1082 = arith.select %eq3A_1079, %select_n3A_1075, %broadcast_in_dim3A_1081 : vector<16xi1>, vector<16xf32>
      %add3A_1083 = arith.addf %add3A_1060, %select_n3A_1082 : vector<16xf32>
      %broadcast_in_dim3A_1084 = arith.constant 60577 : i32
      %broadcast_in_dim3A_1085 = vector.broadcast %broadcast_in_dim3A_1084 : i32 to vector<16xi32>
      %add3A_1086 = arith.addf %add3A_802, %add3A_848 : vector<16xf32>
      %add3A_1087 = arith.addf %add3A_805, %add3A_851 : vector<16xf32>
      %add3A_1088 = arith.addf %add3A_1086, %add3A_1087 : vector<16xf32>
      %add3A_1089 = arith.addf %add3A_660, %add3A_1088 : vector<16xf32>
      %max3A_1090 = arith.maximumf %max3A_812, %max3A_860 : vector<16xf32>
      %max3A_1091 = arith.maximumf %max3A_819, %max3A_867 : vector<16xf32>
      %max3A_1092 = arith.maximumf %max3A_1090, %max3A_1091 : vector<16xf32>
      %gt3A_1093 = arith.constant 0.000000e+00 : f32
      %gt3A_1094 = vector.broadcast %gt3A_1093 : f32 to vector<16xf32>
      %gt3A_1095 = arith.cmpf ogt, %max3A_1092, %gt3A_1094 : vector<16xf32>
      %mul3A_1096 = arith.constant 2.000000e+00 : f32
      %mul3A_1097 = vector.broadcast %mul3A_1096 : f32 to vector<16xf32>
      %mul3A_1098 = arith.mulf %mul3A_1097, %max3A_1092 : vector<16xf32>
      %sub3A_1099 = arith.constant 1.000000e+00 : f32
      %sub3A_1100 = vector.broadcast %sub3A_1099 : f32 to vector<16xf32>
      %sub3A_1101 = arith.subf %sub3A_1100, %mul3A_1098 : vector<16xf32>
      %jit3A_1102 = arith.constant 0.000000e+00 : f32
      %broadcast_in_dim3A_1103 = vector.broadcast %jit3A_1102 : f32 to vector<16xf32>
      %select_n3A_1104 = arith.select %gt3A_1095, %sub3A_1101, %broadcast_in_dim3A_1103 : vector<16xi1>, vector<16xf32>
      %xor3A_1105 = arith.xori %xor3A_1049, %xor3A_703 : vector<16xi32>
      %eq3A_1106 = arith.constant 1 : i32
      %eq3A_1107 = vector.broadcast %eq3A_1106 : i32 to vector<16xi32>
      %eq3A_1108 = arith.cmpi eq, %xor3A_1105, %eq3A_1107 : vector<16xi32>
      %jit3A_1109 = arith.constant 0.000000e+00 : f32
      %broadcast_in_dim3A_1110 = vector.broadcast %jit3A_1109 : f32 to vector<16xf32>
      %select_n3A_1111 = arith.select %eq3A_1108, %select_n3A_1104, %broadcast_in_dim3A_1110 : vector<16xi1>, vector<16xf32>
      %add3A_1112 = arith.addf %add3A_1089, %select_n3A_1111 : vector<16xf32>
      %broadcast_in_dim3A_1113 = arith.constant 24102 : i32
      %broadcast_in_dim3A_1114 = vector.broadcast %broadcast_in_dim3A_1113 : i32 to vector<16xi32>
      %add3A_1115 = arith.addf %add3A_847, %add3A_803 : vector<16xf32>
      %add3A_1116 = arith.addf %add3A_850, %add3A_806 : vector<16xf32>
      %add3A_1117 = arith.addf %add3A_1115, %add3A_1116 : vector<16xf32>
      %add3A_1118 = arith.addf %add3A_660, %add3A_1117 : vector<16xf32>
      %max3A_1119 = arith.maximumf %max3A_857, %max3A_815 : vector<16xf32>
      %max3A_1120 = arith.maximumf %max3A_864, %max3A_822 : vector<16xf32>
      %max3A_1121 = arith.maximumf %max3A_1119, %max3A_1120 : vector<16xf32>
      %gt3A_1122 = arith.constant 0.000000e+00 : f32
      %gt3A_1123 = vector.broadcast %gt3A_1122 : f32 to vector<16xf32>
      %gt3A_1124 = arith.cmpf ogt, %max3A_1121, %gt3A_1123 : vector<16xf32>
      %mul3A_1125 = arith.constant 2.000000e+00 : f32
      %mul3A_1126 = vector.broadcast %mul3A_1125 : f32 to vector<16xf32>
      %mul3A_1127 = arith.mulf %mul3A_1126, %max3A_1121 : vector<16xf32>
      %sub3A_1128 = arith.constant 1.000000e+00 : f32
      %sub3A_1129 = vector.broadcast %sub3A_1128 : f32 to vector<16xf32>
      %sub3A_1130 = arith.subf %sub3A_1129, %mul3A_1127 : vector<16xf32>
      %jit3A_1131 = arith.constant 0.000000e+00 : f32
      %broadcast_in_dim3A_1132 = vector.broadcast %jit3A_1131 : f32 to vector<16xf32>
      %select_n3A_1133 = arith.select %gt3A_1124, %sub3A_1130, %broadcast_in_dim3A_1132 : vector<16xi1>, vector<16xf32>
      %xor3A_1134 = arith.xori %xor3A_1105, %xor3A_718 : vector<16xi32>
      %eq3A_1135 = arith.constant 1 : i32
      %eq3A_1136 = vector.broadcast %eq3A_1135 : i32 to vector<16xi32>
      %eq3A_1137 = arith.cmpi eq, %xor3A_1134, %eq3A_1136 : vector<16xi32>
      %jit3A_1138 = arith.constant 0.000000e+00 : f32
      %broadcast_in_dim3A_1139 = vector.broadcast %jit3A_1138 : f32 to vector<16xf32>
      %select_n3A_1140 = arith.select %eq3A_1137, %select_n3A_1133, %broadcast_in_dim3A_1139 : vector<16xi1>, vector<16xf32>
      %add3A_1141 = arith.addf %add3A_1118, %select_n3A_1140 : vector<16xf32>
      %broadcast_in_dim3A_1142 = arith.constant 41433 : i32
      %broadcast_in_dim3A_1143 = vector.broadcast %broadcast_in_dim3A_1142 : i32 to vector<16xi32>
      %add3A_1144 = arith.addf %add3A_750, %add3A_752 : vector<16xf32>
      %add3A_1145 = arith.addf %add3A_757, %add3A_759 : vector<16xf32>
      %add3A_1146 = arith.addf %add3A_1144, %add3A_1145 : vector<16xf32>
      %add3A_1147 = arith.addf %add3A_660, %add3A_1146 : vector<16xf32>
      %max3A_1148 = arith.maximumf %max3A_896, %max3A_930 : vector<16xf32>
      %max3A_1149 = arith.maximumf %max3A_899, %max3A_933 : vector<16xf32>
      %max3A_1150 = arith.maximumf %max3A_1148, %max3A_1149 : vector<16xf32>
      %gt3A_1151 = arith.constant 0.000000e+00 : f32
      %gt3A_1152 = vector.broadcast %gt3A_1151 : f32 to vector<16xf32>
      %gt3A_1153 = arith.cmpf ogt, %max3A_1150, %gt3A_1152 : vector<16xf32>
      %mul3A_1154 = arith.constant 2.000000e+00 : f32
      %mul3A_1155 = vector.broadcast %mul3A_1154 : f32 to vector<16xf32>
      %mul3A_1156 = arith.mulf %mul3A_1155, %max3A_1150 : vector<16xf32>
      %sub3A_1157 = arith.constant 1.000000e+00 : f32
      %sub3A_1158 = vector.broadcast %sub3A_1157 : f32 to vector<16xf32>
      %sub3A_1159 = arith.subf %sub3A_1158, %mul3A_1156 : vector<16xf32>
      %jit3A_1160 = arith.constant 0.000000e+00 : f32
      %broadcast_in_dim3A_1161 = vector.broadcast %jit3A_1160 : f32 to vector<16xf32>
      %select_n3A_1162 = arith.select %gt3A_1153, %sub3A_1159, %broadcast_in_dim3A_1161 : vector<16xi1>, vector<16xf32>
      %xor3A_1163 = arith.xori %xor3A_1049, %xor3A_696 : vector<16xi32>
      %eq3A_1164 = arith.constant 1 : i32
      %eq3A_1165 = vector.broadcast %eq3A_1164 : i32 to vector<16xi32>
      %eq3A_1166 = arith.cmpi eq, %xor3A_1163, %eq3A_1165 : vector<16xi32>
      %jit3A_1167 = arith.constant 0.000000e+00 : f32
      %broadcast_in_dim3A_1168 = vector.broadcast %jit3A_1167 : f32 to vector<16xf32>
      %select_n3A_1169 = arith.select %eq3A_1166, %select_n3A_1162, %broadcast_in_dim3A_1168 : vector<16xi1>, vector<16xf32>
      %add3A_1170 = arith.addf %add3A_1147, %select_n3A_1169 : vector<16xf32>
      %broadcast_in_dim3A_1171 = arith.constant 13794 : i32
      %broadcast_in_dim3A_1172 = vector.broadcast %broadcast_in_dim3A_1171 : i32 to vector<16xi32>
      %add3A_1173 = arith.addf %add3A_749, %add3A_753 : vector<16xf32>
      %add3A_1174 = arith.addf %add3A_756, %add3A_760 : vector<16xf32>
      %add3A_1175 = arith.addf %add3A_1173, %add3A_1174 : vector<16xf32>
      %add3A_1176 = arith.addf %add3A_660, %add3A_1175 : vector<16xf32>
      %max3A_1177 = arith.maximumf %max3A_929, %max3A_897 : vector<16xf32>
      %max3A_1178 = arith.maximumf %max3A_932, %max3A_900 : vector<16xf32>
      %max3A_1179 = arith.maximumf %max3A_1177, %max3A_1178 : vector<16xf32>
      %gt3A_1180 = arith.constant 0.000000e+00 : f32
      %gt3A_1181 = vector.broadcast %gt3A_1180 : f32 to vector<16xf32>
      %gt3A_1182 = arith.cmpf ogt, %max3A_1179, %gt3A_1181 : vector<16xf32>
      %mul3A_1183 = arith.constant 2.000000e+00 : f32
      %mul3A_1184 = vector.broadcast %mul3A_1183 : f32 to vector<16xf32>
      %mul3A_1185 = arith.mulf %mul3A_1184, %max3A_1179 : vector<16xf32>
      %sub3A_1186 = arith.constant 1.000000e+00 : f32
      %sub3A_1187 = vector.broadcast %sub3A_1186 : f32 to vector<16xf32>
      %sub3A_1188 = arith.subf %sub3A_1187, %mul3A_1185 : vector<16xf32>
      %jit3A_1189 = arith.constant 0.000000e+00 : f32
      %broadcast_in_dim3A_1190 = vector.broadcast %jit3A_1189 : f32 to vector<16xf32>
      %select_n3A_1191 = arith.select %gt3A_1182, %sub3A_1188, %broadcast_in_dim3A_1190 : vector<16xi1>, vector<16xf32>
      %xor3A_1192 = arith.xori %xor3A_1163, %xor3A_718 : vector<16xi32>
      %eq3A_1193 = arith.constant 1 : i32
      %eq3A_1194 = vector.broadcast %eq3A_1193 : i32 to vector<16xi32>
      %eq3A_1195 = arith.cmpi eq, %xor3A_1192, %eq3A_1194 : vector<16xi32>
      %jit3A_1196 = arith.constant 0.000000e+00 : f32
      %broadcast_in_dim3A_1197 = vector.broadcast %jit3A_1196 : f32 to vector<16xf32>
      %select_n3A_1198 = arith.select %eq3A_1195, %select_n3A_1191, %broadcast_in_dim3A_1197 : vector<16xi1>, vector<16xf32>
      %add3A_1199 = arith.addf %add3A_1176, %select_n3A_1198 : vector<16xf32>
      %broadcast_in_dim3A_1200 = arith.constant 51741 : i32
      %broadcast_in_dim3A_1201 = vector.broadcast %broadcast_in_dim3A_1200 : i32 to vector<16xi32>
      %add3A_1202 = arith.addf %add3A_958, %add3A_996 : vector<16xf32>
      %add3A_1203 = arith.addf %add3A_961, %add3A_999 : vector<16xf32>
      %add3A_1204 = arith.addf %add3A_1202, %add3A_1203 : vector<16xf32>
      %add3A_1205 = arith.addf %add3A_660, %add3A_1204 : vector<16xf32>
      %max3A_1206 = arith.maximumf %max3A_966, %max3A_1004 : vector<16xf32>
      %max3A_1207 = arith.maximumf %max3A_969, %max3A_1007 : vector<16xf32>
      %max3A_1208 = arith.maximumf %max3A_1206, %max3A_1207 : vector<16xf32>
      %gt3A_1209 = arith.constant 0.000000e+00 : f32
      %gt3A_1210 = vector.broadcast %gt3A_1209 : f32 to vector<16xf32>
      %gt3A_1211 = arith.cmpf ogt, %max3A_1208, %gt3A_1210 : vector<16xf32>
      %mul3A_1212 = arith.constant 2.000000e+00 : f32
      %mul3A_1213 = vector.broadcast %mul3A_1212 : f32 to vector<16xf32>
      %mul3A_1214 = arith.mulf %mul3A_1213, %max3A_1208 : vector<16xf32>
      %sub3A_1215 = arith.constant 1.000000e+00 : f32
      %sub3A_1216 = vector.broadcast %sub3A_1215 : f32 to vector<16xf32>
      %sub3A_1217 = arith.subf %sub3A_1216, %mul3A_1214 : vector<16xf32>
      %jit3A_1218 = arith.constant 0.000000e+00 : f32
      %broadcast_in_dim3A_1219 = vector.broadcast %jit3A_1218 : f32 to vector<16xf32>
      %select_n3A_1220 = arith.select %gt3A_1211, %sub3A_1217, %broadcast_in_dim3A_1219 : vector<16xi1>, vector<16xf32>
      %xor3A_1221 = arith.xori %xor3A_1163, %xor3A_703 : vector<16xi32>
      %eq3A_1222 = arith.constant 1 : i32
      %eq3A_1223 = vector.broadcast %eq3A_1222 : i32 to vector<16xi32>
      %eq3A_1224 = arith.cmpi eq, %xor3A_1221, %eq3A_1223 : vector<16xi32>
      %jit3A_1225 = arith.constant 0.000000e+00 : f32
      %broadcast_in_dim3A_1226 = vector.broadcast %jit3A_1225 : f32 to vector<16xf32>
      %select_n3A_1227 = arith.select %eq3A_1224, %select_n3A_1220, %broadcast_in_dim3A_1226 : vector<16xi1>, vector<16xf32>
      %add3A_1228 = arith.addf %add3A_1205, %select_n3A_1227 : vector<16xf32>
      %broadcast_in_dim3A_1229 = arith.constant 30874 : i32
      %broadcast_in_dim3A_1230 = vector.broadcast %broadcast_in_dim3A_1229 : i32 to vector<16xi32>
      %add3A_1231 = arith.addf %add3A_995, %add3A_959 : vector<16xf32>
      %add3A_1232 = arith.addf %add3A_998, %add3A_962 : vector<16xf32>
      %add3A_1233 = arith.addf %add3A_1231, %add3A_1232 : vector<16xf32>
      %add3A_1234 = arith.addf %add3A_660, %add3A_1233 : vector<16xf32>
      %max3A_1235 = arith.maximumf %max3A_1003, %max3A_967 : vector<16xf32>
      %max3A_1236 = arith.maximumf %max3A_1006, %max3A_970 : vector<16xf32>
      %max3A_1237 = arith.maximumf %max3A_1235, %max3A_1236 : vector<16xf32>
      %gt3A_1238 = arith.constant 0.000000e+00 : f32
      %gt3A_1239 = vector.broadcast %gt3A_1238 : f32 to vector<16xf32>
      %gt3A_1240 = arith.cmpf ogt, %max3A_1237, %gt3A_1239 : vector<16xf32>
      %mul3A_1241 = arith.constant 2.000000e+00 : f32
      %mul3A_1242 = vector.broadcast %mul3A_1241 : f32 to vector<16xf32>
      %mul3A_1243 = arith.mulf %mul3A_1242, %max3A_1237 : vector<16xf32>
      %sub3A_1244 = arith.constant 1.000000e+00 : f32
      %sub3A_1245 = vector.broadcast %sub3A_1244 : f32 to vector<16xf32>
      %sub3A_1246 = arith.subf %sub3A_1245, %mul3A_1243 : vector<16xf32>
      %jit3A_1247 = arith.constant 0.000000e+00 : f32
      %broadcast_in_dim3A_1248 = vector.broadcast %jit3A_1247 : f32 to vector<16xf32>
      %select_n3A_1249 = arith.select %gt3A_1240, %sub3A_1246, %broadcast_in_dim3A_1248 : vector<16xi1>, vector<16xf32>
      %xor3A_1250 = arith.xori %xor3A_1221, %xor3A_718 : vector<16xi32>
      %eq3A_1251 = arith.constant 1 : i32
      %eq3A_1252 = vector.broadcast %eq3A_1251 : i32 to vector<16xi32>
      %eq3A_1253 = arith.cmpi eq, %xor3A_1250, %eq3A_1252 : vector<16xi32>
      %jit3A_1254 = arith.constant 0.000000e+00 : f32
      %broadcast_in_dim3A_1255 = vector.broadcast %jit3A_1254 : f32 to vector<16xf32>
      %select_n3A_1256 = arith.select %eq3A_1253, %select_n3A_1249, %broadcast_in_dim3A_1255 : vector<16xi1>, vector<16xf32>
      %add3A_1257 = arith.addf %add3A_1234, %select_n3A_1256 : vector<16xf32>
      %broadcast_in_dim3A_1258 = arith.constant 34661 : i32
      %broadcast_in_dim3A_1259 = vector.broadcast %broadcast_in_dim3A_1258 : i32 to vector<16xi32>
      %add3A_1260 = arith.addf %add3A_660, %add3A_762 : vector<16xf32>
      %max3A_1261 = arith.maximumf %max3A_724, %max3A_778 : vector<16xf32>
      %gt3A_1262 = arith.constant 0.000000e+00 : f32
      %gt3A_1263 = vector.broadcast %gt3A_1262 : f32 to vector<16xf32>
      %gt3A_1264 = arith.cmpf ogt, %max3A_1261, %gt3A_1263 : vector<16xf32>
      %mul3A_1265 = arith.constant 2.000000e+00 : f32
      %mul3A_1266 = vector.broadcast %mul3A_1265 : f32 to vector<16xf32>
      %mul3A_1267 = arith.mulf %mul3A_1266, %max3A_1261 : vector<16xf32>
      %sub3A_1268 = arith.constant 1.000000e+00 : f32
      %sub3A_1269 = vector.broadcast %sub3A_1268 : f32 to vector<16xf32>
      %sub3A_1270 = arith.subf %sub3A_1269, %mul3A_1267 : vector<16xf32>
      %jit3A_1271 = arith.constant 0.000000e+00 : f32
      %broadcast_in_dim3A_1272 = vector.broadcast %jit3A_1271 : f32 to vector<16xf32>
      %select_n3A_1273 = arith.select %gt3A_1264, %sub3A_1270, %broadcast_in_dim3A_1272 : vector<16xi1>, vector<16xf32>
      %xor3A_1274 = arith.xori %xor3A_675, %xor3A_682 : vector<16xi32>
      %eq3A_1275 = arith.constant 1 : i32
      %eq3A_1276 = vector.broadcast %eq3A_1275 : i32 to vector<16xi32>
      %eq3A_1277 = arith.cmpi eq, %xor3A_1274, %eq3A_1276 : vector<16xi32>
      %jit3A_1278 = arith.constant 0.000000e+00 : f32
      %broadcast_in_dim3A_1279 = vector.broadcast %jit3A_1278 : f32 to vector<16xf32>
      %select_n3A_1280 = arith.select %eq3A_1277, %select_n3A_1273, %broadcast_in_dim3A_1279 : vector<16xi1>, vector<16xf32>
      %add3A_1281 = arith.addf %add3A_1260, %select_n3A_1280 : vector<16xf32>
      %broadcast_in_dim3A_1282 = arith.constant 2479 : i32
      %broadcast_in_dim3A_1283 = vector.broadcast %broadcast_in_dim3A_1282 : i32 to vector<16xi32>
      %add3A_1284 = arith.addf %add3A_660, %add3A_755 : vector<16xf32>
      %max3A_1285 = arith.maximumf %max3A_771, %max3A_731 : vector<16xf32>
      %gt3A_1286 = arith.constant 0.000000e+00 : f32
      %gt3A_1287 = vector.broadcast %gt3A_1286 : f32 to vector<16xf32>
      %gt3A_1288 = arith.cmpf ogt, %max3A_1285, %gt3A_1287 : vector<16xf32>
      %mul3A_1289 = arith.constant 2.000000e+00 : f32
      %mul3A_1290 = vector.broadcast %mul3A_1289 : f32 to vector<16xf32>
      %mul3A_1291 = arith.mulf %mul3A_1290, %max3A_1285 : vector<16xf32>
      %sub3A_1292 = arith.constant 1.000000e+00 : f32
      %sub3A_1293 = vector.broadcast %sub3A_1292 : f32 to vector<16xf32>
      %sub3A_1294 = arith.subf %sub3A_1293, %mul3A_1291 : vector<16xf32>
      %jit3A_1295 = arith.constant 0.000000e+00 : f32
      %broadcast_in_dim3A_1296 = vector.broadcast %jit3A_1295 : f32 to vector<16xf32>
      %select_n3A_1297 = arith.select %gt3A_1288, %sub3A_1294, %broadcast_in_dim3A_1296 : vector<16xi1>, vector<16xf32>
      %xor3A_1298 = arith.xori %xor3A_1274, %xor3A_718 : vector<16xi32>
      %eq3A_1299 = arith.constant 1 : i32
      %eq3A_1300 = vector.broadcast %eq3A_1299 : i32 to vector<16xi32>
      %eq3A_1301 = arith.cmpi eq, %xor3A_1298, %eq3A_1300 : vector<16xi32>
      %jit3A_1302 = arith.constant 0.000000e+00 : f32
      %broadcast_in_dim3A_1303 = vector.broadcast %jit3A_1302 : f32 to vector<16xf32>
      %select_n3A_1304 = arith.select %eq3A_1301, %select_n3A_1297, %broadcast_in_dim3A_1303 : vector<16xi1>, vector<16xf32>
      %add3A_1305 = arith.addf %add3A_1284, %select_n3A_1304 : vector<16xf32>
      %broadcast_in_dim3A_1306 = arith.constant 63056 : i32
      %broadcast_in_dim3A_1307 = vector.broadcast %broadcast_in_dim3A_1306 : i32 to vector<16xi32>
      %add3A_1308 = arith.addf %add3A_804, %add3A_852 : vector<16xf32>
      %add3A_1309 = arith.addf %add3A_660, %add3A_1308 : vector<16xf32>
      %max3A_1310 = arith.maximumf %max3A_816, %max3A_868 : vector<16xf32>
      %gt3A_1311 = arith.constant 0.000000e+00 : f32
      %gt3A_1312 = vector.broadcast %gt3A_1311 : f32 to vector<16xf32>
      %gt3A_1313 = arith.cmpf ogt, %max3A_1310, %gt3A_1312 : vector<16xf32>
      %mul3A_1314 = arith.constant 2.000000e+00 : f32
      %mul3A_1315 = vector.broadcast %mul3A_1314 : f32 to vector<16xf32>
      %mul3A_1316 = arith.mulf %mul3A_1315, %max3A_1310 : vector<16xf32>
      %sub3A_1317 = arith.constant 1.000000e+00 : f32
      %sub3A_1318 = vector.broadcast %sub3A_1317 : f32 to vector<16xf32>
      %sub3A_1319 = arith.subf %sub3A_1318, %mul3A_1316 : vector<16xf32>
      %jit3A_1320 = arith.constant 0.000000e+00 : f32
      %broadcast_in_dim3A_1321 = vector.broadcast %jit3A_1320 : f32 to vector<16xf32>
      %select_n3A_1322 = arith.select %gt3A_1313, %sub3A_1319, %broadcast_in_dim3A_1321 : vector<16xi1>, vector<16xf32>
      %xor3A_1323 = arith.xori %xor3A_1274, %xor3A_703 : vector<16xi32>
      %eq3A_1324 = arith.constant 1 : i32
      %eq3A_1325 = vector.broadcast %eq3A_1324 : i32 to vector<16xi32>
      %eq3A_1326 = arith.cmpi eq, %xor3A_1323, %eq3A_1325 : vector<16xi32>
      %jit3A_1327 = arith.constant 0.000000e+00 : f32
      %broadcast_in_dim3A_1328 = vector.broadcast %jit3A_1327 : f32 to vector<16xf32>
      %select_n3A_1329 = arith.select %eq3A_1326, %select_n3A_1322, %broadcast_in_dim3A_1328 : vector<16xi1>, vector<16xf32>
      %add3A_1330 = arith.addf %add3A_1309, %select_n3A_1329 : vector<16xf32>
      %broadcast_in_dim3A_1331 = arith.constant 17623 : i32
      %broadcast_in_dim3A_1332 = vector.broadcast %broadcast_in_dim3A_1331 : i32 to vector<16xi32>
      %add3A_1333 = arith.addf %add3A_849, %add3A_807 : vector<16xf32>
      %add3A_1334 = arith.addf %add3A_660, %add3A_1333 : vector<16xf32>
      %max3A_1335 = arith.maximumf %max3A_861, %max3A_823 : vector<16xf32>
      %gt3A_1336 = arith.constant 0.000000e+00 : f32
      %gt3A_1337 = vector.broadcast %gt3A_1336 : f32 to vector<16xf32>
      %gt3A_1338 = arith.cmpf ogt, %max3A_1335, %gt3A_1337 : vector<16xf32>
      %mul3A_1339 = arith.constant 2.000000e+00 : f32
      %mul3A_1340 = vector.broadcast %mul3A_1339 : f32 to vector<16xf32>
      %mul3A_1341 = arith.mulf %mul3A_1340, %max3A_1335 : vector<16xf32>
      %sub3A_1342 = arith.constant 1.000000e+00 : f32
      %sub3A_1343 = vector.broadcast %sub3A_1342 : f32 to vector<16xf32>
      %sub3A_1344 = arith.subf %sub3A_1343, %mul3A_1341 : vector<16xf32>
      %jit3A_1345 = arith.constant 0.000000e+00 : f32
      %broadcast_in_dim3A_1346 = vector.broadcast %jit3A_1345 : f32 to vector<16xf32>
      %select_n3A_1347 = arith.select %gt3A_1338, %sub3A_1344, %broadcast_in_dim3A_1346 : vector<16xi1>, vector<16xf32>
      %xor3A_1348 = arith.xori %xor3A_1323, %xor3A_718 : vector<16xi32>
      %eq3A_1349 = arith.constant 1 : i32
      %eq3A_1350 = vector.broadcast %eq3A_1349 : i32 to vector<16xi32>
      %eq3A_1351 = arith.cmpi eq, %xor3A_1348, %eq3A_1350 : vector<16xi32>
      %jit3A_1352 = arith.constant 0.000000e+00 : f32
      %broadcast_in_dim3A_1353 = vector.broadcast %jit3A_1352 : f32 to vector<16xf32>
      %select_n3A_1354 = arith.select %eq3A_1351, %select_n3A_1347, %broadcast_in_dim3A_1353 : vector<16xi1>, vector<16xf32>
      %add3A_1355 = arith.addf %add3A_1334, %select_n3A_1354 : vector<16xf32>
      %broadcast_in_dim3A_1356 = arith.constant 47912 : i32
      %broadcast_in_dim3A_1357 = vector.broadcast %broadcast_in_dim3A_1356 : i32 to vector<16xi32>
      %add3A_1358 = arith.addf %add3A_892, %add3A_926 : vector<16xf32>
      %add3A_1359 = arith.addf %add3A_660, %add3A_1358 : vector<16xf32>
      %max3A_1360 = arith.maximumf %max3A_898, %max3A_934 : vector<16xf32>
      %gt3A_1361 = arith.constant 0.000000e+00 : f32
      %gt3A_1362 = vector.broadcast %gt3A_1361 : f32 to vector<16xf32>
      %gt3A_1363 = arith.cmpf ogt, %max3A_1360, %gt3A_1362 : vector<16xf32>
      %mul3A_1364 = arith.constant 2.000000e+00 : f32
      %mul3A_1365 = vector.broadcast %mul3A_1364 : f32 to vector<16xf32>
      %mul3A_1366 = arith.mulf %mul3A_1365, %max3A_1360 : vector<16xf32>
      %sub3A_1367 = arith.constant 1.000000e+00 : f32
      %sub3A_1368 = vector.broadcast %sub3A_1367 : f32 to vector<16xf32>
      %sub3A_1369 = arith.subf %sub3A_1368, %mul3A_1366 : vector<16xf32>
      %jit3A_1370 = arith.constant 0.000000e+00 : f32
      %broadcast_in_dim3A_1371 = vector.broadcast %jit3A_1370 : f32 to vector<16xf32>
      %select_n3A_1372 = arith.select %gt3A_1363, %sub3A_1369, %broadcast_in_dim3A_1371 : vector<16xi1>, vector<16xf32>
      %xor3A_1373 = arith.xori %xor3A_1274, %xor3A_696 : vector<16xi32>
      %eq3A_1374 = arith.constant 1 : i32
      %eq3A_1375 = vector.broadcast %eq3A_1374 : i32 to vector<16xi32>
      %eq3A_1376 = arith.cmpi eq, %xor3A_1373, %eq3A_1375 : vector<16xi32>
      %jit3A_1377 = arith.constant 0.000000e+00 : f32
      %broadcast_in_dim3A_1378 = vector.broadcast %jit3A_1377 : f32 to vector<16xf32>
      %select_n3A_1379 = arith.select %eq3A_1376, %select_n3A_1372, %broadcast_in_dim3A_1378 : vector<16xi1>, vector<16xf32>
      %add3A_1380 = arith.addf %add3A_1359, %select_n3A_1379 : vector<16xf32>
      %broadcast_in_dim3A_1381 = arith.constant 12051 : i32
      %broadcast_in_dim3A_1382 = vector.broadcast %broadcast_in_dim3A_1381 : i32 to vector<16xi32>
      %add3A_1383 = arith.addf %add3A_925, %add3A_893 : vector<16xf32>
      %add3A_1384 = arith.addf %add3A_660, %add3A_1383 : vector<16xf32>
      %max3A_1385 = arith.maximumf %max3A_931, %max3A_901 : vector<16xf32>
      %gt3A_1386 = arith.constant 0.000000e+00 : f32
      %gt3A_1387 = vector.broadcast %gt3A_1386 : f32 to vector<16xf32>
      %gt3A_1388 = arith.cmpf ogt, %max3A_1385, %gt3A_1387 : vector<16xf32>
      %mul3A_1389 = arith.constant 2.000000e+00 : f32
      %mul3A_1390 = vector.broadcast %mul3A_1389 : f32 to vector<16xf32>
      %mul3A_1391 = arith.mulf %mul3A_1390, %max3A_1385 : vector<16xf32>
      %sub3A_1392 = arith.constant 1.000000e+00 : f32
      %sub3A_1393 = vector.broadcast %sub3A_1392 : f32 to vector<16xf32>
      %sub3A_1394 = arith.subf %sub3A_1393, %mul3A_1391 : vector<16xf32>
      %jit3A_1395 = arith.constant 0.000000e+00 : f32
      %broadcast_in_dim3A_1396 = vector.broadcast %jit3A_1395 : f32 to vector<16xf32>
      %select_n3A_1397 = arith.select %gt3A_1388, %sub3A_1394, %broadcast_in_dim3A_1396 : vector<16xi1>, vector<16xf32>
      %xor3A_1398 = arith.xori %xor3A_1373, %xor3A_718 : vector<16xi32>
      %eq3A_1399 = arith.constant 1 : i32
      %eq3A_1400 = vector.broadcast %eq3A_1399 : i32 to vector<16xi32>
      %eq3A_1401 = arith.cmpi eq, %xor3A_1398, %eq3A_1400 : vector<16xi32>
      %jit3A_1402 = arith.constant 0.000000e+00 : f32
      %broadcast_in_dim3A_1403 = vector.broadcast %jit3A_1402 : f32 to vector<16xf32>
      %select_n3A_1404 = arith.select %eq3A_1401, %select_n3A_1397, %broadcast_in_dim3A_1403 : vector<16xi1>, vector<16xf32>
      %add3A_1405 = arith.addf %add3A_1384, %select_n3A_1404 : vector<16xf32>
      %broadcast_in_dim3A_1406 = arith.constant 53484 : i32
      %broadcast_in_dim3A_1407 = vector.broadcast %broadcast_in_dim3A_1406 : i32 to vector<16xi32>
      %add3A_1408 = arith.addf %add3A_960, %add3A_1000 : vector<16xf32>
      %add3A_1409 = arith.addf %add3A_660, %add3A_1408 : vector<16xf32>
      %max3A_1410 = arith.maximumf %max3A_968, %max3A_1008 : vector<16xf32>
      %gt3A_1411 = arith.constant 0.000000e+00 : f32
      %gt3A_1412 = vector.broadcast %gt3A_1411 : f32 to vector<16xf32>
      %gt3A_1413 = arith.cmpf ogt, %max3A_1410, %gt3A_1412 : vector<16xf32>
      %mul3A_1414 = arith.constant 2.000000e+00 : f32
      %mul3A_1415 = vector.broadcast %mul3A_1414 : f32 to vector<16xf32>
      %mul3A_1416 = arith.mulf %mul3A_1415, %max3A_1410 : vector<16xf32>
      %sub3A_1417 = arith.constant 1.000000e+00 : f32
      %sub3A_1418 = vector.broadcast %sub3A_1417 : f32 to vector<16xf32>
      %sub3A_1419 = arith.subf %sub3A_1418, %mul3A_1416 : vector<16xf32>
      %jit3A_1420 = arith.constant 0.000000e+00 : f32
      %broadcast_in_dim3A_1421 = vector.broadcast %jit3A_1420 : f32 to vector<16xf32>
      %select_n3A_1422 = arith.select %gt3A_1413, %sub3A_1419, %broadcast_in_dim3A_1421 : vector<16xi1>, vector<16xf32>
      %xor3A_1423 = arith.xori %xor3A_1373, %xor3A_703 : vector<16xi32>
      %eq3A_1424 = arith.constant 1 : i32
      %eq3A_1425 = vector.broadcast %eq3A_1424 : i32 to vector<16xi32>
      %eq3A_1426 = arith.cmpi eq, %xor3A_1423, %eq3A_1425 : vector<16xi32>
      %jit3A_1427 = arith.constant 0.000000e+00 : f32
      %broadcast_in_dim3A_1428 = vector.broadcast %jit3A_1427 : f32 to vector<16xf32>
      %select_n3A_1429 = arith.select %eq3A_1426, %select_n3A_1422, %broadcast_in_dim3A_1428 : vector<16xi1>, vector<16xf32>
      %add3A_1430 = arith.addf %add3A_1409, %select_n3A_1429 : vector<16xf32>
      %broadcast_in_dim3A_1431 = arith.constant 25195 : i32
      %broadcast_in_dim3A_1432 = vector.broadcast %broadcast_in_dim3A_1431 : i32 to vector<16xi32>
      %add3A_1433 = arith.addf %add3A_997, %add3A_963 : vector<16xf32>
      %add3A_1434 = arith.addf %add3A_660, %add3A_1433 : vector<16xf32>
      %max3A_1435 = arith.maximumf %max3A_1005, %max3A_971 : vector<16xf32>
      %gt3A_1436 = arith.constant 0.000000e+00 : f32
      %gt3A_1437 = vector.broadcast %gt3A_1436 : f32 to vector<16xf32>
      %gt3A_1438 = arith.cmpf ogt, %max3A_1435, %gt3A_1437 : vector<16xf32>
      %mul3A_1439 = arith.constant 2.000000e+00 : f32
      %mul3A_1440 = vector.broadcast %mul3A_1439 : f32 to vector<16xf32>
      %mul3A_1441 = arith.mulf %mul3A_1440, %max3A_1435 : vector<16xf32>
      %sub3A_1442 = arith.constant 1.000000e+00 : f32
      %sub3A_1443 = vector.broadcast %sub3A_1442 : f32 to vector<16xf32>
      %sub3A_1444 = arith.subf %sub3A_1443, %mul3A_1441 : vector<16xf32>
      %jit3A_1445 = arith.constant 0.000000e+00 : f32
      %broadcast_in_dim3A_1446 = vector.broadcast %jit3A_1445 : f32 to vector<16xf32>
      %select_n3A_1447 = arith.select %gt3A_1438, %sub3A_1444, %broadcast_in_dim3A_1446 : vector<16xi1>, vector<16xf32>
      %xor3A_1448 = arith.xori %xor3A_1423, %xor3A_718 : vector<16xi32>
      %eq3A_1449 = arith.constant 1 : i32
      %eq3A_1450 = vector.broadcast %eq3A_1449 : i32 to vector<16xi32>
      %eq3A_1451 = arith.cmpi eq, %xor3A_1448, %eq3A_1450 : vector<16xi32>
      %jit3A_1452 = arith.constant 0.000000e+00 : f32
      %broadcast_in_dim3A_1453 = vector.broadcast %jit3A_1452 : f32 to vector<16xf32>
      %select_n3A_1454 = arith.select %eq3A_1451, %select_n3A_1447, %broadcast_in_dim3A_1453 : vector<16xi1>, vector<16xf32>
      %add3A_1455 = arith.addf %add3A_1434, %select_n3A_1454 : vector<16xf32>
      %broadcast_in_dim3A_1456 = arith.constant 40340 : i32
      %broadcast_in_dim3A_1457 = vector.broadcast %broadcast_in_dim3A_1456 : i32 to vector<16xi32>
      %add3A_1458 = arith.addf %add3A_754, %add3A_758 : vector<16xf32>
      %add3A_1459 = arith.addf %add3A_660, %add3A_1458 : vector<16xf32>
      %max3A_1460 = arith.maximumf %max3A_1034, %max3A_1062 : vector<16xf32>
      %gt3A_1461 = arith.constant 0.000000e+00 : f32
      %gt3A_1462 = vector.broadcast %gt3A_1461 : f32 to vector<16xf32>
      %gt3A_1463 = arith.cmpf ogt, %max3A_1460, %gt3A_1462 : vector<16xf32>
      %mul3A_1464 = arith.constant 2.000000e+00 : f32
      %mul3A_1465 = vector.broadcast %mul3A_1464 : f32 to vector<16xf32>
      %mul3A_1466 = arith.mulf %mul3A_1465, %max3A_1460 : vector<16xf32>
      %sub3A_1467 = arith.constant 1.000000e+00 : f32
      %sub3A_1468 = vector.broadcast %sub3A_1467 : f32 to vector<16xf32>
      %sub3A_1469 = arith.subf %sub3A_1468, %mul3A_1466 : vector<16xf32>
      %jit3A_1470 = arith.constant 0.000000e+00 : f32
      %broadcast_in_dim3A_1471 = vector.broadcast %jit3A_1470 : f32 to vector<16xf32>
      %select_n3A_1472 = arith.select %gt3A_1463, %sub3A_1469, %broadcast_in_dim3A_1471 : vector<16xi1>, vector<16xf32>
      %xor3A_1473 = arith.xori %xor3A_1274, %xor3A_689 : vector<16xi32>
      %eq3A_1474 = arith.constant 1 : i32
      %eq3A_1475 = vector.broadcast %eq3A_1474 : i32 to vector<16xi32>
      %eq3A_1476 = arith.cmpi eq, %xor3A_1473, %eq3A_1475 : vector<16xi32>
      %jit3A_1477 = arith.constant 0.000000e+00 : f32
      %broadcast_in_dim3A_1478 = vector.broadcast %jit3A_1477 : f32 to vector<16xf32>
      %select_n3A_1479 = arith.select %eq3A_1476, %select_n3A_1472, %broadcast_in_dim3A_1478 : vector<16xi1>, vector<16xf32>
      %add3A_1480 = arith.addf %add3A_1459, %select_n3A_1479 : vector<16xf32>
      %broadcast_in_dim3A_1481 = arith.constant 6897 : i32
      %broadcast_in_dim3A_1482 = vector.broadcast %broadcast_in_dim3A_1481 : i32 to vector<16xi32>
      %add3A_1483 = arith.addf %add3A_751, %add3A_761 : vector<16xf32>
      %add3A_1484 = arith.addf %add3A_660, %add3A_1483 : vector<16xf32>
      %max3A_1485 = arith.maximumf %max3A_1061, %max3A_1035 : vector<16xf32>
      %gt3A_1486 = arith.constant 0.000000e+00 : f32
      %gt3A_1487 = vector.broadcast %gt3A_1486 : f32 to vector<16xf32>
      %gt3A_1488 = arith.cmpf ogt, %max3A_1485, %gt3A_1487 : vector<16xf32>
      %mul3A_1489 = arith.constant 2.000000e+00 : f32
      %mul3A_1490 = vector.broadcast %mul3A_1489 : f32 to vector<16xf32>
      %mul3A_1491 = arith.mulf %mul3A_1490, %max3A_1485 : vector<16xf32>
      %sub3A_1492 = arith.constant 1.000000e+00 : f32
      %sub3A_1493 = vector.broadcast %sub3A_1492 : f32 to vector<16xf32>
      %sub3A_1494 = arith.subf %sub3A_1493, %mul3A_1491 : vector<16xf32>
      %jit3A_1495 = arith.constant 0.000000e+00 : f32
      %broadcast_in_dim3A_1496 = vector.broadcast %jit3A_1495 : f32 to vector<16xf32>
      %select_n3A_1497 = arith.select %gt3A_1488, %sub3A_1494, %broadcast_in_dim3A_1496 : vector<16xi1>, vector<16xf32>
      %xor3A_1498 = arith.xori %xor3A_1473, %xor3A_718 : vector<16xi32>
      %eq3A_1499 = arith.constant 1 : i32
      %eq3A_1500 = vector.broadcast %eq3A_1499 : i32 to vector<16xi32>
      %eq3A_1501 = arith.cmpi eq, %xor3A_1498, %eq3A_1500 : vector<16xi32>
      %jit3A_1502 = arith.constant 0.000000e+00 : f32
      %broadcast_in_dim3A_1503 = vector.broadcast %jit3A_1502 : f32 to vector<16xf32>
      %select_n3A_1504 = arith.select %eq3A_1501, %select_n3A_1497, %broadcast_in_dim3A_1503 : vector<16xi1>, vector<16xf32>
      %add3A_1505 = arith.addf %add3A_1484, %select_n3A_1504 : vector<16xf32>
      %broadcast_in_dim3A_1506 = arith.constant 58638 : i32
      %broadcast_in_dim3A_1507 = vector.broadcast %broadcast_in_dim3A_1506 : i32 to vector<16xi32>
      %add3A_1508 = arith.addf %add3A_1086, %add3A_1116 : vector<16xf32>
      %add3A_1509 = arith.addf %add3A_660, %add3A_1508 : vector<16xf32>
      %max3A_1510 = arith.maximumf %max3A_1090, %max3A_1120 : vector<16xf32>
      %gt3A_1511 = arith.constant 0.000000e+00 : f32
      %gt3A_1512 = vector.broadcast %gt3A_1511 : f32 to vector<16xf32>
      %gt3A_1513 = arith.cmpf ogt, %max3A_1510, %gt3A_1512 : vector<16xf32>
      %mul3A_1514 = arith.constant 2.000000e+00 : f32
      %mul3A_1515 = vector.broadcast %mul3A_1514 : f32 to vector<16xf32>
      %mul3A_1516 = arith.mulf %mul3A_1515, %max3A_1510 : vector<16xf32>
      %sub3A_1517 = arith.constant 1.000000e+00 : f32
      %sub3A_1518 = vector.broadcast %sub3A_1517 : f32 to vector<16xf32>
      %sub3A_1519 = arith.subf %sub3A_1518, %mul3A_1516 : vector<16xf32>
      %jit3A_1520 = arith.constant 0.000000e+00 : f32
      %broadcast_in_dim3A_1521 = vector.broadcast %jit3A_1520 : f32 to vector<16xf32>
      %select_n3A_1522 = arith.select %gt3A_1513, %sub3A_1519, %broadcast_in_dim3A_1521 : vector<16xi1>, vector<16xf32>
      %xor3A_1523 = arith.xori %xor3A_1473, %xor3A_703 : vector<16xi32>
      %eq3A_1524 = arith.constant 1 : i32
      %eq3A_1525 = vector.broadcast %eq3A_1524 : i32 to vector<16xi32>
      %eq3A_1526 = arith.cmpi eq, %xor3A_1523, %eq3A_1525 : vector<16xi32>
      %jit3A_1527 = arith.constant 0.000000e+00 : f32
      %broadcast_in_dim3A_1528 = vector.broadcast %jit3A_1527 : f32 to vector<16xf32>
      %select_n3A_1529 = arith.select %eq3A_1526, %select_n3A_1522, %broadcast_in_dim3A_1528 : vector<16xi1>, vector<16xf32>
      %add3A_1530 = arith.addf %add3A_1509, %select_n3A_1529 : vector<16xf32>
      %broadcast_in_dim3A_1531 = arith.constant 22409 : i32
      %broadcast_in_dim3A_1532 = vector.broadcast %broadcast_in_dim3A_1531 : i32 to vector<16xi32>
      %add3A_1533 = arith.addf %add3A_1115, %add3A_1087 : vector<16xf32>
      %add3A_1534 = arith.addf %add3A_660, %add3A_1533 : vector<16xf32>
      %max3A_1535 = arith.maximumf %max3A_1119, %max3A_1091 : vector<16xf32>
      %gt3A_1536 = arith.constant 0.000000e+00 : f32
      %gt3A_1537 = vector.broadcast %gt3A_1536 : f32 to vector<16xf32>
      %gt3A_1538 = arith.cmpf ogt, %max3A_1535, %gt3A_1537 : vector<16xf32>
      %mul3A_1539 = arith.constant 2.000000e+00 : f32
      %mul3A_1540 = vector.broadcast %mul3A_1539 : f32 to vector<16xf32>
      %mul3A_1541 = arith.mulf %mul3A_1540, %max3A_1535 : vector<16xf32>
      %sub3A_1542 = arith.constant 1.000000e+00 : f32
      %sub3A_1543 = vector.broadcast %sub3A_1542 : f32 to vector<16xf32>
      %sub3A_1544 = arith.subf %sub3A_1543, %mul3A_1541 : vector<16xf32>
      %jit3A_1545 = arith.constant 0.000000e+00 : f32
      %broadcast_in_dim3A_1546 = vector.broadcast %jit3A_1545 : f32 to vector<16xf32>
      %select_n3A_1547 = arith.select %gt3A_1538, %sub3A_1544, %broadcast_in_dim3A_1546 : vector<16xi1>, vector<16xf32>
      %xor3A_1548 = arith.xori %xor3A_1523, %xor3A_718 : vector<16xi32>
      %eq3A_1549 = arith.constant 1 : i32
      %eq3A_1550 = vector.broadcast %eq3A_1549 : i32 to vector<16xi32>
      %eq3A_1551 = arith.cmpi eq, %xor3A_1548, %eq3A_1550 : vector<16xi32>
      %jit3A_1552 = arith.constant 0.000000e+00 : f32
      %broadcast_in_dim3A_1553 = vector.broadcast %jit3A_1552 : f32 to vector<16xf32>
      %select_n3A_1554 = arith.select %eq3A_1551, %select_n3A_1547, %broadcast_in_dim3A_1553 : vector<16xi1>, vector<16xf32>
      %add3A_1555 = arith.addf %add3A_1534, %select_n3A_1554 : vector<16xf32>
      %broadcast_in_dim3A_1556 = arith.constant 43126 : i32
      %broadcast_in_dim3A_1557 = vector.broadcast %broadcast_in_dim3A_1556 : i32 to vector<16xi32>
      %add3A_1558 = arith.addf %add3A_1144, %add3A_1174 : vector<16xf32>
      %add3A_1559 = arith.addf %add3A_660, %add3A_1558 : vector<16xf32>
      %max3A_1560 = arith.maximumf %max3A_1148, %max3A_1178 : vector<16xf32>
      %gt3A_1561 = arith.constant 0.000000e+00 : f32
      %gt3A_1562 = vector.broadcast %gt3A_1561 : f32 to vector<16xf32>
      %gt3A_1563 = arith.cmpf ogt, %max3A_1560, %gt3A_1562 : vector<16xf32>
      %mul3A_1564 = arith.constant 2.000000e+00 : f32
      %mul3A_1565 = vector.broadcast %mul3A_1564 : f32 to vector<16xf32>
      %mul3A_1566 = arith.mulf %mul3A_1565, %max3A_1560 : vector<16xf32>
      %sub3A_1567 = arith.constant 1.000000e+00 : f32
      %sub3A_1568 = vector.broadcast %sub3A_1567 : f32 to vector<16xf32>
      %sub3A_1569 = arith.subf %sub3A_1568, %mul3A_1566 : vector<16xf32>
      %jit3A_1570 = arith.constant 0.000000e+00 : f32
      %broadcast_in_dim3A_1571 = vector.broadcast %jit3A_1570 : f32 to vector<16xf32>
      %select_n3A_1572 = arith.select %gt3A_1563, %sub3A_1569, %broadcast_in_dim3A_1571 : vector<16xi1>, vector<16xf32>
      %xor3A_1573 = arith.xori %xor3A_1473, %xor3A_696 : vector<16xi32>
      %eq3A_1574 = arith.constant 1 : i32
      %eq3A_1575 = vector.broadcast %eq3A_1574 : i32 to vector<16xi32>
      %eq3A_1576 = arith.cmpi eq, %xor3A_1573, %eq3A_1575 : vector<16xi32>
      %jit3A_1577 = arith.constant 0.000000e+00 : f32
      %broadcast_in_dim3A_1578 = vector.broadcast %jit3A_1577 : f32 to vector<16xf32>
      %select_n3A_1579 = arith.select %eq3A_1576, %select_n3A_1572, %broadcast_in_dim3A_1578 : vector<16xi1>, vector<16xf32>
      %add3A_1580 = arith.addf %add3A_1559, %select_n3A_1579 : vector<16xf32>
      %broadcast_in_dim3A_1581 = arith.constant 15437 : i32
      %broadcast_in_dim3A_1582 = vector.broadcast %broadcast_in_dim3A_1581 : i32 to vector<16xi32>
      %add3A_1583 = arith.addf %add3A_1173, %add3A_1145 : vector<16xf32>
      %add3A_1584 = arith.addf %add3A_660, %add3A_1583 : vector<16xf32>
      %max3A_1585 = arith.maximumf %max3A_1177, %max3A_1149 : vector<16xf32>
      %gt3A_1586 = arith.constant 0.000000e+00 : f32
      %gt3A_1587 = vector.broadcast %gt3A_1586 : f32 to vector<16xf32>
      %gt3A_1588 = arith.cmpf ogt, %max3A_1585, %gt3A_1587 : vector<16xf32>
      %mul3A_1589 = arith.constant 2.000000e+00 : f32
      %mul3A_1590 = vector.broadcast %mul3A_1589 : f32 to vector<16xf32>
      %mul3A_1591 = arith.mulf %mul3A_1590, %max3A_1585 : vector<16xf32>
      %sub3A_1592 = arith.constant 1.000000e+00 : f32
      %sub3A_1593 = vector.broadcast %sub3A_1592 : f32 to vector<16xf32>
      %sub3A_1594 = arith.subf %sub3A_1593, %mul3A_1591 : vector<16xf32>
      %jit3A_1595 = arith.constant 0.000000e+00 : f32
      %broadcast_in_dim3A_1596 = vector.broadcast %jit3A_1595 : f32 to vector<16xf32>
      %select_n3A_1597 = arith.select %gt3A_1588, %sub3A_1594, %broadcast_in_dim3A_1596 : vector<16xi1>, vector<16xf32>
      %xor3A_1598 = arith.xori %xor3A_1573, %xor3A_718 : vector<16xi32>
      %eq3A_1599 = arith.constant 1 : i32
      %eq3A_1600 = vector.broadcast %eq3A_1599 : i32 to vector<16xi32>
      %eq3A_1601 = arith.cmpi eq, %xor3A_1598, %eq3A_1600 : vector<16xi32>
      %jit3A_1602 = arith.constant 0.000000e+00 : f32
      %broadcast_in_dim3A_1603 = vector.broadcast %jit3A_1602 : f32 to vector<16xf32>
      %select_n3A_1604 = arith.select %eq3A_1601, %select_n3A_1597, %broadcast_in_dim3A_1603 : vector<16xi1>, vector<16xf32>
      %add3A_1605 = arith.addf %add3A_1584, %select_n3A_1604 : vector<16xf32>
      %broadcast_in_dim3A_1606 = arith.constant 50098 : i32
      %broadcast_in_dim3A_1607 = vector.broadcast %broadcast_in_dim3A_1606 : i32 to vector<16xi32>
      %add3A_1608 = arith.addf %add3A_1202, %add3A_1232 : vector<16xf32>
      %add3A_1609 = arith.addf %add3A_660, %add3A_1608 : vector<16xf32>
      %max3A_1610 = arith.maximumf %max3A_1206, %max3A_1236 : vector<16xf32>
      %gt3A_1611 = arith.constant 0.000000e+00 : f32
      %gt3A_1612 = vector.broadcast %gt3A_1611 : f32 to vector<16xf32>
      %gt3A_1613 = arith.cmpf ogt, %max3A_1610, %gt3A_1612 : vector<16xf32>
      %mul3A_1614 = arith.constant 2.000000e+00 : f32
      %mul3A_1615 = vector.broadcast %mul3A_1614 : f32 to vector<16xf32>
      %mul3A_1616 = arith.mulf %mul3A_1615, %max3A_1610 : vector<16xf32>
      %sub3A_1617 = arith.constant 1.000000e+00 : f32
      %sub3A_1618 = vector.broadcast %sub3A_1617 : f32 to vector<16xf32>
      %sub3A_1619 = arith.subf %sub3A_1618, %mul3A_1616 : vector<16xf32>
      %jit3A_1620 = arith.constant 0.000000e+00 : f32
      %broadcast_in_dim3A_1621 = vector.broadcast %jit3A_1620 : f32 to vector<16xf32>
      %select_n3A_1622 = arith.select %gt3A_1613, %sub3A_1619, %broadcast_in_dim3A_1621 : vector<16xi1>, vector<16xf32>
      %xor3A_1623 = arith.xori %xor3A_1573, %xor3A_703 : vector<16xi32>
      %eq3A_1624 = arith.constant 1 : i32
      %eq3A_1625 = vector.broadcast %eq3A_1624 : i32 to vector<16xi32>
      %eq3A_1626 = arith.cmpi eq, %xor3A_1623, %eq3A_1625 : vector<16xi32>
      %jit3A_1627 = arith.constant 0.000000e+00 : f32
      %broadcast_in_dim3A_1628 = vector.broadcast %jit3A_1627 : f32 to vector<16xf32>
      %select_n3A_1629 = arith.select %eq3A_1626, %select_n3A_1622, %broadcast_in_dim3A_1628 : vector<16xi1>, vector<16xf32>
      %add3A_1630 = arith.addf %add3A_1609, %select_n3A_1629 : vector<16xf32>
      %broadcast_in_dim3A_1631 = arith.constant 28981 : i32
      %broadcast_in_dim3A_1632 = vector.broadcast %broadcast_in_dim3A_1631 : i32 to vector<16xi32>
      %add3A_1633 = arith.addf %add3A_1231, %add3A_1203 : vector<16xf32>
      %add3A_1634 = arith.addf %add3A_660, %add3A_1633 : vector<16xf32>
      %max3A_1635 = arith.maximumf %max3A_1235, %max3A_1207 : vector<16xf32>
      %gt3A_1636 = arith.constant 0.000000e+00 : f32
      %gt3A_1637 = vector.broadcast %gt3A_1636 : f32 to vector<16xf32>
      %gt3A_1638 = arith.cmpf ogt, %max3A_1635, %gt3A_1637 : vector<16xf32>
      %mul3A_1639 = arith.constant 2.000000e+00 : f32
      %mul3A_1640 = vector.broadcast %mul3A_1639 : f32 to vector<16xf32>
      %mul3A_1641 = arith.mulf %mul3A_1640, %max3A_1635 : vector<16xf32>
      %sub3A_1642 = arith.constant 1.000000e+00 : f32
      %sub3A_1643 = vector.broadcast %sub3A_1642 : f32 to vector<16xf32>
      %sub3A_1644 = arith.subf %sub3A_1643, %mul3A_1641 : vector<16xf32>
      %jit3A_1645 = arith.constant 0.000000e+00 : f32
      %broadcast_in_dim3A_1646 = vector.broadcast %jit3A_1645 : f32 to vector<16xf32>
      %select_n3A_1647 = arith.select %gt3A_1638, %sub3A_1644, %broadcast_in_dim3A_1646 : vector<16xi1>, vector<16xf32>
      %xor3A_1648 = arith.xori %xor3A_1623, %xor3A_718 : vector<16xi32>
      %eq3A_1649 = arith.constant 1 : i32
      %eq3A_1650 = vector.broadcast %eq3A_1649 : i32 to vector<16xi32>
      %eq3A_1651 = arith.cmpi eq, %xor3A_1648, %eq3A_1650 : vector<16xi32>
      %jit3A_1652 = arith.constant 0.000000e+00 : f32
      %broadcast_in_dim3A_1653 = vector.broadcast %jit3A_1652 : f32 to vector<16xf32>
      %select_n3A_1654 = arith.select %eq3A_1651, %select_n3A_1647, %broadcast_in_dim3A_1653 : vector<16xi1>, vector<16xf32>
      %add3A_1655 = arith.addf %add3A_1634, %select_n3A_1654 : vector<16xf32>
      %broadcast_in_dim3A_1656 = arith.constant 36554 : i32
      %broadcast_in_dim3A_1657 = vector.broadcast %broadcast_in_dim3A_1656 : i32 to vector<16xi32>
      %le3A = arith.cmpf ole, %add3A_746, %add3A_799 : vector<16xf32>
      %select_n3A_1658 = arith.select %le3A, %add3A_746, %add3A_799 : vector<16xi1>, vector<16xf32>
      %select_n3A_1659 = arith.select %le3A, %broadcast_in_dim3A_748, %broadcast_in_dim3A_801 : vector<16xi1>, vector<16xi32>
      %select_n3A_1660 = arith.select %le3A, %xor3A_675, %xor3A_792 : vector<16xi1>, vector<16xi32>
      %le3A_1661 = arith.cmpf ole, %add3A_844, %add3A_889 : vector<16xf32>
      %select_n3A_1662 = arith.select %le3A_1661, %add3A_844, %add3A_889 : vector<16xi1>, vector<16xf32>
      %select_n3A_1663 = arith.select %le3A_1661, %broadcast_in_dim3A_846, %broadcast_in_dim3A_891 : vector<16xi1>, vector<16xi32>
      %select_n3A_1664 = arith.select %le3A_1661, %xor3A_837, %xor3A_882 : vector<16xi1>, vector<16xi32>
      %le3A_1665 = arith.cmpf ole, %select_n3A_1658, %select_n3A_1662 : vector<16xf32>
      %select_n3A_1666 = arith.select %le3A_1665, %select_n3A_1658, %select_n3A_1662 : vector<16xi1>, vector<16xf32>
      %select_n3A_1667 = arith.select %le3A_1665, %select_n3A_1659, %select_n3A_1663 : vector<16xi1>, vector<16xi32>
      %select_n3A_1668 = arith.select %le3A_1665, %select_n3A_1660, %select_n3A_1664 : vector<16xi1>, vector<16xi32>
      %le3A_1669 = arith.cmpf ole, %add3A_922, %add3A_955 : vector<16xf32>
      %select_n3A_1670 = arith.select %le3A_1669, %add3A_922, %add3A_955 : vector<16xi1>, vector<16xf32>
      %select_n3A_1671 = arith.select %le3A_1669, %broadcast_in_dim3A_924, %broadcast_in_dim3A_957 : vector<16xi1>, vector<16xi32>
      %select_n3A_1672 = arith.select %le3A_1669, %xor3A_915, %xor3A_948 : vector<16xi1>, vector<16xi32>
      %le3A_1673 = arith.cmpf ole, %add3A_992, %add3A_1029 : vector<16xf32>
      %select_n3A_1674 = arith.select %le3A_1673, %add3A_992, %add3A_1029 : vector<16xi1>, vector<16xf32>
      %select_n3A_1675 = arith.select %le3A_1673, %broadcast_in_dim3A_994, %broadcast_in_dim3A_1031 : vector<16xi1>, vector<16xi32>
      %select_n3A_1676 = arith.select %le3A_1673, %xor3A_985, %xor3A_1022 : vector<16xi1>, vector<16xi32>
      %le3A_1677 = arith.cmpf ole, %select_n3A_1670, %select_n3A_1674 : vector<16xf32>
      %select_n3A_1678 = arith.select %le3A_1677, %select_n3A_1670, %select_n3A_1674 : vector<16xi1>, vector<16xf32>
      %select_n3A_1679 = arith.select %le3A_1677, %select_n3A_1671, %select_n3A_1675 : vector<16xi1>, vector<16xi32>
      %select_n3A_1680 = arith.select %le3A_1677, %select_n3A_1672, %select_n3A_1676 : vector<16xi1>, vector<16xi32>
      %le3A_1681 = arith.cmpf ole, %select_n3A_1666, %select_n3A_1678 : vector<16xf32>
      %select_n3A_1682 = arith.select %le3A_1681, %select_n3A_1666, %select_n3A_1678 : vector<16xi1>, vector<16xf32>
      %select_n3A_1683 = arith.select %le3A_1681, %select_n3A_1667, %select_n3A_1679 : vector<16xi1>, vector<16xi32>
      %select_n3A_1684 = arith.select %le3A_1681, %select_n3A_1668, %select_n3A_1680 : vector<16xi1>, vector<16xi32>
      %le3A_1685 = arith.cmpf ole, %add3A_1056, %add3A_1083 : vector<16xf32>
      %select_n3A_1686 = arith.select %le3A_1685, %add3A_1056, %add3A_1083 : vector<16xi1>, vector<16xf32>
      %select_n3A_1687 = arith.select %le3A_1685, %broadcast_in_dim3A_1058, %broadcast_in_dim3A_1085 : vector<16xi1>, vector<16xi32>
      %select_n3A_1688 = arith.select %le3A_1685, %xor3A_1049, %xor3A_1076 : vector<16xi1>, vector<16xi32>
      %le3A_1689 = arith.cmpf ole, %add3A_1112, %add3A_1141 : vector<16xf32>
      %select_n3A_1690 = arith.select %le3A_1689, %add3A_1112, %add3A_1141 : vector<16xi1>, vector<16xf32>
      %select_n3A_1691 = arith.select %le3A_1689, %broadcast_in_dim3A_1114, %broadcast_in_dim3A_1143 : vector<16xi1>, vector<16xi32>
      %select_n3A_1692 = arith.select %le3A_1689, %xor3A_1105, %xor3A_1134 : vector<16xi1>, vector<16xi32>
      %le3A_1693 = arith.cmpf ole, %select_n3A_1686, %select_n3A_1690 : vector<16xf32>
      %select_n3A_1694 = arith.select %le3A_1693, %select_n3A_1686, %select_n3A_1690 : vector<16xi1>, vector<16xf32>
      %select_n3A_1695 = arith.select %le3A_1693, %select_n3A_1687, %select_n3A_1691 : vector<16xi1>, vector<16xi32>
      %select_n3A_1696 = arith.select %le3A_1693, %select_n3A_1688, %select_n3A_1692 : vector<16xi1>, vector<16xi32>
      %le3A_1697 = arith.cmpf ole, %add3A_1170, %add3A_1199 : vector<16xf32>
      %select_n3A_1698 = arith.select %le3A_1697, %add3A_1170, %add3A_1199 : vector<16xi1>, vector<16xf32>
      %select_n3A_1699 = arith.select %le3A_1697, %broadcast_in_dim3A_1172, %broadcast_in_dim3A_1201 : vector<16xi1>, vector<16xi32>
      %select_n3A_1700 = arith.select %le3A_1697, %xor3A_1163, %xor3A_1192 : vector<16xi1>, vector<16xi32>
      %le3A_1701 = arith.cmpf ole, %add3A_1228, %add3A_1257 : vector<16xf32>
      %select_n3A_1702 = arith.select %le3A_1701, %add3A_1228, %add3A_1257 : vector<16xi1>, vector<16xf32>
      %select_n3A_1703 = arith.select %le3A_1701, %broadcast_in_dim3A_1230, %broadcast_in_dim3A_1259 : vector<16xi1>, vector<16xi32>
      %select_n3A_1704 = arith.select %le3A_1701, %xor3A_1221, %xor3A_1250 : vector<16xi1>, vector<16xi32>
      %le3A_1705 = arith.cmpf ole, %select_n3A_1698, %select_n3A_1702 : vector<16xf32>
      %select_n3A_1706 = arith.select %le3A_1705, %select_n3A_1698, %select_n3A_1702 : vector<16xi1>, vector<16xf32>
      %select_n3A_1707 = arith.select %le3A_1705, %select_n3A_1699, %select_n3A_1703 : vector<16xi1>, vector<16xi32>
      %select_n3A_1708 = arith.select %le3A_1705, %select_n3A_1700, %select_n3A_1704 : vector<16xi1>, vector<16xi32>
      %le3A_1709 = arith.cmpf ole, %select_n3A_1694, %select_n3A_1706 : vector<16xf32>
      %select_n3A_1710 = arith.select %le3A_1709, %select_n3A_1694, %select_n3A_1706 : vector<16xi1>, vector<16xf32>
      %select_n3A_1711 = arith.select %le3A_1709, %select_n3A_1695, %select_n3A_1707 : vector<16xi1>, vector<16xi32>
      %select_n3A_1712 = arith.select %le3A_1709, %select_n3A_1696, %select_n3A_1708 : vector<16xi1>, vector<16xi32>
      %le3A_1713 = arith.cmpf ole, %select_n3A_1682, %select_n3A_1710 : vector<16xf32>
      %select_n3A_1714 = arith.select %le3A_1713, %select_n3A_1682, %select_n3A_1710 : vector<16xi1>, vector<16xf32>
      %select_n3A_1715 = arith.select %le3A_1713, %select_n3A_1683, %select_n3A_1711 : vector<16xi1>, vector<16xi32>
      %select_n3A_1716 = arith.select %le3A_1713, %select_n3A_1684, %select_n3A_1712 : vector<16xi1>, vector<16xi32>
      %le3A_1717 = arith.cmpf ole, %add3A_1281, %add3A_1305 : vector<16xf32>
      %select_n3A_1718 = arith.select %le3A_1717, %add3A_1281, %add3A_1305 : vector<16xi1>, vector<16xf32>
      %select_n3A_1719 = arith.select %le3A_1717, %broadcast_in_dim3A_1283, %broadcast_in_dim3A_1307 : vector<16xi1>, vector<16xi32>
      %select_n3A_1720 = arith.select %le3A_1717, %xor3A_1274, %xor3A_1298 : vector<16xi1>, vector<16xi32>
      %le3A_1721 = arith.cmpf ole, %add3A_1330, %add3A_1355 : vector<16xf32>
      %select_n3A_1722 = arith.select %le3A_1721, %add3A_1330, %add3A_1355 : vector<16xi1>, vector<16xf32>
      %select_n3A_1723 = arith.select %le3A_1721, %broadcast_in_dim3A_1332, %broadcast_in_dim3A_1357 : vector<16xi1>, vector<16xi32>
      %select_n3A_1724 = arith.select %le3A_1721, %xor3A_1323, %xor3A_1348 : vector<16xi1>, vector<16xi32>
      %le3A_1725 = arith.cmpf ole, %select_n3A_1718, %select_n3A_1722 : vector<16xf32>
      %select_n3A_1726 = arith.select %le3A_1725, %select_n3A_1718, %select_n3A_1722 : vector<16xi1>, vector<16xf32>
      %select_n3A_1727 = arith.select %le3A_1725, %select_n3A_1719, %select_n3A_1723 : vector<16xi1>, vector<16xi32>
      %select_n3A_1728 = arith.select %le3A_1725, %select_n3A_1720, %select_n3A_1724 : vector<16xi1>, vector<16xi32>
      %le3A_1729 = arith.cmpf ole, %add3A_1380, %add3A_1405 : vector<16xf32>
      %select_n3A_1730 = arith.select %le3A_1729, %add3A_1380, %add3A_1405 : vector<16xi1>, vector<16xf32>
      %select_n3A_1731 = arith.select %le3A_1729, %broadcast_in_dim3A_1382, %broadcast_in_dim3A_1407 : vector<16xi1>, vector<16xi32>
      %select_n3A_1732 = arith.select %le3A_1729, %xor3A_1373, %xor3A_1398 : vector<16xi1>, vector<16xi32>
      %le3A_1733 = arith.cmpf ole, %add3A_1430, %add3A_1455 : vector<16xf32>
      %select_n3A_1734 = arith.select %le3A_1733, %add3A_1430, %add3A_1455 : vector<16xi1>, vector<16xf32>
      %select_n3A_1735 = arith.select %le3A_1733, %broadcast_in_dim3A_1432, %broadcast_in_dim3A_1457 : vector<16xi1>, vector<16xi32>
      %select_n3A_1736 = arith.select %le3A_1733, %xor3A_1423, %xor3A_1448 : vector<16xi1>, vector<16xi32>
      %le3A_1737 = arith.cmpf ole, %select_n3A_1730, %select_n3A_1734 : vector<16xf32>
      %select_n3A_1738 = arith.select %le3A_1737, %select_n3A_1730, %select_n3A_1734 : vector<16xi1>, vector<16xf32>
      %select_n3A_1739 = arith.select %le3A_1737, %select_n3A_1731, %select_n3A_1735 : vector<16xi1>, vector<16xi32>
      %select_n3A_1740 = arith.select %le3A_1737, %select_n3A_1732, %select_n3A_1736 : vector<16xi1>, vector<16xi32>
      %le3A_1741 = arith.cmpf ole, %select_n3A_1726, %select_n3A_1738 : vector<16xf32>
      %select_n3A_1742 = arith.select %le3A_1741, %select_n3A_1726, %select_n3A_1738 : vector<16xi1>, vector<16xf32>
      %select_n3A_1743 = arith.select %le3A_1741, %select_n3A_1727, %select_n3A_1739 : vector<16xi1>, vector<16xi32>
      %select_n3A_1744 = arith.select %le3A_1741, %select_n3A_1728, %select_n3A_1740 : vector<16xi1>, vector<16xi32>
      %le3A_1745 = arith.cmpf ole, %add3A_1480, %add3A_1505 : vector<16xf32>
      %select_n3A_1746 = arith.select %le3A_1745, %add3A_1480, %add3A_1505 : vector<16xi1>, vector<16xf32>
      %select_n3A_1747 = arith.select %le3A_1745, %broadcast_in_dim3A_1482, %broadcast_in_dim3A_1507 : vector<16xi1>, vector<16xi32>
      %select_n3A_1748 = arith.select %le3A_1745, %xor3A_1473, %xor3A_1498 : vector<16xi1>, vector<16xi32>
      %le3A_1749 = arith.cmpf ole, %add3A_1530, %add3A_1555 : vector<16xf32>
      %select_n3A_1750 = arith.select %le3A_1749, %add3A_1530, %add3A_1555 : vector<16xi1>, vector<16xf32>
      %select_n3A_1751 = arith.select %le3A_1749, %broadcast_in_dim3A_1532, %broadcast_in_dim3A_1557 : vector<16xi1>, vector<16xi32>
      %select_n3A_1752 = arith.select %le3A_1749, %xor3A_1523, %xor3A_1548 : vector<16xi1>, vector<16xi32>
      %le3A_1753 = arith.cmpf ole, %select_n3A_1746, %select_n3A_1750 : vector<16xf32>
      %select_n3A_1754 = arith.select %le3A_1753, %select_n3A_1746, %select_n3A_1750 : vector<16xi1>, vector<16xf32>
      %select_n3A_1755 = arith.select %le3A_1753, %select_n3A_1747, %select_n3A_1751 : vector<16xi1>, vector<16xi32>
      %select_n3A_1756 = arith.select %le3A_1753, %select_n3A_1748, %select_n3A_1752 : vector<16xi1>, vector<16xi32>
      %le3A_1757 = arith.cmpf ole, %add3A_1580, %add3A_1605 : vector<16xf32>
      %select_n3A_1758 = arith.select %le3A_1757, %add3A_1580, %add3A_1605 : vector<16xi1>, vector<16xf32>
      %select_n3A_1759 = arith.select %le3A_1757, %broadcast_in_dim3A_1582, %broadcast_in_dim3A_1607 : vector<16xi1>, vector<16xi32>
      %select_n3A_1760 = arith.select %le3A_1757, %xor3A_1573, %xor3A_1598 : vector<16xi1>, vector<16xi32>
      %le3A_1761 = arith.cmpf ole, %add3A_1630, %add3A_1655 : vector<16xf32>
      %select_n3A_1762 = arith.select %le3A_1761, %add3A_1630, %add3A_1655 : vector<16xi1>, vector<16xf32>
      %select_n3A_1763 = arith.select %le3A_1761, %broadcast_in_dim3A_1632, %broadcast_in_dim3A_1657 : vector<16xi1>, vector<16xi32>
      %select_n3A_1764 = arith.select %le3A_1761, %xor3A_1623, %xor3A_1648 : vector<16xi1>, vector<16xi32>
      %le3A_1765 = arith.cmpf ole, %select_n3A_1758, %select_n3A_1762 : vector<16xf32>
      %select_n3A_1766 = arith.select %le3A_1765, %select_n3A_1758, %select_n3A_1762 : vector<16xi1>, vector<16xf32>
      %select_n3A_1767 = arith.select %le3A_1765, %select_n3A_1759, %select_n3A_1763 : vector<16xi1>, vector<16xi32>
      %select_n3A_1768 = arith.select %le3A_1765, %select_n3A_1760, %select_n3A_1764 : vector<16xi1>, vector<16xi32>
      %le3A_1769 = arith.cmpf ole, %select_n3A_1754, %select_n3A_1766 : vector<16xf32>
      %select_n3A_1770 = arith.select %le3A_1769, %select_n3A_1754, %select_n3A_1766 : vector<16xi1>, vector<16xf32>
      %select_n3A_1771 = arith.select %le3A_1769, %select_n3A_1755, %select_n3A_1767 : vector<16xi1>, vector<16xi32>
      %select_n3A_1772 = arith.select %le3A_1769, %select_n3A_1756, %select_n3A_1768 : vector<16xi1>, vector<16xi32>
      %le3A_1773 = arith.cmpf ole, %select_n3A_1742, %select_n3A_1770 : vector<16xf32>
      %select_n3A_1774 = arith.select %le3A_1773, %select_n3A_1742, %select_n3A_1770 : vector<16xi1>, vector<16xf32>
      %select_n3A_1775 = arith.select %le3A_1773, %select_n3A_1743, %select_n3A_1771 : vector<16xi1>, vector<16xi32>
      %select_n3A_1776 = arith.select %le3A_1773, %select_n3A_1744, %select_n3A_1772 : vector<16xi1>, vector<16xi32>
      %le3A_1777 = arith.cmpf ole, %select_n3A_1714, %select_n3A_1774 : vector<16xf32>
      %select_n3A_1778 = arith.select %le3A_1777, %select_n3A_1714, %select_n3A_1774 : vector<16xi1>, vector<16xf32>
      %select_n3A_1779 = arith.select %le3A_1777, %select_n3A_1715, %select_n3A_1775 : vector<16xi1>, vector<16xi32>
      %select_n3A_1780 = arith.select %le3A_1777, %select_n3A_1716, %select_n3A_1776 : vector<16xi1>, vector<16xi32>
      %eq3A_1781 = arith.constant 1 : i32
      %eq3A_1782 = vector.broadcast %eq3A_1781 : i32 to vector<16xi32>
      %eq3A_1783 = arith.cmpi eq, %select_n3A_1780, %eq3A_1782 : vector<16xi32>
      %shift_right_arithmetic3A = arith.constant 0 : i32
      %shift_right_arithmetic3A_1784 = vector.broadcast %shift_right_arithmetic3A : i32 to vector<16xi32>
      %shift_right_arithmetic3A_1785 = arith.shrsi %select_n3A_1779, %shift_right_arithmetic3A_1784 : vector<16xi32>
      %and3A_1786 = arith.constant 1 : i32
      %and3A_1787 = vector.broadcast %and3A_1786 : i32 to vector<16xi32>
      %and3A_1788 = arith.andi %shift_right_arithmetic3A_1785, %and3A_1787 : vector<16xi32>
      %eq3A_1789 = arith.constant 1 : i32
      %eq3A_1790 = vector.broadcast %eq3A_1789 : i32 to vector<16xi32>
      %eq3A_1791 = arith.cmpi eq, %and3A_1788, %eq3A_1790 : vector<16xi32>
      %shift_right_arithmetic3A_1792 = arith.constant 1 : i32
      %shift_right_arithmetic3A_1793 = vector.broadcast %shift_right_arithmetic3A_1792 : i32 to vector<16xi32>
      %shift_right_arithmetic3A_1794 = arith.shrsi %select_n3A_1779, %shift_right_arithmetic3A_1793 : vector<16xi32>
      %and3A_1795 = arith.constant 1 : i32
      %and3A_1796 = vector.broadcast %and3A_1795 : i32 to vector<16xi32>
      %and3A_1797 = arith.andi %shift_right_arithmetic3A_1794, %and3A_1796 : vector<16xi32>
      %eq3A_1798 = arith.constant 1 : i32
      %eq3A_1799 = vector.broadcast %eq3A_1798 : i32 to vector<16xi32>
      %eq3A_1800 = arith.cmpi eq, %and3A_1797, %eq3A_1799 : vector<16xi32>
      %shift_right_arithmetic3A_1801 = arith.constant 2 : i32
      %shift_right_arithmetic3A_1802 = vector.broadcast %shift_right_arithmetic3A_1801 : i32 to vector<16xi32>
      %shift_right_arithmetic3A_1803 = arith.shrsi %select_n3A_1779, %shift_right_arithmetic3A_1802 : vector<16xi32>
      %and3A_1804 = arith.constant 1 : i32
      %and3A_1805 = vector.broadcast %and3A_1804 : i32 to vector<16xi32>
      %and3A_1806 = arith.andi %shift_right_arithmetic3A_1803, %and3A_1805 : vector<16xi32>
      %eq3A_1807 = arith.constant 1 : i32
      %eq3A_1808 = vector.broadcast %eq3A_1807 : i32 to vector<16xi32>
      %eq3A_1809 = arith.cmpi eq, %and3A_1806, %eq3A_1808 : vector<16xi32>
      %shift_right_arithmetic3A_1810 = arith.constant 3 : i32
      %shift_right_arithmetic3A_1811 = vector.broadcast %shift_right_arithmetic3A_1810 : i32 to vector<16xi32>
      %shift_right_arithmetic3A_1812 = arith.shrsi %select_n3A_1779, %shift_right_arithmetic3A_1811 : vector<16xi32>
      %and3A_1813 = arith.constant 1 : i32
      %and3A_1814 = vector.broadcast %and3A_1813 : i32 to vector<16xi32>
      %and3A_1815 = arith.andi %shift_right_arithmetic3A_1812, %and3A_1814 : vector<16xi32>
      %eq3A_1816 = arith.constant 1 : i32
      %eq3A_1817 = vector.broadcast %eq3A_1816 : i32 to vector<16xi32>
      %eq3A_1818 = arith.cmpi eq, %and3A_1815, %eq3A_1817 : vector<16xi32>
      %shift_right_arithmetic3A_1819 = arith.constant 4 : i32
      %shift_right_arithmetic3A_1820 = vector.broadcast %shift_right_arithmetic3A_1819 : i32 to vector<16xi32>
      %shift_right_arithmetic3A_1821 = arith.shrsi %select_n3A_1779, %shift_right_arithmetic3A_1820 : vector<16xi32>
      %and3A_1822 = arith.constant 1 : i32
      %and3A_1823 = vector.broadcast %and3A_1822 : i32 to vector<16xi32>
      %and3A_1824 = arith.andi %shift_right_arithmetic3A_1821, %and3A_1823 : vector<16xi32>
      %eq3A_1825 = arith.constant 1 : i32
      %eq3A_1826 = vector.broadcast %eq3A_1825 : i32 to vector<16xi32>
      %eq3A_1827 = arith.cmpi eq, %and3A_1824, %eq3A_1826 : vector<16xi32>
      %shift_right_arithmetic3A_1828 = arith.constant 5 : i32
      %shift_right_arithmetic3A_1829 = vector.broadcast %shift_right_arithmetic3A_1828 : i32 to vector<16xi32>
      %shift_right_arithmetic3A_1830 = arith.shrsi %select_n3A_1779, %shift_right_arithmetic3A_1829 : vector<16xi32>
      %and3A_1831 = arith.constant 1 : i32
      %and3A_1832 = vector.broadcast %and3A_1831 : i32 to vector<16xi32>
      %and3A_1833 = arith.andi %shift_right_arithmetic3A_1830, %and3A_1832 : vector<16xi32>
      %eq3A_1834 = arith.constant 1 : i32
      %eq3A_1835 = vector.broadcast %eq3A_1834 : i32 to vector<16xi32>
      %eq3A_1836 = arith.cmpi eq, %and3A_1833, %eq3A_1835 : vector<16xi32>
      %shift_right_arithmetic3A_1837 = arith.constant 6 : i32
      %shift_right_arithmetic3A_1838 = vector.broadcast %shift_right_arithmetic3A_1837 : i32 to vector<16xi32>
      %shift_right_arithmetic3A_1839 = arith.shrsi %select_n3A_1779, %shift_right_arithmetic3A_1838 : vector<16xi32>
      %and3A_1840 = arith.constant 1 : i32
      %and3A_1841 = vector.broadcast %and3A_1840 : i32 to vector<16xi32>
      %and3A_1842 = arith.andi %shift_right_arithmetic3A_1839, %and3A_1841 : vector<16xi32>
      %eq3A_1843 = arith.constant 1 : i32
      %eq3A_1844 = vector.broadcast %eq3A_1843 : i32 to vector<16xi32>
      %eq3A_1845 = arith.cmpi eq, %and3A_1842, %eq3A_1844 : vector<16xi32>
      %shift_right_arithmetic3A_1846 = arith.constant 7 : i32
      %shift_right_arithmetic3A_1847 = vector.broadcast %shift_right_arithmetic3A_1846 : i32 to vector<16xi32>
      %shift_right_arithmetic3A_1848 = arith.shrsi %select_n3A_1779, %shift_right_arithmetic3A_1847 : vector<16xi32>
      %and3A_1849 = arith.constant 1 : i32
      %and3A_1850 = vector.broadcast %and3A_1849 : i32 to vector<16xi32>
      %and3A_1851 = arith.andi %shift_right_arithmetic3A_1848, %and3A_1850 : vector<16xi32>
      %eq3A_1852 = arith.constant 1 : i32
      %eq3A_1853 = vector.broadcast %eq3A_1852 : i32 to vector<16xi32>
      %eq3A_1854 = arith.cmpi eq, %and3A_1851, %eq3A_1853 : vector<16xi32>
      %shift_right_arithmetic3A_1855 = arith.constant 8 : i32
      %shift_right_arithmetic3A_1856 = vector.broadcast %shift_right_arithmetic3A_1855 : i32 to vector<16xi32>
      %shift_right_arithmetic3A_1857 = arith.shrsi %select_n3A_1779, %shift_right_arithmetic3A_1856 : vector<16xi32>
      %and3A_1858 = arith.constant 1 : i32
      %and3A_1859 = vector.broadcast %and3A_1858 : i32 to vector<16xi32>
      %and3A_1860 = arith.andi %shift_right_arithmetic3A_1857, %and3A_1859 : vector<16xi32>
      %eq3A_1861 = arith.constant 1 : i32
      %eq3A_1862 = vector.broadcast %eq3A_1861 : i32 to vector<16xi32>
      %eq3A_1863 = arith.cmpi eq, %and3A_1860, %eq3A_1862 : vector<16xi32>
      %shift_right_arithmetic3A_1864 = arith.constant 9 : i32
      %shift_right_arithmetic3A_1865 = vector.broadcast %shift_right_arithmetic3A_1864 : i32 to vector<16xi32>
      %shift_right_arithmetic3A_1866 = arith.shrsi %select_n3A_1779, %shift_right_arithmetic3A_1865 : vector<16xi32>
      %and3A_1867 = arith.constant 1 : i32
      %and3A_1868 = vector.broadcast %and3A_1867 : i32 to vector<16xi32>
      %and3A_1869 = arith.andi %shift_right_arithmetic3A_1866, %and3A_1868 : vector<16xi32>
      %eq3A_1870 = arith.constant 1 : i32
      %eq3A_1871 = vector.broadcast %eq3A_1870 : i32 to vector<16xi32>
      %eq3A_1872 = arith.cmpi eq, %and3A_1869, %eq3A_1871 : vector<16xi32>
      %shift_right_arithmetic3A_1873 = arith.constant 10 : i32
      %shift_right_arithmetic3A_1874 = vector.broadcast %shift_right_arithmetic3A_1873 : i32 to vector<16xi32>
      %shift_right_arithmetic3A_1875 = arith.shrsi %select_n3A_1779, %shift_right_arithmetic3A_1874 : vector<16xi32>
      %and3A_1876 = arith.constant 1 : i32
      %and3A_1877 = vector.broadcast %and3A_1876 : i32 to vector<16xi32>
      %and3A_1878 = arith.andi %shift_right_arithmetic3A_1875, %and3A_1877 : vector<16xi32>
      %eq3A_1879 = arith.constant 1 : i32
      %eq3A_1880 = vector.broadcast %eq3A_1879 : i32 to vector<16xi32>
      %eq3A_1881 = arith.cmpi eq, %and3A_1878, %eq3A_1880 : vector<16xi32>
      %shift_right_arithmetic3A_1882 = arith.constant 11 : i32
      %shift_right_arithmetic3A_1883 = vector.broadcast %shift_right_arithmetic3A_1882 : i32 to vector<16xi32>
      %shift_right_arithmetic3A_1884 = arith.shrsi %select_n3A_1779, %shift_right_arithmetic3A_1883 : vector<16xi32>
      %and3A_1885 = arith.constant 1 : i32
      %and3A_1886 = vector.broadcast %and3A_1885 : i32 to vector<16xi32>
      %and3A_1887 = arith.andi %shift_right_arithmetic3A_1884, %and3A_1886 : vector<16xi32>
      %eq3A_1888 = arith.constant 1 : i32
      %eq3A_1889 = vector.broadcast %eq3A_1888 : i32 to vector<16xi32>
      %eq3A_1890 = arith.cmpi eq, %and3A_1887, %eq3A_1889 : vector<16xi32>
      %shift_right_arithmetic3A_1891 = arith.constant 12 : i32
      %shift_right_arithmetic3A_1892 = vector.broadcast %shift_right_arithmetic3A_1891 : i32 to vector<16xi32>
      %shift_right_arithmetic3A_1893 = arith.shrsi %select_n3A_1779, %shift_right_arithmetic3A_1892 : vector<16xi32>
      %and3A_1894 = arith.constant 1 : i32
      %and3A_1895 = vector.broadcast %and3A_1894 : i32 to vector<16xi32>
      %and3A_1896 = arith.andi %shift_right_arithmetic3A_1893, %and3A_1895 : vector<16xi32>
      %eq3A_1897 = arith.constant 1 : i32
      %eq3A_1898 = vector.broadcast %eq3A_1897 : i32 to vector<16xi32>
      %eq3A_1899 = arith.cmpi eq, %and3A_1896, %eq3A_1898 : vector<16xi32>
      %shift_right_arithmetic3A_1900 = arith.constant 13 : i32
      %shift_right_arithmetic3A_1901 = vector.broadcast %shift_right_arithmetic3A_1900 : i32 to vector<16xi32>
      %shift_right_arithmetic3A_1902 = arith.shrsi %select_n3A_1779, %shift_right_arithmetic3A_1901 : vector<16xi32>
      %and3A_1903 = arith.constant 1 : i32
      %and3A_1904 = vector.broadcast %and3A_1903 : i32 to vector<16xi32>
      %and3A_1905 = arith.andi %shift_right_arithmetic3A_1902, %and3A_1904 : vector<16xi32>
      %eq3A_1906 = arith.constant 1 : i32
      %eq3A_1907 = vector.broadcast %eq3A_1906 : i32 to vector<16xi32>
      %eq3A_1908 = arith.cmpi eq, %and3A_1905, %eq3A_1907 : vector<16xi32>
      %shift_right_arithmetic3A_1909 = arith.constant 14 : i32
      %shift_right_arithmetic3A_1910 = vector.broadcast %shift_right_arithmetic3A_1909 : i32 to vector<16xi32>
      %shift_right_arithmetic3A_1911 = arith.shrsi %select_n3A_1779, %shift_right_arithmetic3A_1910 : vector<16xi32>
      %and3A_1912 = arith.constant 1 : i32
      %and3A_1913 = vector.broadcast %and3A_1912 : i32 to vector<16xi32>
      %and3A_1914 = arith.andi %shift_right_arithmetic3A_1911, %and3A_1913 : vector<16xi32>
      %eq3A_1915 = arith.constant 1 : i32
      %eq3A_1916 = vector.broadcast %eq3A_1915 : i32 to vector<16xi32>
      %eq3A_1917 = arith.cmpi eq, %and3A_1914, %eq3A_1916 : vector<16xi32>
      %shift_right_arithmetic3A_1918 = arith.constant 15 : i32
      %shift_right_arithmetic3A_1919 = vector.broadcast %shift_right_arithmetic3A_1918 : i32 to vector<16xi32>
      %shift_right_arithmetic3A_1920 = arith.shrsi %select_n3A_1779, %shift_right_arithmetic3A_1919 : vector<16xi32>
      %and3A_1921 = arith.constant 1 : i32
      %and3A_1922 = vector.broadcast %and3A_1921 : i32 to vector<16xi32>
      %and3A_1923 = arith.andi %shift_right_arithmetic3A_1920, %and3A_1922 : vector<16xi32>
      %eq3A_1924 = arith.constant 1 : i32
      %eq3A_1925 = vector.broadcast %eq3A_1924 : i32 to vector<16xi32>
      %eq3A_1926 = arith.cmpi eq, %and3A_1923, %eq3A_1925 : vector<16xi32>
      %select_n3A_1927 = arith.select %eq3A_1791, %sub3A_425, %sub3A_250 : vector<16xi1>, vector<16xf32>
      %select_n3A_1928 = arith.select %eq3A_1800, %sub3A_426, %sub3A_251 : vector<16xi1>, vector<16xf32>
      %select_n3A_1929 = arith.select %eq3A_1809, %sub3A_427, %sub3A_252 : vector<16xi1>, vector<16xf32>
      %select_n3A_1930 = arith.select %eq3A_1818, %sub3A_428, %sub3A_253 : vector<16xi1>, vector<16xf32>
      %select_n3A_1931 = arith.select %eq3A_1827, %sub3A_429, %sub3A_254 : vector<16xi1>, vector<16xf32>
      %select_n3A_1932 = arith.select %eq3A_1836, %sub3A_430, %sub3A_255 : vector<16xi1>, vector<16xf32>
      %select_n3A_1933 = arith.select %eq3A_1845, %sub3A_431, %sub3A_256 : vector<16xi1>, vector<16xf32>
      %select_n3A_1934 = arith.select %eq3A_1854, %sub3A_432, %sub3A_257 : vector<16xi1>, vector<16xf32>
      %select_n3A_1935 = arith.select %eq3A_1863, %sub3A_433, %sub3A_258 : vector<16xi1>, vector<16xf32>
      %select_n3A_1936 = arith.select %eq3A_1872, %sub3A_434, %sub3A_259 : vector<16xi1>, vector<16xf32>
      %select_n3A_1937 = arith.select %eq3A_1881, %sub3A_435, %sub3A_260 : vector<16xi1>, vector<16xf32>
      %select_n3A_1938 = arith.select %eq3A_1890, %sub3A_436, %sub3A_261 : vector<16xi1>, vector<16xf32>
      %select_n3A_1939 = arith.select %eq3A_1899, %sub3A_437, %sub3A_262 : vector<16xi1>, vector<16xf32>
      %select_n3A_1940 = arith.select %eq3A_1908, %sub3A_438, %sub3A_263 : vector<16xi1>, vector<16xf32>
      %select_n3A_1941 = arith.select %eq3A_1917, %sub3A_439, %sub3A_264 : vector<16xi1>, vector<16xf32>
      %select_n3A_1942 = arith.select %eq3A_1926, %sub3A_440, %sub3A_265 : vector<16xi1>, vector<16xf32>
      %select_n3A_1943 = arith.select %eq3A_1791, %sub3A_379, %sub3A_204 : vector<16xi1>, vector<16xf32>
      %select_n3A_1944 = arith.select %eq3A_1800, %sub3A_382, %sub3A_207 : vector<16xi1>, vector<16xf32>
      %select_n3A_1945 = arith.select %eq3A_1809, %sub3A_385, %sub3A_210 : vector<16xi1>, vector<16xf32>
      %select_n3A_1946 = arith.select %eq3A_1818, %sub3A_388, %sub3A_213 : vector<16xi1>, vector<16xf32>
      %select_n3A_1947 = arith.select %eq3A_1827, %sub3A_391, %sub3A_216 : vector<16xi1>, vector<16xf32>
      %select_n3A_1948 = arith.select %eq3A_1836, %sub3A_394, %sub3A_219 : vector<16xi1>, vector<16xf32>
      %select_n3A_1949 = arith.select %eq3A_1845, %sub3A_397, %sub3A_222 : vector<16xi1>, vector<16xf32>
      %select_n3A_1950 = arith.select %eq3A_1854, %sub3A_400, %sub3A_225 : vector<16xi1>, vector<16xf32>
      %select_n3A_1951 = arith.select %eq3A_1863, %sub3A_403, %sub3A_228 : vector<16xi1>, vector<16xf32>
      %select_n3A_1952 = arith.select %eq3A_1872, %sub3A_406, %sub3A_231 : vector<16xi1>, vector<16xf32>
      %select_n3A_1953 = arith.select %eq3A_1881, %sub3A_409, %sub3A_234 : vector<16xi1>, vector<16xf32>
      %select_n3A_1954 = arith.select %eq3A_1890, %sub3A_412, %sub3A_237 : vector<16xi1>, vector<16xf32>
      %select_n3A_1955 = arith.select %eq3A_1899, %sub3A_415, %sub3A_240 : vector<16xi1>, vector<16xf32>
      %select_n3A_1956 = arith.select %eq3A_1908, %sub3A_418, %sub3A_243 : vector<16xi1>, vector<16xf32>
      %select_n3A_1957 = arith.select %eq3A_1917, %sub3A_421, %sub3A_246 : vector<16xi1>, vector<16xf32>
      %select_n3A_1958 = arith.select %eq3A_1926, %sub3A_424, %sub3A_249 : vector<16xi1>, vector<16xf32>
      %abs3A_1959 = math.absf %select_n3A_1927 : vector<16xf32>
      %abs3A_1960 = math.absf %select_n3A_1928 : vector<16xf32>
      %abs3A_1961 = math.absf %select_n3A_1929 : vector<16xf32>
      %abs3A_1962 = math.absf %select_n3A_1930 : vector<16xf32>
      %abs3A_1963 = math.absf %select_n3A_1931 : vector<16xf32>
      %abs3A_1964 = math.absf %select_n3A_1932 : vector<16xf32>
      %abs3A_1965 = math.absf %select_n3A_1933 : vector<16xf32>
      %abs3A_1966 = math.absf %select_n3A_1934 : vector<16xf32>
      %abs3A_1967 = math.absf %select_n3A_1935 : vector<16xf32>
      %abs3A_1968 = math.absf %select_n3A_1936 : vector<16xf32>
      %abs3A_1969 = math.absf %select_n3A_1937 : vector<16xf32>
      %abs3A_1970 = math.absf %select_n3A_1938 : vector<16xf32>
      %abs3A_1971 = math.absf %select_n3A_1939 : vector<16xf32>
      %abs3A_1972 = math.absf %select_n3A_1940 : vector<16xf32>
      %abs3A_1973 = math.absf %select_n3A_1941 : vector<16xf32>
      %abs3A_1974 = math.absf %select_n3A_1942 : vector<16xf32>
      %broadcast_in_dim3A_1975 = arith.constant 0 : i32
      %broadcast_in_dim3A_1976 = vector.broadcast %broadcast_in_dim3A_1975 : i32 to vector<16xi32>
      %broadcast_in_dim3A_1977 = arith.constant 1 : i32
      %broadcast_in_dim3A_1978 = vector.broadcast %broadcast_in_dim3A_1977 : i32 to vector<16xi32>
      %broadcast_in_dim3A_1979 = arith.constant 2 : i32
      %broadcast_in_dim3A_1980 = vector.broadcast %broadcast_in_dim3A_1979 : i32 to vector<16xi32>
      %broadcast_in_dim3A_1981 = arith.constant 3 : i32
      %broadcast_in_dim3A_1982 = vector.broadcast %broadcast_in_dim3A_1981 : i32 to vector<16xi32>
      %broadcast_in_dim3A_1983 = arith.constant 4 : i32
      %broadcast_in_dim3A_1984 = vector.broadcast %broadcast_in_dim3A_1983 : i32 to vector<16xi32>
      %broadcast_in_dim3A_1985 = arith.constant 5 : i32
      %broadcast_in_dim3A_1986 = vector.broadcast %broadcast_in_dim3A_1985 : i32 to vector<16xi32>
      %broadcast_in_dim3A_1987 = arith.constant 6 : i32
      %broadcast_in_dim3A_1988 = vector.broadcast %broadcast_in_dim3A_1987 : i32 to vector<16xi32>
      %broadcast_in_dim3A_1989 = arith.constant 7 : i32
      %broadcast_in_dim3A_1990 = vector.broadcast %broadcast_in_dim3A_1989 : i32 to vector<16xi32>
      %broadcast_in_dim3A_1991 = arith.constant 8 : i32
      %broadcast_in_dim3A_1992 = vector.broadcast %broadcast_in_dim3A_1991 : i32 to vector<16xi32>
      %broadcast_in_dim3A_1993 = arith.constant 9 : i32
      %broadcast_in_dim3A_1994 = vector.broadcast %broadcast_in_dim3A_1993 : i32 to vector<16xi32>
      %broadcast_in_dim3A_1995 = arith.constant 10 : i32
      %broadcast_in_dim3A_1996 = vector.broadcast %broadcast_in_dim3A_1995 : i32 to vector<16xi32>
      %broadcast_in_dim3A_1997 = arith.constant 11 : i32
      %broadcast_in_dim3A_1998 = vector.broadcast %broadcast_in_dim3A_1997 : i32 to vector<16xi32>
      %broadcast_in_dim3A_1999 = arith.constant 12 : i32
      %broadcast_in_dim3A_2000 = vector.broadcast %broadcast_in_dim3A_1999 : i32 to vector<16xi32>
      %broadcast_in_dim3A_2001 = arith.constant 13 : i32
      %broadcast_in_dim3A_2002 = vector.broadcast %broadcast_in_dim3A_2001 : i32 to vector<16xi32>
      %broadcast_in_dim3A_2003 = arith.constant 14 : i32
      %broadcast_in_dim3A_2004 = vector.broadcast %broadcast_in_dim3A_2003 : i32 to vector<16xi32>
      %broadcast_in_dim3A_2005 = arith.constant 15 : i32
      %broadcast_in_dim3A_2006 = vector.broadcast %broadcast_in_dim3A_2005 : i32 to vector<16xi32>
      %ge3A = arith.cmpf oge, %abs3A_1959, %abs3A_1960 : vector<16xf32>
      %select_n3A_2007 = arith.select %ge3A, %abs3A_1959, %abs3A_1960 : vector<16xi1>, vector<16xf32>
      %select_n3A_2008 = arith.select %ge3A, %broadcast_in_dim3A_1976, %broadcast_in_dim3A_1978 : vector<16xi1>, vector<16xi32>
      %ge3A_2009 = arith.cmpf oge, %abs3A_1961, %abs3A_1962 : vector<16xf32>
      %select_n3A_2010 = arith.select %ge3A_2009, %abs3A_1961, %abs3A_1962 : vector<16xi1>, vector<16xf32>
      %select_n3A_2011 = arith.select %ge3A_2009, %broadcast_in_dim3A_1980, %broadcast_in_dim3A_1982 : vector<16xi1>, vector<16xi32>
      %ge3A_2012 = arith.cmpf oge, %select_n3A_2007, %select_n3A_2010 : vector<16xf32>
      %select_n3A_2013 = arith.select %ge3A_2012, %select_n3A_2007, %select_n3A_2010 : vector<16xi1>, vector<16xf32>
      %select_n3A_2014 = arith.select %ge3A_2012, %select_n3A_2008, %select_n3A_2011 : vector<16xi1>, vector<16xi32>
      %ge3A_2015 = arith.cmpf oge, %abs3A_1963, %abs3A_1964 : vector<16xf32>
      %select_n3A_2016 = arith.select %ge3A_2015, %abs3A_1963, %abs3A_1964 : vector<16xi1>, vector<16xf32>
      %select_n3A_2017 = arith.select %ge3A_2015, %broadcast_in_dim3A_1984, %broadcast_in_dim3A_1986 : vector<16xi1>, vector<16xi32>
      %ge3A_2018 = arith.cmpf oge, %abs3A_1965, %abs3A_1966 : vector<16xf32>
      %select_n3A_2019 = arith.select %ge3A_2018, %abs3A_1965, %abs3A_1966 : vector<16xi1>, vector<16xf32>
      %select_n3A_2020 = arith.select %ge3A_2018, %broadcast_in_dim3A_1988, %broadcast_in_dim3A_1990 : vector<16xi1>, vector<16xi32>
      %ge3A_2021 = arith.cmpf oge, %select_n3A_2016, %select_n3A_2019 : vector<16xf32>
      %select_n3A_2022 = arith.select %ge3A_2021, %select_n3A_2016, %select_n3A_2019 : vector<16xi1>, vector<16xf32>
      %select_n3A_2023 = arith.select %ge3A_2021, %select_n3A_2017, %select_n3A_2020 : vector<16xi1>, vector<16xi32>
      %ge3A_2024 = arith.cmpf oge, %select_n3A_2013, %select_n3A_2022 : vector<16xf32>
      %select_n3A_2025 = arith.select %ge3A_2024, %select_n3A_2013, %select_n3A_2022 : vector<16xi1>, vector<16xf32>
      %select_n3A_2026 = arith.select %ge3A_2024, %select_n3A_2014, %select_n3A_2023 : vector<16xi1>, vector<16xi32>
      %ge3A_2027 = arith.cmpf oge, %abs3A_1967, %abs3A_1968 : vector<16xf32>
      %select_n3A_2028 = arith.select %ge3A_2027, %abs3A_1967, %abs3A_1968 : vector<16xi1>, vector<16xf32>
      %select_n3A_2029 = arith.select %ge3A_2027, %broadcast_in_dim3A_1992, %broadcast_in_dim3A_1994 : vector<16xi1>, vector<16xi32>
      %ge3A_2030 = arith.cmpf oge, %abs3A_1969, %abs3A_1970 : vector<16xf32>
      %select_n3A_2031 = arith.select %ge3A_2030, %abs3A_1969, %abs3A_1970 : vector<16xi1>, vector<16xf32>
      %select_n3A_2032 = arith.select %ge3A_2030, %broadcast_in_dim3A_1996, %broadcast_in_dim3A_1998 : vector<16xi1>, vector<16xi32>
      %ge3A_2033 = arith.cmpf oge, %select_n3A_2028, %select_n3A_2031 : vector<16xf32>
      %select_n3A_2034 = arith.select %ge3A_2033, %select_n3A_2028, %select_n3A_2031 : vector<16xi1>, vector<16xf32>
      %select_n3A_2035 = arith.select %ge3A_2033, %select_n3A_2029, %select_n3A_2032 : vector<16xi1>, vector<16xi32>
      %ge3A_2036 = arith.cmpf oge, %abs3A_1971, %abs3A_1972 : vector<16xf32>
      %select_n3A_2037 = arith.select %ge3A_2036, %abs3A_1971, %abs3A_1972 : vector<16xi1>, vector<16xf32>
      %select_n3A_2038 = arith.select %ge3A_2036, %broadcast_in_dim3A_2000, %broadcast_in_dim3A_2002 : vector<16xi1>, vector<16xi32>
      %ge3A_2039 = arith.cmpf oge, %abs3A_1973, %abs3A_1974 : vector<16xf32>
      %select_n3A_2040 = arith.select %ge3A_2039, %abs3A_1973, %abs3A_1974 : vector<16xi1>, vector<16xf32>
      %select_n3A_2041 = arith.select %ge3A_2039, %broadcast_in_dim3A_2004, %broadcast_in_dim3A_2006 : vector<16xi1>, vector<16xi32>
      %ge3A_2042 = arith.cmpf oge, %select_n3A_2037, %select_n3A_2040 : vector<16xf32>
      %select_n3A_2043 = arith.select %ge3A_2042, %select_n3A_2037, %select_n3A_2040 : vector<16xi1>, vector<16xf32>
      %select_n3A_2044 = arith.select %ge3A_2042, %select_n3A_2038, %select_n3A_2041 : vector<16xi1>, vector<16xi32>
      %ge3A_2045 = arith.cmpf oge, %select_n3A_2034, %select_n3A_2043 : vector<16xf32>
      %select_n3A_2046 = arith.select %ge3A_2045, %select_n3A_2034, %select_n3A_2043 : vector<16xi1>, vector<16xf32>
      %select_n3A_2047 = arith.select %ge3A_2045, %select_n3A_2035, %select_n3A_2044 : vector<16xi1>, vector<16xi32>
      %ge3A_2048 = arith.cmpf oge, %select_n3A_2025, %select_n3A_2046 : vector<16xf32>
      %select_n3A_2049 = arith.select %ge3A_2048, %select_n3A_2025, %select_n3A_2046 : vector<16xi1>, vector<16xf32>
      %select_n3A_2050 = arith.select %ge3A_2048, %select_n3A_2026, %select_n3A_2047 : vector<16xi1>, vector<16xi32>
      %jit3A_2051 = arith.constant 16 : i32
      %broadcast_in_dim3A_2052 = vector.broadcast %jit3A_2051 : i32 to vector<16xi32>
      %select_n3A_2053 = arith.select %eq3A_1783, %select_n3A_2050, %broadcast_in_dim3A_2052 : vector<16xi1>, vector<16xi32>
      %jit3A_2054 = arith.constant 1.000000e+00 : f32
      %jit3A_2055 = arith.constant 0.000000e+00 : f32
      %broadcast_in_dim3A_2056 = vector.broadcast %jit3A_2054 : f32 to vector<16xf32>
      %broadcast_in_dim3A_2057 = vector.broadcast %jit3A_2055 : f32 to vector<16xf32>
      %select_n3A_2058 = arith.select %eq3A_1791, %broadcast_in_dim3A_2056, %broadcast_in_dim3A_2057 : vector<16xi1>, vector<16xf32>
      %mul3A_2059 = arith.constant 2.000000e+00 : f32
      %mul3A_2060 = vector.broadcast %mul3A_2059 : f32 to vector<16xf32>
      %mul3A_2061 = arith.mulf %select_n3A_1943, %mul3A_2060 : vector<16xf32>
      %add3A_2062 = arith.addf %mul3A_2061, %select_n3A_2058 : vector<16xf32>
      %eq3A_2063 = arith.constant 0 : i32
      %eq3A_2064 = vector.broadcast %eq3A_2063 : i32 to vector<16xi32>
      %eq3A_2065 = arith.cmpi eq, %select_n3A_2053, %eq3A_2064 : vector<16xi32>
      %sign3A = tpu.bitcast %select_n3A_1927 : vector<16xf32> -> vector<16xi32>
      %sign3A_2066 = arith.constant -2147483648 : i32
      %sign3A_2067 = vector.broadcast %sign3A_2066 : i32 to vector<16xi32>
      %sign3A_2068 = arith.andi %sign3A, %sign3A_2067 : vector<16xi32>
      %sign3A_2069 = arith.constant 1065353216 : i32
      %sign3A_2070 = vector.broadcast %sign3A_2069 : i32 to vector<16xi32>
      %sign3A_2071 = arith.ori %sign3A_2070, %sign3A_2068 : vector<16xi32>
      %sign3A_2072 = tpu.bitcast %sign3A_2071 : vector<16xi32> -> vector<16xf32>
      %sign3A_2073 = math.absf %select_n3A_1927 : vector<16xf32>
      %sign3A_2074 = arith.constant 0.000000e+00 : f32
      %sign3A_2075 = vector.broadcast %sign3A_2074 : f32 to vector<16xf32>
      %sign3A_2076 = arith.cmpf ogt, %sign3A_2073, %sign3A_2075 : vector<16xf32>
      %sign3A_2077 = arith.select %sign3A_2076, %sign3A_2072, %select_n3A_1927 : vector<16xi1>, vector<16xf32>
      %add3A_2078 = arith.addf %sign3A_2077, %sign3A_2077 : vector<16xf32>
      %jit3A_2079 = arith.constant 0.000000e+00 : f32
      %broadcast_in_dim3A_2080 = vector.broadcast %jit3A_2079 : f32 to vector<16xf32>
      %select_n3A_2081 = arith.select %eq3A_2065, %add3A_2078, %broadcast_in_dim3A_2080 : vector<16xi1>, vector<16xf32>
      %add3A_2082 = arith.addf %add3A_2062, %select_n3A_2081 : vector<16xf32>
      %mul3A_2083 = arith.mulf %add3A_2082, %get3A_4 : vector<16xf32>
      %jit3A_2084 = arith.constant 1.000000e+00 : f32
      %jit3A_2085 = arith.constant 0.000000e+00 : f32
      %broadcast_in_dim3A_2086 = vector.broadcast %jit3A_2084 : f32 to vector<16xf32>
      %broadcast_in_dim3A_2087 = vector.broadcast %jit3A_2085 : f32 to vector<16xf32>
      %select_n3A_2088 = arith.select %eq3A_1800, %broadcast_in_dim3A_2086, %broadcast_in_dim3A_2087 : vector<16xi1>, vector<16xf32>
      %mul3A_2089 = arith.constant 2.000000e+00 : f32
      %mul3A_2090 = vector.broadcast %mul3A_2089 : f32 to vector<16xf32>
      %mul3A_2091 = arith.mulf %select_n3A_1944, %mul3A_2090 : vector<16xf32>
      %add3A_2092 = arith.addf %mul3A_2091, %select_n3A_2088 : vector<16xf32>
      %eq3A_2093 = arith.constant 1 : i32
      %eq3A_2094 = vector.broadcast %eq3A_2093 : i32 to vector<16xi32>
      %eq3A_2095 = arith.cmpi eq, %select_n3A_2053, %eq3A_2094 : vector<16xi32>
      %sign3A_2096 = tpu.bitcast %select_n3A_1928 : vector<16xf32> -> vector<16xi32>
      %sign3A_2097 = arith.constant -2147483648 : i32
      %sign3A_2098 = vector.broadcast %sign3A_2097 : i32 to vector<16xi32>
      %sign3A_2099 = arith.andi %sign3A_2096, %sign3A_2098 : vector<16xi32>
      %sign3A_2100 = arith.constant 1065353216 : i32
      %sign3A_2101 = vector.broadcast %sign3A_2100 : i32 to vector<16xi32>
      %sign3A_2102 = arith.ori %sign3A_2101, %sign3A_2099 : vector<16xi32>
      %sign3A_2103 = tpu.bitcast %sign3A_2102 : vector<16xi32> -> vector<16xf32>
      %sign3A_2104 = math.absf %select_n3A_1928 : vector<16xf32>
      %sign3A_2105 = arith.constant 0.000000e+00 : f32
      %sign3A_2106 = vector.broadcast %sign3A_2105 : f32 to vector<16xf32>
      %sign3A_2107 = arith.cmpf ogt, %sign3A_2104, %sign3A_2106 : vector<16xf32>
      %sign3A_2108 = arith.select %sign3A_2107, %sign3A_2103, %select_n3A_1928 : vector<16xi1>, vector<16xf32>
      %add3A_2109 = arith.addf %sign3A_2108, %sign3A_2108 : vector<16xf32>
      %jit3A_2110 = arith.constant 0.000000e+00 : f32
      %broadcast_in_dim3A_2111 = vector.broadcast %jit3A_2110 : f32 to vector<16xf32>
      %select_n3A_2112 = arith.select %eq3A_2095, %add3A_2109, %broadcast_in_dim3A_2111 : vector<16xi1>, vector<16xf32>
      %add3A_2113 = arith.addf %add3A_2092, %select_n3A_2112 : vector<16xf32>
      %mul3A_2114 = arith.mulf %add3A_2113, %get3A_4 : vector<16xf32>
      %jit3A_2115 = arith.constant 1.000000e+00 : f32
      %jit3A_2116 = arith.constant 0.000000e+00 : f32
      %broadcast_in_dim3A_2117 = vector.broadcast %jit3A_2115 : f32 to vector<16xf32>
      %broadcast_in_dim3A_2118 = vector.broadcast %jit3A_2116 : f32 to vector<16xf32>
      %select_n3A_2119 = arith.select %eq3A_1809, %broadcast_in_dim3A_2117, %broadcast_in_dim3A_2118 : vector<16xi1>, vector<16xf32>
      %mul3A_2120 = arith.constant 2.000000e+00 : f32
      %mul3A_2121 = vector.broadcast %mul3A_2120 : f32 to vector<16xf32>
      %mul3A_2122 = arith.mulf %select_n3A_1945, %mul3A_2121 : vector<16xf32>
      %add3A_2123 = arith.addf %mul3A_2122, %select_n3A_2119 : vector<16xf32>
      %eq3A_2124 = arith.constant 2 : i32
      %eq3A_2125 = vector.broadcast %eq3A_2124 : i32 to vector<16xi32>
      %eq3A_2126 = arith.cmpi eq, %select_n3A_2053, %eq3A_2125 : vector<16xi32>
      %sign3A_2127 = tpu.bitcast %select_n3A_1929 : vector<16xf32> -> vector<16xi32>
      %sign3A_2128 = arith.constant -2147483648 : i32
      %sign3A_2129 = vector.broadcast %sign3A_2128 : i32 to vector<16xi32>
      %sign3A_2130 = arith.andi %sign3A_2127, %sign3A_2129 : vector<16xi32>
      %sign3A_2131 = arith.constant 1065353216 : i32
      %sign3A_2132 = vector.broadcast %sign3A_2131 : i32 to vector<16xi32>
      %sign3A_2133 = arith.ori %sign3A_2132, %sign3A_2130 : vector<16xi32>
      %sign3A_2134 = tpu.bitcast %sign3A_2133 : vector<16xi32> -> vector<16xf32>
      %sign3A_2135 = math.absf %select_n3A_1929 : vector<16xf32>
      %sign3A_2136 = arith.constant 0.000000e+00 : f32
      %sign3A_2137 = vector.broadcast %sign3A_2136 : f32 to vector<16xf32>
      %sign3A_2138 = arith.cmpf ogt, %sign3A_2135, %sign3A_2137 : vector<16xf32>
      %sign3A_2139 = arith.select %sign3A_2138, %sign3A_2134, %select_n3A_1929 : vector<16xi1>, vector<16xf32>
      %add3A_2140 = arith.addf %sign3A_2139, %sign3A_2139 : vector<16xf32>
      %jit3A_2141 = arith.constant 0.000000e+00 : f32
      %broadcast_in_dim3A_2142 = vector.broadcast %jit3A_2141 : f32 to vector<16xf32>
      %select_n3A_2143 = arith.select %eq3A_2126, %add3A_2140, %broadcast_in_dim3A_2142 : vector<16xi1>, vector<16xf32>
      %add3A_2144 = arith.addf %add3A_2123, %select_n3A_2143 : vector<16xf32>
      %mul3A_2145 = arith.mulf %add3A_2144, %get3A_4 : vector<16xf32>
      %jit3A_2146 = arith.constant 1.000000e+00 : f32
      %jit3A_2147 = arith.constant 0.000000e+00 : f32
      %broadcast_in_dim3A_2148 = vector.broadcast %jit3A_2146 : f32 to vector<16xf32>
      %broadcast_in_dim3A_2149 = vector.broadcast %jit3A_2147 : f32 to vector<16xf32>
      %select_n3A_2150 = arith.select %eq3A_1818, %broadcast_in_dim3A_2148, %broadcast_in_dim3A_2149 : vector<16xi1>, vector<16xf32>
      %mul3A_2151 = arith.constant 2.000000e+00 : f32
      %mul3A_2152 = vector.broadcast %mul3A_2151 : f32 to vector<16xf32>
      %mul3A_2153 = arith.mulf %select_n3A_1946, %mul3A_2152 : vector<16xf32>
      %add3A_2154 = arith.addf %mul3A_2153, %select_n3A_2150 : vector<16xf32>
      %eq3A_2155 = arith.constant 3 : i32
      %eq3A_2156 = vector.broadcast %eq3A_2155 : i32 to vector<16xi32>
      %eq3A_2157 = arith.cmpi eq, %select_n3A_2053, %eq3A_2156 : vector<16xi32>
      %sign3A_2158 = tpu.bitcast %select_n3A_1930 : vector<16xf32> -> vector<16xi32>
      %sign3A_2159 = arith.constant -2147483648 : i32
      %sign3A_2160 = vector.broadcast %sign3A_2159 : i32 to vector<16xi32>
      %sign3A_2161 = arith.andi %sign3A_2158, %sign3A_2160 : vector<16xi32>
      %sign3A_2162 = arith.constant 1065353216 : i32
      %sign3A_2163 = vector.broadcast %sign3A_2162 : i32 to vector<16xi32>
      %sign3A_2164 = arith.ori %sign3A_2163, %sign3A_2161 : vector<16xi32>
      %sign3A_2165 = tpu.bitcast %sign3A_2164 : vector<16xi32> -> vector<16xf32>
      %sign3A_2166 = math.absf %select_n3A_1930 : vector<16xf32>
      %sign3A_2167 = arith.constant 0.000000e+00 : f32
      %sign3A_2168 = vector.broadcast %sign3A_2167 : f32 to vector<16xf32>
      %sign3A_2169 = arith.cmpf ogt, %sign3A_2166, %sign3A_2168 : vector<16xf32>
      %sign3A_2170 = arith.select %sign3A_2169, %sign3A_2165, %select_n3A_1930 : vector<16xi1>, vector<16xf32>
      %add3A_2171 = arith.addf %sign3A_2170, %sign3A_2170 : vector<16xf32>
      %jit3A_2172 = arith.constant 0.000000e+00 : f32
      %broadcast_in_dim3A_2173 = vector.broadcast %jit3A_2172 : f32 to vector<16xf32>
      %select_n3A_2174 = arith.select %eq3A_2157, %add3A_2171, %broadcast_in_dim3A_2173 : vector<16xi1>, vector<16xf32>
      %add3A_2175 = arith.addf %add3A_2154, %select_n3A_2174 : vector<16xf32>
      %mul3A_2176 = arith.mulf %add3A_2175, %get3A_4 : vector<16xf32>
      %jit3A_2177 = arith.constant 1.000000e+00 : f32
      %jit3A_2178 = arith.constant 0.000000e+00 : f32
      %broadcast_in_dim3A_2179 = vector.broadcast %jit3A_2177 : f32 to vector<16xf32>
      %broadcast_in_dim3A_2180 = vector.broadcast %jit3A_2178 : f32 to vector<16xf32>
      %select_n3A_2181 = arith.select %eq3A_1827, %broadcast_in_dim3A_2179, %broadcast_in_dim3A_2180 : vector<16xi1>, vector<16xf32>
      %mul3A_2182 = arith.constant 2.000000e+00 : f32
      %mul3A_2183 = vector.broadcast %mul3A_2182 : f32 to vector<16xf32>
      %mul3A_2184 = arith.mulf %select_n3A_1947, %mul3A_2183 : vector<16xf32>
      %add3A_2185 = arith.addf %mul3A_2184, %select_n3A_2181 : vector<16xf32>
      %eq3A_2186 = arith.constant 4 : i32
      %eq3A_2187 = vector.broadcast %eq3A_2186 : i32 to vector<16xi32>
      %eq3A_2188 = arith.cmpi eq, %select_n3A_2053, %eq3A_2187 : vector<16xi32>
      %sign3A_2189 = tpu.bitcast %select_n3A_1931 : vector<16xf32> -> vector<16xi32>
      %sign3A_2190 = arith.constant -2147483648 : i32
      %sign3A_2191 = vector.broadcast %sign3A_2190 : i32 to vector<16xi32>
      %sign3A_2192 = arith.andi %sign3A_2189, %sign3A_2191 : vector<16xi32>
      %sign3A_2193 = arith.constant 1065353216 : i32
      %sign3A_2194 = vector.broadcast %sign3A_2193 : i32 to vector<16xi32>
      %sign3A_2195 = arith.ori %sign3A_2194, %sign3A_2192 : vector<16xi32>
      %sign3A_2196 = tpu.bitcast %sign3A_2195 : vector<16xi32> -> vector<16xf32>
      %sign3A_2197 = math.absf %select_n3A_1931 : vector<16xf32>
      %sign3A_2198 = arith.constant 0.000000e+00 : f32
      %sign3A_2199 = vector.broadcast %sign3A_2198 : f32 to vector<16xf32>
      %sign3A_2200 = arith.cmpf ogt, %sign3A_2197, %sign3A_2199 : vector<16xf32>
      %sign3A_2201 = arith.select %sign3A_2200, %sign3A_2196, %select_n3A_1931 : vector<16xi1>, vector<16xf32>
      %add3A_2202 = arith.addf %sign3A_2201, %sign3A_2201 : vector<16xf32>
      %jit3A_2203 = arith.constant 0.000000e+00 : f32
      %broadcast_in_dim3A_2204 = vector.broadcast %jit3A_2203 : f32 to vector<16xf32>
      %select_n3A_2205 = arith.select %eq3A_2188, %add3A_2202, %broadcast_in_dim3A_2204 : vector<16xi1>, vector<16xf32>
      %add3A_2206 = arith.addf %add3A_2185, %select_n3A_2205 : vector<16xf32>
      %mul3A_2207 = arith.mulf %add3A_2206, %get3A_4 : vector<16xf32>
      %jit3A_2208 = arith.constant 1.000000e+00 : f32
      %jit3A_2209 = arith.constant 0.000000e+00 : f32
      %broadcast_in_dim3A_2210 = vector.broadcast %jit3A_2208 : f32 to vector<16xf32>
      %broadcast_in_dim3A_2211 = vector.broadcast %jit3A_2209 : f32 to vector<16xf32>
      %select_n3A_2212 = arith.select %eq3A_1836, %broadcast_in_dim3A_2210, %broadcast_in_dim3A_2211 : vector<16xi1>, vector<16xf32>
      %mul3A_2213 = arith.constant 2.000000e+00 : f32
      %mul3A_2214 = vector.broadcast %mul3A_2213 : f32 to vector<16xf32>
      %mul3A_2215 = arith.mulf %select_n3A_1948, %mul3A_2214 : vector<16xf32>
      %add3A_2216 = arith.addf %mul3A_2215, %select_n3A_2212 : vector<16xf32>
      %eq3A_2217 = arith.constant 5 : i32
      %eq3A_2218 = vector.broadcast %eq3A_2217 : i32 to vector<16xi32>
      %eq3A_2219 = arith.cmpi eq, %select_n3A_2053, %eq3A_2218 : vector<16xi32>
      %sign3A_2220 = tpu.bitcast %select_n3A_1932 : vector<16xf32> -> vector<16xi32>
      %sign3A_2221 = arith.constant -2147483648 : i32
      %sign3A_2222 = vector.broadcast %sign3A_2221 : i32 to vector<16xi32>
      %sign3A_2223 = arith.andi %sign3A_2220, %sign3A_2222 : vector<16xi32>
      %sign3A_2224 = arith.constant 1065353216 : i32
      %sign3A_2225 = vector.broadcast %sign3A_2224 : i32 to vector<16xi32>
      %sign3A_2226 = arith.ori %sign3A_2225, %sign3A_2223 : vector<16xi32>
      %sign3A_2227 = tpu.bitcast %sign3A_2226 : vector<16xi32> -> vector<16xf32>
      %sign3A_2228 = math.absf %select_n3A_1932 : vector<16xf32>
      %sign3A_2229 = arith.constant 0.000000e+00 : f32
      %sign3A_2230 = vector.broadcast %sign3A_2229 : f32 to vector<16xf32>
      %sign3A_2231 = arith.cmpf ogt, %sign3A_2228, %sign3A_2230 : vector<16xf32>
      %sign3A_2232 = arith.select %sign3A_2231, %sign3A_2227, %select_n3A_1932 : vector<16xi1>, vector<16xf32>
      %add3A_2233 = arith.addf %sign3A_2232, %sign3A_2232 : vector<16xf32>
      %jit3A_2234 = arith.constant 0.000000e+00 : f32
      %broadcast_in_dim3A_2235 = vector.broadcast %jit3A_2234 : f32 to vector<16xf32>
      %select_n3A_2236 = arith.select %eq3A_2219, %add3A_2233, %broadcast_in_dim3A_2235 : vector<16xi1>, vector<16xf32>
      %add3A_2237 = arith.addf %add3A_2216, %select_n3A_2236 : vector<16xf32>
      %mul3A_2238 = arith.mulf %add3A_2237, %get3A_4 : vector<16xf32>
      %jit3A_2239 = arith.constant 1.000000e+00 : f32
      %jit3A_2240 = arith.constant 0.000000e+00 : f32
      %broadcast_in_dim3A_2241 = vector.broadcast %jit3A_2239 : f32 to vector<16xf32>
      %broadcast_in_dim3A_2242 = vector.broadcast %jit3A_2240 : f32 to vector<16xf32>
      %select_n3A_2243 = arith.select %eq3A_1845, %broadcast_in_dim3A_2241, %broadcast_in_dim3A_2242 : vector<16xi1>, vector<16xf32>
      %mul3A_2244 = arith.constant 2.000000e+00 : f32
      %mul3A_2245 = vector.broadcast %mul3A_2244 : f32 to vector<16xf32>
      %mul3A_2246 = arith.mulf %select_n3A_1949, %mul3A_2245 : vector<16xf32>
      %add3A_2247 = arith.addf %mul3A_2246, %select_n3A_2243 : vector<16xf32>
      %eq3A_2248 = arith.constant 6 : i32
      %eq3A_2249 = vector.broadcast %eq3A_2248 : i32 to vector<16xi32>
      %eq3A_2250 = arith.cmpi eq, %select_n3A_2053, %eq3A_2249 : vector<16xi32>
      %sign3A_2251 = tpu.bitcast %select_n3A_1933 : vector<16xf32> -> vector<16xi32>
      %sign3A_2252 = arith.constant -2147483648 : i32
      %sign3A_2253 = vector.broadcast %sign3A_2252 : i32 to vector<16xi32>
      %sign3A_2254 = arith.andi %sign3A_2251, %sign3A_2253 : vector<16xi32>
      %sign3A_2255 = arith.constant 1065353216 : i32
      %sign3A_2256 = vector.broadcast %sign3A_2255 : i32 to vector<16xi32>
      %sign3A_2257 = arith.ori %sign3A_2256, %sign3A_2254 : vector<16xi32>
      %sign3A_2258 = tpu.bitcast %sign3A_2257 : vector<16xi32> -> vector<16xf32>
      %sign3A_2259 = math.absf %select_n3A_1933 : vector<16xf32>
      %sign3A_2260 = arith.constant 0.000000e+00 : f32
      %sign3A_2261 = vector.broadcast %sign3A_2260 : f32 to vector<16xf32>
      %sign3A_2262 = arith.cmpf ogt, %sign3A_2259, %sign3A_2261 : vector<16xf32>
      %sign3A_2263 = arith.select %sign3A_2262, %sign3A_2258, %select_n3A_1933 : vector<16xi1>, vector<16xf32>
      %add3A_2264 = arith.addf %sign3A_2263, %sign3A_2263 : vector<16xf32>
      %jit3A_2265 = arith.constant 0.000000e+00 : f32
      %broadcast_in_dim3A_2266 = vector.broadcast %jit3A_2265 : f32 to vector<16xf32>
      %select_n3A_2267 = arith.select %eq3A_2250, %add3A_2264, %broadcast_in_dim3A_2266 : vector<16xi1>, vector<16xf32>
      %add3A_2268 = arith.addf %add3A_2247, %select_n3A_2267 : vector<16xf32>
      %mul3A_2269 = arith.mulf %add3A_2268, %get3A_4 : vector<16xf32>
      %jit3A_2270 = arith.constant 1.000000e+00 : f32
      %jit3A_2271 = arith.constant 0.000000e+00 : f32
      %broadcast_in_dim3A_2272 = vector.broadcast %jit3A_2270 : f32 to vector<16xf32>
      %broadcast_in_dim3A_2273 = vector.broadcast %jit3A_2271 : f32 to vector<16xf32>
      %select_n3A_2274 = arith.select %eq3A_1854, %broadcast_in_dim3A_2272, %broadcast_in_dim3A_2273 : vector<16xi1>, vector<16xf32>
      %mul3A_2275 = arith.constant 2.000000e+00 : f32
      %mul3A_2276 = vector.broadcast %mul3A_2275 : f32 to vector<16xf32>
      %mul3A_2277 = arith.mulf %select_n3A_1950, %mul3A_2276 : vector<16xf32>
      %add3A_2278 = arith.addf %mul3A_2277, %select_n3A_2274 : vector<16xf32>
      %eq3A_2279 = arith.constant 7 : i32
      %eq3A_2280 = vector.broadcast %eq3A_2279 : i32 to vector<16xi32>
      %eq3A_2281 = arith.cmpi eq, %select_n3A_2053, %eq3A_2280 : vector<16xi32>
      %sign3A_2282 = tpu.bitcast %select_n3A_1934 : vector<16xf32> -> vector<16xi32>
      %sign3A_2283 = arith.constant -2147483648 : i32
      %sign3A_2284 = vector.broadcast %sign3A_2283 : i32 to vector<16xi32>
      %sign3A_2285 = arith.andi %sign3A_2282, %sign3A_2284 : vector<16xi32>
      %sign3A_2286 = arith.constant 1065353216 : i32
      %sign3A_2287 = vector.broadcast %sign3A_2286 : i32 to vector<16xi32>
      %sign3A_2288 = arith.ori %sign3A_2287, %sign3A_2285 : vector<16xi32>
      %sign3A_2289 = tpu.bitcast %sign3A_2288 : vector<16xi32> -> vector<16xf32>
      %sign3A_2290 = math.absf %select_n3A_1934 : vector<16xf32>
      %sign3A_2291 = arith.constant 0.000000e+00 : f32
      %sign3A_2292 = vector.broadcast %sign3A_2291 : f32 to vector<16xf32>
      %sign3A_2293 = arith.cmpf ogt, %sign3A_2290, %sign3A_2292 : vector<16xf32>
      %sign3A_2294 = arith.select %sign3A_2293, %sign3A_2289, %select_n3A_1934 : vector<16xi1>, vector<16xf32>
      %add3A_2295 = arith.addf %sign3A_2294, %sign3A_2294 : vector<16xf32>
      %jit3A_2296 = arith.constant 0.000000e+00 : f32
      %broadcast_in_dim3A_2297 = vector.broadcast %jit3A_2296 : f32 to vector<16xf32>
      %select_n3A_2298 = arith.select %eq3A_2281, %add3A_2295, %broadcast_in_dim3A_2297 : vector<16xi1>, vector<16xf32>
      %add3A_2299 = arith.addf %add3A_2278, %select_n3A_2298 : vector<16xf32>
      %mul3A_2300 = arith.mulf %add3A_2299, %get3A_4 : vector<16xf32>
      %jit3A_2301 = arith.constant 1.000000e+00 : f32
      %jit3A_2302 = arith.constant 0.000000e+00 : f32
      %broadcast_in_dim3A_2303 = vector.broadcast %jit3A_2301 : f32 to vector<16xf32>
      %broadcast_in_dim3A_2304 = vector.broadcast %jit3A_2302 : f32 to vector<16xf32>
      %select_n3A_2305 = arith.select %eq3A_1863, %broadcast_in_dim3A_2303, %broadcast_in_dim3A_2304 : vector<16xi1>, vector<16xf32>
      %mul3A_2306 = arith.constant 2.000000e+00 : f32
      %mul3A_2307 = vector.broadcast %mul3A_2306 : f32 to vector<16xf32>
      %mul3A_2308 = arith.mulf %select_n3A_1951, %mul3A_2307 : vector<16xf32>
      %add3A_2309 = arith.addf %mul3A_2308, %select_n3A_2305 : vector<16xf32>
      %eq3A_2310 = arith.constant 8 : i32
      %eq3A_2311 = vector.broadcast %eq3A_2310 : i32 to vector<16xi32>
      %eq3A_2312 = arith.cmpi eq, %select_n3A_2053, %eq3A_2311 : vector<16xi32>
      %sign3A_2313 = tpu.bitcast %select_n3A_1935 : vector<16xf32> -> vector<16xi32>
      %sign3A_2314 = arith.constant -2147483648 : i32
      %sign3A_2315 = vector.broadcast %sign3A_2314 : i32 to vector<16xi32>
      %sign3A_2316 = arith.andi %sign3A_2313, %sign3A_2315 : vector<16xi32>
      %sign3A_2317 = arith.constant 1065353216 : i32
      %sign3A_2318 = vector.broadcast %sign3A_2317 : i32 to vector<16xi32>
      %sign3A_2319 = arith.ori %sign3A_2318, %sign3A_2316 : vector<16xi32>
      %sign3A_2320 = tpu.bitcast %sign3A_2319 : vector<16xi32> -> vector<16xf32>
      %sign3A_2321 = math.absf %select_n3A_1935 : vector<16xf32>
      %sign3A_2322 = arith.constant 0.000000e+00 : f32
      %sign3A_2323 = vector.broadcast %sign3A_2322 : f32 to vector<16xf32>
      %sign3A_2324 = arith.cmpf ogt, %sign3A_2321, %sign3A_2323 : vector<16xf32>
      %sign3A_2325 = arith.select %sign3A_2324, %sign3A_2320, %select_n3A_1935 : vector<16xi1>, vector<16xf32>
      %add3A_2326 = arith.addf %sign3A_2325, %sign3A_2325 : vector<16xf32>
      %jit3A_2327 = arith.constant 0.000000e+00 : f32
      %broadcast_in_dim3A_2328 = vector.broadcast %jit3A_2327 : f32 to vector<16xf32>
      %select_n3A_2329 = arith.select %eq3A_2312, %add3A_2326, %broadcast_in_dim3A_2328 : vector<16xi1>, vector<16xf32>
      %add3A_2330 = arith.addf %add3A_2309, %select_n3A_2329 : vector<16xf32>
      %mul3A_2331 = arith.mulf %add3A_2330, %get3A_4 : vector<16xf32>
      %jit3A_2332 = arith.constant 1.000000e+00 : f32
      %jit3A_2333 = arith.constant 0.000000e+00 : f32
      %broadcast_in_dim3A_2334 = vector.broadcast %jit3A_2332 : f32 to vector<16xf32>
      %broadcast_in_dim3A_2335 = vector.broadcast %jit3A_2333 : f32 to vector<16xf32>
      %select_n3A_2336 = arith.select %eq3A_1872, %broadcast_in_dim3A_2334, %broadcast_in_dim3A_2335 : vector<16xi1>, vector<16xf32>
      %mul3A_2337 = arith.constant 2.000000e+00 : f32
      %mul3A_2338 = vector.broadcast %mul3A_2337 : f32 to vector<16xf32>
      %mul3A_2339 = arith.mulf %select_n3A_1952, %mul3A_2338 : vector<16xf32>
      %add3A_2340 = arith.addf %mul3A_2339, %select_n3A_2336 : vector<16xf32>
      %eq3A_2341 = arith.constant 9 : i32
      %eq3A_2342 = vector.broadcast %eq3A_2341 : i32 to vector<16xi32>
      %eq3A_2343 = arith.cmpi eq, %select_n3A_2053, %eq3A_2342 : vector<16xi32>
      %sign3A_2344 = tpu.bitcast %select_n3A_1936 : vector<16xf32> -> vector<16xi32>
      %sign3A_2345 = arith.constant -2147483648 : i32
      %sign3A_2346 = vector.broadcast %sign3A_2345 : i32 to vector<16xi32>
      %sign3A_2347 = arith.andi %sign3A_2344, %sign3A_2346 : vector<16xi32>
      %sign3A_2348 = arith.constant 1065353216 : i32
      %sign3A_2349 = vector.broadcast %sign3A_2348 : i32 to vector<16xi32>
      %sign3A_2350 = arith.ori %sign3A_2349, %sign3A_2347 : vector<16xi32>
      %sign3A_2351 = tpu.bitcast %sign3A_2350 : vector<16xi32> -> vector<16xf32>
      %sign3A_2352 = math.absf %select_n3A_1936 : vector<16xf32>
      %sign3A_2353 = arith.constant 0.000000e+00 : f32
      %sign3A_2354 = vector.broadcast %sign3A_2353 : f32 to vector<16xf32>
      %sign3A_2355 = arith.cmpf ogt, %sign3A_2352, %sign3A_2354 : vector<16xf32>
      %sign3A_2356 = arith.select %sign3A_2355, %sign3A_2351, %select_n3A_1936 : vector<16xi1>, vector<16xf32>
      %add3A_2357 = arith.addf %sign3A_2356, %sign3A_2356 : vector<16xf32>
      %jit3A_2358 = arith.constant 0.000000e+00 : f32
      %broadcast_in_dim3A_2359 = vector.broadcast %jit3A_2358 : f32 to vector<16xf32>
      %select_n3A_2360 = arith.select %eq3A_2343, %add3A_2357, %broadcast_in_dim3A_2359 : vector<16xi1>, vector<16xf32>
      %add3A_2361 = arith.addf %add3A_2340, %select_n3A_2360 : vector<16xf32>
      %mul3A_2362 = arith.mulf %add3A_2361, %get3A_4 : vector<16xf32>
      %jit3A_2363 = arith.constant 1.000000e+00 : f32
      %jit3A_2364 = arith.constant 0.000000e+00 : f32
      %broadcast_in_dim3A_2365 = vector.broadcast %jit3A_2363 : f32 to vector<16xf32>
      %broadcast_in_dim3A_2366 = vector.broadcast %jit3A_2364 : f32 to vector<16xf32>
      %select_n3A_2367 = arith.select %eq3A_1881, %broadcast_in_dim3A_2365, %broadcast_in_dim3A_2366 : vector<16xi1>, vector<16xf32>
      %mul3A_2368 = arith.constant 2.000000e+00 : f32
      %mul3A_2369 = vector.broadcast %mul3A_2368 : f32 to vector<16xf32>
      %mul3A_2370 = arith.mulf %select_n3A_1953, %mul3A_2369 : vector<16xf32>
      %add3A_2371 = arith.addf %mul3A_2370, %select_n3A_2367 : vector<16xf32>
      %eq3A_2372 = arith.constant 10 : i32
      %eq3A_2373 = vector.broadcast %eq3A_2372 : i32 to vector<16xi32>
      %eq3A_2374 = arith.cmpi eq, %select_n3A_2053, %eq3A_2373 : vector<16xi32>
      %sign3A_2375 = tpu.bitcast %select_n3A_1937 : vector<16xf32> -> vector<16xi32>
      %sign3A_2376 = arith.constant -2147483648 : i32
      %sign3A_2377 = vector.broadcast %sign3A_2376 : i32 to vector<16xi32>
      %sign3A_2378 = arith.andi %sign3A_2375, %sign3A_2377 : vector<16xi32>
      %sign3A_2379 = arith.constant 1065353216 : i32
      %sign3A_2380 = vector.broadcast %sign3A_2379 : i32 to vector<16xi32>
      %sign3A_2381 = arith.ori %sign3A_2380, %sign3A_2378 : vector<16xi32>
      %sign3A_2382 = tpu.bitcast %sign3A_2381 : vector<16xi32> -> vector<16xf32>
      %sign3A_2383 = math.absf %select_n3A_1937 : vector<16xf32>
      %sign3A_2384 = arith.constant 0.000000e+00 : f32
      %sign3A_2385 = vector.broadcast %sign3A_2384 : f32 to vector<16xf32>
      %sign3A_2386 = arith.cmpf ogt, %sign3A_2383, %sign3A_2385 : vector<16xf32>
      %sign3A_2387 = arith.select %sign3A_2386, %sign3A_2382, %select_n3A_1937 : vector<16xi1>, vector<16xf32>
      %add3A_2388 = arith.addf %sign3A_2387, %sign3A_2387 : vector<16xf32>
      %jit3A_2389 = arith.constant 0.000000e+00 : f32
      %broadcast_in_dim3A_2390 = vector.broadcast %jit3A_2389 : f32 to vector<16xf32>
      %select_n3A_2391 = arith.select %eq3A_2374, %add3A_2388, %broadcast_in_dim3A_2390 : vector<16xi1>, vector<16xf32>
      %add3A_2392 = arith.addf %add3A_2371, %select_n3A_2391 : vector<16xf32>
      %mul3A_2393 = arith.mulf %add3A_2392, %get3A_4 : vector<16xf32>
      %jit3A_2394 = arith.constant 1.000000e+00 : f32
      %jit3A_2395 = arith.constant 0.000000e+00 : f32
      %broadcast_in_dim3A_2396 = vector.broadcast %jit3A_2394 : f32 to vector<16xf32>
      %broadcast_in_dim3A_2397 = vector.broadcast %jit3A_2395 : f32 to vector<16xf32>
      %select_n3A_2398 = arith.select %eq3A_1890, %broadcast_in_dim3A_2396, %broadcast_in_dim3A_2397 : vector<16xi1>, vector<16xf32>
      %mul3A_2399 = arith.constant 2.000000e+00 : f32
      %mul3A_2400 = vector.broadcast %mul3A_2399 : f32 to vector<16xf32>
      %mul3A_2401 = arith.mulf %select_n3A_1954, %mul3A_2400 : vector<16xf32>
      %add3A_2402 = arith.addf %mul3A_2401, %select_n3A_2398 : vector<16xf32>
      %eq3A_2403 = arith.constant 11 : i32
      %eq3A_2404 = vector.broadcast %eq3A_2403 : i32 to vector<16xi32>
      %eq3A_2405 = arith.cmpi eq, %select_n3A_2053, %eq3A_2404 : vector<16xi32>
      %sign3A_2406 = tpu.bitcast %select_n3A_1938 : vector<16xf32> -> vector<16xi32>
      %sign3A_2407 = arith.constant -2147483648 : i32
      %sign3A_2408 = vector.broadcast %sign3A_2407 : i32 to vector<16xi32>
      %sign3A_2409 = arith.andi %sign3A_2406, %sign3A_2408 : vector<16xi32>
      %sign3A_2410 = arith.constant 1065353216 : i32
      %sign3A_2411 = vector.broadcast %sign3A_2410 : i32 to vector<16xi32>
      %sign3A_2412 = arith.ori %sign3A_2411, %sign3A_2409 : vector<16xi32>
      %sign3A_2413 = tpu.bitcast %sign3A_2412 : vector<16xi32> -> vector<16xf32>
      %sign3A_2414 = math.absf %select_n3A_1938 : vector<16xf32>
      %sign3A_2415 = arith.constant 0.000000e+00 : f32
      %sign3A_2416 = vector.broadcast %sign3A_2415 : f32 to vector<16xf32>
      %sign3A_2417 = arith.cmpf ogt, %sign3A_2414, %sign3A_2416 : vector<16xf32>
      %sign3A_2418 = arith.select %sign3A_2417, %sign3A_2413, %select_n3A_1938 : vector<16xi1>, vector<16xf32>
      %add3A_2419 = arith.addf %sign3A_2418, %sign3A_2418 : vector<16xf32>
      %jit3A_2420 = arith.constant 0.000000e+00 : f32
      %broadcast_in_dim3A_2421 = vector.broadcast %jit3A_2420 : f32 to vector<16xf32>
      %select_n3A_2422 = arith.select %eq3A_2405, %add3A_2419, %broadcast_in_dim3A_2421 : vector<16xi1>, vector<16xf32>
      %add3A_2423 = arith.addf %add3A_2402, %select_n3A_2422 : vector<16xf32>
      %mul3A_2424 = arith.mulf %add3A_2423, %get3A_4 : vector<16xf32>
      %jit3A_2425 = arith.constant 1.000000e+00 : f32
      %jit3A_2426 = arith.constant 0.000000e+00 : f32
      %broadcast_in_dim3A_2427 = vector.broadcast %jit3A_2425 : f32 to vector<16xf32>
      %broadcast_in_dim3A_2428 = vector.broadcast %jit3A_2426 : f32 to vector<16xf32>
      %select_n3A_2429 = arith.select %eq3A_1899, %broadcast_in_dim3A_2427, %broadcast_in_dim3A_2428 : vector<16xi1>, vector<16xf32>
      %mul3A_2430 = arith.constant 2.000000e+00 : f32
      %mul3A_2431 = vector.broadcast %mul3A_2430 : f32 to vector<16xf32>
      %mul3A_2432 = arith.mulf %select_n3A_1955, %mul3A_2431 : vector<16xf32>
      %add3A_2433 = arith.addf %mul3A_2432, %select_n3A_2429 : vector<16xf32>
      %eq3A_2434 = arith.constant 12 : i32
      %eq3A_2435 = vector.broadcast %eq3A_2434 : i32 to vector<16xi32>
      %eq3A_2436 = arith.cmpi eq, %select_n3A_2053, %eq3A_2435 : vector<16xi32>
      %sign3A_2437 = tpu.bitcast %select_n3A_1939 : vector<16xf32> -> vector<16xi32>
      %sign3A_2438 = arith.constant -2147483648 : i32
      %sign3A_2439 = vector.broadcast %sign3A_2438 : i32 to vector<16xi32>
      %sign3A_2440 = arith.andi %sign3A_2437, %sign3A_2439 : vector<16xi32>
      %sign3A_2441 = arith.constant 1065353216 : i32
      %sign3A_2442 = vector.broadcast %sign3A_2441 : i32 to vector<16xi32>
      %sign3A_2443 = arith.ori %sign3A_2442, %sign3A_2440 : vector<16xi32>
      %sign3A_2444 = tpu.bitcast %sign3A_2443 : vector<16xi32> -> vector<16xf32>
      %sign3A_2445 = math.absf %select_n3A_1939 : vector<16xf32>
      %sign3A_2446 = arith.constant 0.000000e+00 : f32
      %sign3A_2447 = vector.broadcast %sign3A_2446 : f32 to vector<16xf32>
      %sign3A_2448 = arith.cmpf ogt, %sign3A_2445, %sign3A_2447 : vector<16xf32>
      %sign3A_2449 = arith.select %sign3A_2448, %sign3A_2444, %select_n3A_1939 : vector<16xi1>, vector<16xf32>
      %add3A_2450 = arith.addf %sign3A_2449, %sign3A_2449 : vector<16xf32>
      %jit3A_2451 = arith.constant 0.000000e+00 : f32
      %broadcast_in_dim3A_2452 = vector.broadcast %jit3A_2451 : f32 to vector<16xf32>
      %select_n3A_2453 = arith.select %eq3A_2436, %add3A_2450, %broadcast_in_dim3A_2452 : vector<16xi1>, vector<16xf32>
      %add3A_2454 = arith.addf %add3A_2433, %select_n3A_2453 : vector<16xf32>
      %mul3A_2455 = arith.mulf %add3A_2454, %get3A_4 : vector<16xf32>
      %jit3A_2456 = arith.constant 1.000000e+00 : f32
      %jit3A_2457 = arith.constant 0.000000e+00 : f32
      %broadcast_in_dim3A_2458 = vector.broadcast %jit3A_2456 : f32 to vector<16xf32>
      %broadcast_in_dim3A_2459 = vector.broadcast %jit3A_2457 : f32 to vector<16xf32>
      %select_n3A_2460 = arith.select %eq3A_1908, %broadcast_in_dim3A_2458, %broadcast_in_dim3A_2459 : vector<16xi1>, vector<16xf32>
      %mul3A_2461 = arith.constant 2.000000e+00 : f32
      %mul3A_2462 = vector.broadcast %mul3A_2461 : f32 to vector<16xf32>
      %mul3A_2463 = arith.mulf %select_n3A_1956, %mul3A_2462 : vector<16xf32>
      %add3A_2464 = arith.addf %mul3A_2463, %select_n3A_2460 : vector<16xf32>
      %eq3A_2465 = arith.constant 13 : i32
      %eq3A_2466 = vector.broadcast %eq3A_2465 : i32 to vector<16xi32>
      %eq3A_2467 = arith.cmpi eq, %select_n3A_2053, %eq3A_2466 : vector<16xi32>
      %sign3A_2468 = tpu.bitcast %select_n3A_1940 : vector<16xf32> -> vector<16xi32>
      %sign3A_2469 = arith.constant -2147483648 : i32
      %sign3A_2470 = vector.broadcast %sign3A_2469 : i32 to vector<16xi32>
      %sign3A_2471 = arith.andi %sign3A_2468, %sign3A_2470 : vector<16xi32>
      %sign3A_2472 = arith.constant 1065353216 : i32
      %sign3A_2473 = vector.broadcast %sign3A_2472 : i32 to vector<16xi32>
      %sign3A_2474 = arith.ori %sign3A_2473, %sign3A_2471 : vector<16xi32>
      %sign3A_2475 = tpu.bitcast %sign3A_2474 : vector<16xi32> -> vector<16xf32>
      %sign3A_2476 = math.absf %select_n3A_1940 : vector<16xf32>
      %sign3A_2477 = arith.constant 0.000000e+00 : f32
      %sign3A_2478 = vector.broadcast %sign3A_2477 : f32 to vector<16xf32>
      %sign3A_2479 = arith.cmpf ogt, %sign3A_2476, %sign3A_2478 : vector<16xf32>
      %sign3A_2480 = arith.select %sign3A_2479, %sign3A_2475, %select_n3A_1940 : vector<16xi1>, vector<16xf32>
      %add3A_2481 = arith.addf %sign3A_2480, %sign3A_2480 : vector<16xf32>
      %jit3A_2482 = arith.constant 0.000000e+00 : f32
      %broadcast_in_dim3A_2483 = vector.broadcast %jit3A_2482 : f32 to vector<16xf32>
      %select_n3A_2484 = arith.select %eq3A_2467, %add3A_2481, %broadcast_in_dim3A_2483 : vector<16xi1>, vector<16xf32>
      %add3A_2485 = arith.addf %add3A_2464, %select_n3A_2484 : vector<16xf32>
      %mul3A_2486 = arith.mulf %add3A_2485, %get3A_4 : vector<16xf32>
      %jit3A_2487 = arith.constant 1.000000e+00 : f32
      %jit3A_2488 = arith.constant 0.000000e+00 : f32
      %broadcast_in_dim3A_2489 = vector.broadcast %jit3A_2487 : f32 to vector<16xf32>
      %broadcast_in_dim3A_2490 = vector.broadcast %jit3A_2488 : f32 to vector<16xf32>
      %select_n3A_2491 = arith.select %eq3A_1917, %broadcast_in_dim3A_2489, %broadcast_in_dim3A_2490 : vector<16xi1>, vector<16xf32>
      %mul3A_2492 = arith.constant 2.000000e+00 : f32
      %mul3A_2493 = vector.broadcast %mul3A_2492 : f32 to vector<16xf32>
      %mul3A_2494 = arith.mulf %select_n3A_1957, %mul3A_2493 : vector<16xf32>
      %add3A_2495 = arith.addf %mul3A_2494, %select_n3A_2491 : vector<16xf32>
      %eq3A_2496 = arith.constant 14 : i32
      %eq3A_2497 = vector.broadcast %eq3A_2496 : i32 to vector<16xi32>
      %eq3A_2498 = arith.cmpi eq, %select_n3A_2053, %eq3A_2497 : vector<16xi32>
      %sign3A_2499 = tpu.bitcast %select_n3A_1941 : vector<16xf32> -> vector<16xi32>
      %sign3A_2500 = arith.constant -2147483648 : i32
      %sign3A_2501 = vector.broadcast %sign3A_2500 : i32 to vector<16xi32>
      %sign3A_2502 = arith.andi %sign3A_2499, %sign3A_2501 : vector<16xi32>
      %sign3A_2503 = arith.constant 1065353216 : i32
      %sign3A_2504 = vector.broadcast %sign3A_2503 : i32 to vector<16xi32>
      %sign3A_2505 = arith.ori %sign3A_2504, %sign3A_2502 : vector<16xi32>
      %sign3A_2506 = tpu.bitcast %sign3A_2505 : vector<16xi32> -> vector<16xf32>
      %sign3A_2507 = math.absf %select_n3A_1941 : vector<16xf32>
      %sign3A_2508 = arith.constant 0.000000e+00 : f32
      %sign3A_2509 = vector.broadcast %sign3A_2508 : f32 to vector<16xf32>
      %sign3A_2510 = arith.cmpf ogt, %sign3A_2507, %sign3A_2509 : vector<16xf32>
      %sign3A_2511 = arith.select %sign3A_2510, %sign3A_2506, %select_n3A_1941 : vector<16xi1>, vector<16xf32>
      %add3A_2512 = arith.addf %sign3A_2511, %sign3A_2511 : vector<16xf32>
      %jit3A_2513 = arith.constant 0.000000e+00 : f32
      %broadcast_in_dim3A_2514 = vector.broadcast %jit3A_2513 : f32 to vector<16xf32>
      %select_n3A_2515 = arith.select %eq3A_2498, %add3A_2512, %broadcast_in_dim3A_2514 : vector<16xi1>, vector<16xf32>
      %add3A_2516 = arith.addf %add3A_2495, %select_n3A_2515 : vector<16xf32>
      %mul3A_2517 = arith.mulf %add3A_2516, %get3A_4 : vector<16xf32>
      %jit3A_2518 = arith.constant 1.000000e+00 : f32
      %jit3A_2519 = arith.constant 0.000000e+00 : f32
      %broadcast_in_dim3A_2520 = vector.broadcast %jit3A_2518 : f32 to vector<16xf32>
      %broadcast_in_dim3A_2521 = vector.broadcast %jit3A_2519 : f32 to vector<16xf32>
      %select_n3A_2522 = arith.select %eq3A_1926, %broadcast_in_dim3A_2520, %broadcast_in_dim3A_2521 : vector<16xi1>, vector<16xf32>
      %mul3A_2523 = arith.constant 2.000000e+00 : f32
      %mul3A_2524 = vector.broadcast %mul3A_2523 : f32 to vector<16xf32>
      %mul3A_2525 = arith.mulf %select_n3A_1958, %mul3A_2524 : vector<16xf32>
      %add3A_2526 = arith.addf %mul3A_2525, %select_n3A_2522 : vector<16xf32>
      %eq3A_2527 = arith.constant 15 : i32
      %eq3A_2528 = vector.broadcast %eq3A_2527 : i32 to vector<16xi32>
      %eq3A_2529 = arith.cmpi eq, %select_n3A_2053, %eq3A_2528 : vector<16xi32>
      %sign3A_2530 = tpu.bitcast %select_n3A_1942 : vector<16xf32> -> vector<16xi32>
      %sign3A_2531 = arith.constant -2147483648 : i32
      %sign3A_2532 = vector.broadcast %sign3A_2531 : i32 to vector<16xi32>
      %sign3A_2533 = arith.andi %sign3A_2530, %sign3A_2532 : vector<16xi32>
      %sign3A_2534 = arith.constant 1065353216 : i32
      %sign3A_2535 = vector.broadcast %sign3A_2534 : i32 to vector<16xi32>
      %sign3A_2536 = arith.ori %sign3A_2535, %sign3A_2533 : vector<16xi32>
      %sign3A_2537 = tpu.bitcast %sign3A_2536 : vector<16xi32> -> vector<16xf32>
      %sign3A_2538 = math.absf %select_n3A_1942 : vector<16xf32>
      %sign3A_2539 = arith.constant 0.000000e+00 : f32
      %sign3A_2540 = vector.broadcast %sign3A_2539 : f32 to vector<16xf32>
      %sign3A_2541 = arith.cmpf ogt, %sign3A_2538, %sign3A_2540 : vector<16xf32>
      %sign3A_2542 = arith.select %sign3A_2541, %sign3A_2537, %select_n3A_1942 : vector<16xi1>, vector<16xf32>
      %add3A_2543 = arith.addf %sign3A_2542, %sign3A_2542 : vector<16xf32>
      %jit3A_2544 = arith.constant 0.000000e+00 : f32
      %broadcast_in_dim3A_2545 = vector.broadcast %jit3A_2544 : f32 to vector<16xf32>
      %select_n3A_2546 = arith.select %eq3A_2529, %add3A_2543, %broadcast_in_dim3A_2545 : vector<16xi1>, vector<16xf32>
      %add3A_2547 = arith.addf %add3A_2526, %select_n3A_2546 : vector<16xf32>
      %mul3A_2548 = arith.mulf %add3A_2547, %get3A_4 : vector<16xf32>
      %swap3A = arith.constant 0 : i32
      %swap3A_2549 = arith.index_cast %swap3A : i32 to index
      %swap3A_2550 = arith.index_cast %mul3A_11 : i32 to index
      %swap3A_2551 = tpu.vector_load %arg6[%swap3A_2549, %swap3A_2550] {strides = array<i32>} : memref<16x2048xf32, #tpu.memory_space<vmem>>, vector<1x16xf32>,
      %swap3A_2552 = vector.shape_cast %swap3A_2551 : vector<1x16xf32> to vector<16xf32>
      %swap3A_2553 = vector.shape_cast %mul3A_2083 : vector<16xf32> to vector<1x16xf32>
      tpu.vector_store %arg6[%swap3A_2549, %swap3A_2550], %swap3A_2553 {strides = array<i32>} : memref<16x2048xf32, #tpu.memory_space<vmem>>, vector<1x16xf32>,
      %swap3A_2554 = arith.constant 1 : i32
      %swap3A_2555 = arith.index_cast %swap3A_2554 : i32 to index
      %swap3A_2556 = arith.index_cast %mul3A_11 : i32 to index
      %swap3A_2557 = tpu.vector_load %arg6[%swap3A_2555, %swap3A_2556] {strides = array<i32>} : memref<16x2048xf32, #tpu.memory_space<vmem>>, vector<1x16xf32>,
      %swap3A_2558 = vector.shape_cast %swap3A_2557 : vector<1x16xf32> to vector<16xf32>
      %swap3A_2559 = vector.shape_cast %mul3A_2114 : vector<16xf32> to vector<1x16xf32>
      tpu.vector_store %arg6[%swap3A_2555, %swap3A_2556], %swap3A_2559 {strides = array<i32>} : memref<16x2048xf32, #tpu.memory_space<vmem>>, vector<1x16xf32>,
      %swap3A_2560 = arith.constant 2 : i32
      %swap3A_2561 = arith.index_cast %swap3A_2560 : i32 to index
      %swap3A_2562 = arith.index_cast %mul3A_11 : i32 to index
      %swap3A_2563 = tpu.vector_load %arg6[%swap3A_2561, %swap3A_2562] {strides = array<i32>} : memref<16x2048xf32, #tpu.memory_space<vmem>>, vector<1x16xf32>,
      %swap3A_2564 = vector.shape_cast %swap3A_2563 : vector<1x16xf32> to vector<16xf32>
      %swap3A_2565 = vector.shape_cast %mul3A_2145 : vector<16xf32> to vector<1x16xf32>
      tpu.vector_store %arg6[%swap3A_2561, %swap3A_2562], %swap3A_2565 {strides = array<i32>} : memref<16x2048xf32, #tpu.memory_space<vmem>>, vector<1x16xf32>,
      %swap3A_2566 = arith.constant 3 : i32
      %swap3A_2567 = arith.index_cast %swap3A_2566 : i32 to index
      %swap3A_2568 = arith.index_cast %mul3A_11 : i32 to index
      %swap3A_2569 = tpu.vector_load %arg6[%swap3A_2567, %swap3A_2568] {strides = array<i32>} : memref<16x2048xf32, #tpu.memory_space<vmem>>, vector<1x16xf32>,
      %swap3A_2570 = vector.shape_cast %swap3A_2569 : vector<1x16xf32> to vector<16xf32>
      %swap3A_2571 = vector.shape_cast %mul3A_2176 : vector<16xf32> to vector<1x16xf32>
      tpu.vector_store %arg6[%swap3A_2567, %swap3A_2568], %swap3A_2571 {strides = array<i32>} : memref<16x2048xf32, #tpu.memory_space<vmem>>, vector<1x16xf32>,
      %swap3A_2572 = arith.constant 4 : i32
      %swap3A_2573 = arith.index_cast %swap3A_2572 : i32 to index
      %swap3A_2574 = arith.index_cast %mul3A_11 : i32 to index
      %swap3A_2575 = tpu.vector_load %arg6[%swap3A_2573, %swap3A_2574] {strides = array<i32>} : memref<16x2048xf32, #tpu.memory_space<vmem>>, vector<1x16xf32>,
      %swap3A_2576 = vector.shape_cast %swap3A_2575 : vector<1x16xf32> to vector<16xf32>
      %swap3A_2577 = vector.shape_cast %mul3A_2207 : vector<16xf32> to vector<1x16xf32>
      tpu.vector_store %arg6[%swap3A_2573, %swap3A_2574], %swap3A_2577 {strides = array<i32>} : memref<16x2048xf32, #tpu.memory_space<vmem>>, vector<1x16xf32>,
      %swap3A_2578 = arith.constant 5 : i32
      %swap3A_2579 = arith.index_cast %swap3A_2578 : i32 to index
      %swap3A_2580 = arith.index_cast %mul3A_11 : i32 to index
      %swap3A_2581 = tpu.vector_load %arg6[%swap3A_2579, %swap3A_2580] {strides = array<i32>} : memref<16x2048xf32, #tpu.memory_space<vmem>>, vector<1x16xf32>,
      %swap3A_2582 = vector.shape_cast %swap3A_2581 : vector<1x16xf32> to vector<16xf32>
      %swap3A_2583 = vector.shape_cast %mul3A_2238 : vector<16xf32> to vector<1x16xf32>
      tpu.vector_store %arg6[%swap3A_2579, %swap3A_2580], %swap3A_2583 {strides = array<i32>} : memref<16x2048xf32, #tpu.memory_space<vmem>>, vector<1x16xf32>,
      %swap3A_2584 = arith.constant 6 : i32
      %swap3A_2585 = arith.index_cast %swap3A_2584 : i32 to index
      %swap3A_2586 = arith.index_cast %mul3A_11 : i32 to index
      %swap3A_2587 = tpu.vector_load %arg6[%swap3A_2585, %swap3A_2586] {strides = array<i32>} : memref<16x2048xf32, #tpu.memory_space<vmem>>, vector<1x16xf32>,
      %swap3A_2588 = vector.shape_cast %swap3A_2587 : vector<1x16xf32> to vector<16xf32>
      %swap3A_2589 = vector.shape_cast %mul3A_2269 : vector<16xf32> to vector<1x16xf32>
      tpu.vector_store %arg6[%swap3A_2585, %swap3A_2586], %swap3A_2589 {strides = array<i32>} : memref<16x2048xf32, #tpu.memory_space<vmem>>, vector<1x16xf32>,
      %swap3A_2590 = arith.constant 7 : i32
      %swap3A_2591 = arith.index_cast %swap3A_2590 : i32 to index
      %swap3A_2592 = arith.index_cast %mul3A_11 : i32 to index
      %swap3A_2593 = tpu.vector_load %arg6[%swap3A_2591, %swap3A_2592] {strides = array<i32>} : memref<16x2048xf32, #tpu.memory_space<vmem>>, vector<1x16xf32>,
      %swap3A_2594 = vector.shape_cast %swap3A_2593 : vector<1x16xf32> to vector<16xf32>
      %swap3A_2595 = vector.shape_cast %mul3A_2300 : vector<16xf32> to vector<1x16xf32>
      tpu.vector_store %arg6[%swap3A_2591, %swap3A_2592], %swap3A_2595 {strides = array<i32>} : memref<16x2048xf32, #tpu.memory_space<vmem>>, vector<1x16xf32>,
      %swap3A_2596 = arith.constant 8 : i32
      %swap3A_2597 = arith.index_cast %swap3A_2596 : i32 to index
      %swap3A_2598 = arith.index_cast %mul3A_11 : i32 to index
      %swap3A_2599 = tpu.vector_load %arg6[%swap3A_2597, %swap3A_2598] {strides = array<i32>} : memref<16x2048xf32, #tpu.memory_space<vmem>>, vector<1x16xf32>,
      %swap3A_2600 = vector.shape_cast %swap3A_2599 : vector<1x16xf32> to vector<16xf32>
      %swap3A_2601 = vector.shape_cast %mul3A_2331 : vector<16xf32> to vector<1x16xf32>
      tpu.vector_store %arg6[%swap3A_2597, %swap3A_2598], %swap3A_2601 {strides = array<i32>} : memref<16x2048xf32, #tpu.memory_space<vmem>>, vector<1x16xf32>,
      %swap3A_2602 = arith.constant 9 : i32
      %swap3A_2603 = arith.index_cast %swap3A_2602 : i32 to index
      %swap3A_2604 = arith.index_cast %mul3A_11 : i32 to index
      %swap3A_2605 = tpu.vector_load %arg6[%swap3A_2603, %swap3A_2604] {strides = array<i32>} : memref<16x2048xf32, #tpu.memory_space<vmem>>, vector<1x16xf32>,
      %swap3A_2606 = vector.shape_cast %swap3A_2605 : vector<1x16xf32> to vector<16xf32>
      %swap3A_2607 = vector.shape_cast %mul3A_2362 : vector<16xf32> to vector<1x16xf32>
      tpu.vector_store %arg6[%swap3A_2603, %swap3A_2604], %swap3A_2607 {strides = array<i32>} : memref<16x2048xf32, #tpu.memory_space<vmem>>, vector<1x16xf32>,
      %swap3A_2608 = arith.constant 10 : i32
      %swap3A_2609 = arith.index_cast %swap3A_2608 : i32 to index
      %swap3A_2610 = arith.index_cast %mul3A_11 : i32 to index
      %swap3A_2611 = tpu.vector_load %arg6[%swap3A_2609, %swap3A_2610] {strides = array<i32>} : memref<16x2048xf32, #tpu.memory_space<vmem>>, vector<1x16xf32>,
      %swap3A_2612 = vector.shape_cast %swap3A_2611 : vector<1x16xf32> to vector<16xf32>
      %swap3A_2613 = vector.shape_cast %mul3A_2393 : vector<16xf32> to vector<1x16xf32>
      tpu.vector_store %arg6[%swap3A_2609, %swap3A_2610], %swap3A_2613 {strides = array<i32>} : memref<16x2048xf32, #tpu.memory_space<vmem>>, vector<1x16xf32>,
      %swap3A_2614 = arith.constant 11 : i32
      %swap3A_2615 = arith.index_cast %swap3A_2614 : i32 to index
      %swap3A_2616 = arith.index_cast %mul3A_11 : i32 to index
      %swap3A_2617 = tpu.vector_load %arg6[%swap3A_2615, %swap3A_2616] {strides = array<i32>} : memref<16x2048xf32, #tpu.memory_space<vmem>>, vector<1x16xf32>,
      %swap3A_2618 = vector.shape_cast %swap3A_2617 : vector<1x16xf32> to vector<16xf32>
      %swap3A_2619 = vector.shape_cast %mul3A_2424 : vector<16xf32> to vector<1x16xf32>
      tpu.vector_store %arg6[%swap3A_2615, %swap3A_2616], %swap3A_2619 {strides = array<i32>} : memref<16x2048xf32, #tpu.memory_space<vmem>>, vector<1x16xf32>,
      %swap3A_2620 = arith.constant 12 : i32
      %swap3A_2621 = arith.index_cast %swap3A_2620 : i32 to index
      %swap3A_2622 = arith.index_cast %mul3A_11 : i32 to index
      %swap3A_2623 = tpu.vector_load %arg6[%swap3A_2621, %swap3A_2622] {strides = array<i32>} : memref<16x2048xf32, #tpu.memory_space<vmem>>, vector<1x16xf32>,
      %swap3A_2624 = vector.shape_cast %swap3A_2623 : vector<1x16xf32> to vector<16xf32>
      %swap3A_2625 = vector.shape_cast %mul3A_2455 : vector<16xf32> to vector<1x16xf32>
      tpu.vector_store %arg6[%swap3A_2621, %swap3A_2622], %swap3A_2625 {strides = array<i32>} : memref<16x2048xf32, #tpu.memory_space<vmem>>, vector<1x16xf32>,
      %swap3A_2626 = arith.constant 13 : i32
      %swap3A_2627 = arith.index_cast %swap3A_2626 : i32 to index
      %swap3A_2628 = arith.index_cast %mul3A_11 : i32 to index
      %swap3A_2629 = tpu.vector_load %arg6[%swap3A_2627, %swap3A_2628] {strides = array<i32>} : memref<16x2048xf32, #tpu.memory_space<vmem>>, vector<1x16xf32>,
      %swap3A_2630 = vector.shape_cast %swap3A_2629 : vector<1x16xf32> to vector<16xf32>
      %swap3A_2631 = vector.shape_cast %mul3A_2486 : vector<16xf32> to vector<1x16xf32>
      tpu.vector_store %arg6[%swap3A_2627, %swap3A_2628], %swap3A_2631 {strides = array<i32>} : memref<16x2048xf32, #tpu.memory_space<vmem>>, vector<1x16xf32>,
      %swap3A_2632 = arith.constant 14 : i32
      %swap3A_2633 = arith.index_cast %swap3A_2632 : i32 to index
      %swap3A_2634 = arith.index_cast %mul3A_11 : i32 to index
      %swap3A_2635 = tpu.vector_load %arg6[%swap3A_2633, %swap3A_2634] {strides = array<i32>} : memref<16x2048xf32, #tpu.memory_space<vmem>>, vector<1x16xf32>,
      %swap3A_2636 = vector.shape_cast %swap3A_2635 : vector<1x16xf32> to vector<16xf32>
      %swap3A_2637 = vector.shape_cast %mul3A_2517 : vector<16xf32> to vector<1x16xf32>
      tpu.vector_store %arg6[%swap3A_2633, %swap3A_2634], %swap3A_2637 {strides = array<i32>} : memref<16x2048xf32, #tpu.memory_space<vmem>>, vector<1x16xf32>,
      %swap3A_2638 = arith.constant 15 : i32
      %swap3A_2639 = arith.index_cast %swap3A_2638 : i32 to index
      %swap3A_2640 = arith.index_cast %mul3A_11 : i32 to index
      %swap3A_2641 = tpu.vector_load %arg6[%swap3A_2639, %swap3A_2640] {strides = array<i32>} : memref<16x2048xf32, #tpu.memory_space<vmem>>, vector<1x16xf32>,
      %swap3A_2642 = vector.shape_cast %swap3A_2641 : vector<1x16xf32> to vector<16xf32>
      %swap3A_2643 = vector.shape_cast %mul3A_2548 : vector<16xf32> to vector<1x16xf32>
      tpu.vector_store %arg6[%swap3A_2639, %swap3A_2640], %swap3A_2643 {strides = array<i32>} : memref<16x2048xf32, #tpu.memory_space<vmem>>, vector<1x16xf32>,
    }
    %scan3A_8 = arith.constant 128 : i32
    "tpu.region"() ({
      %run_scoped3A = tpu.sem_alloc : memref<!tpu.dma_semaphore, #tpu.memory_space<semaphore_mem>>
      %dma_start3A = arith.constant 0 : i32
      %dma_start3A_9 = tpu.memref_slice %arg4[%dma_start3A, %mul3A_2] : memref<16x65536xf32, #tpu.memory_space<hbm>> -> memref<16x2048xf32, #tpu.memory_space<hbm>>
      %dma_start3A_10 = arith.constant 0 : i32
      %dma_start3A_11 = tpu.memref_slice %arg4[%dma_start3A_10, %mul3A_2] : memref<16x65536xf32, #tpu.memory_space<hbm>> -> memref<16x2048xf32, #tpu.memory_space<hbm>>
      tpu.enqueue_dma source(%arg6 : memref<16x2048xf32, #tpu.memory_space<vmem>>) target(%dma_start3A_11 : memref<16x2048xf32, #tpu.memory_space<hbm>>) target_semaphore(%run_scoped3A : memref<!tpu.dma_semaphore, #tpu.memory_space<semaphore_mem>>)
      %dma_wait3A = arith.constant 0 : i32
      %dma_wait3A_12 = tpu.memref_slice %arg4[%dma_wait3A, %mul3A_2] : memref<16x65536xf32, #tpu.memory_space<hbm>> -> memref<16x2048xf32, #tpu.memory_space<hbm>>
      %dma_wait3A_13 = arith.constant 0 : i32
      %dma_wait3A_14 = tpu.memref_slice %arg4[%dma_wait3A_13, %mul3A_2] : memref<16x65536xf32, #tpu.memory_space<hbm>> -> memref<16x2048xf32, #tpu.memory_space<hbm>>
      tpu.wait_dma2 semaphore(%run_scoped3A : memref<!tpu.dma_semaphore, #tpu.memory_space<semaphore_mem>>) src(%arg6 : memref<16x2048xf32, #tpu.memory_space<vmem>>) dst(%dma_wait3A_14 : memref<16x2048xf32, #tpu.memory_space<hbm>>)
      tpu.yield
    }) : () -> ()
    return
  }
}

</mosaic_0001>

<sc_bundles>
// kernel: kernel.3.cloned.1.call-start
scs
__scs_entry_jumppad:
0x0: {  	(pc) =	sbr.rel $0x88, $3  }
0x1: {  	(tag) =	ssettag $0x0;
	lr =	simm.s32 $0x1  }
0x2: {  	[smem:$0x3F9F] =	sst lr;
	_ =	strace $0xD0000000  }
0x3: {  	_ = 	snop  }
0x4: {  	_ = 	snop  }
0x5: {  	_ = 	snop  }
0x6: {  	_ = 	snop  }
0x7: {  	_ = 	snop  }
__scs_overlays_trampoline_lowered:
0x8: {  	[smem:$0x3FAE] =	sst s0  }
0x9: {  	[smem:$0x3FAF] =	sst s1  }
0xa: {  	[smem:$0x3FB0] =	sst s2  }
0xb: {  	[smem:$0x3FB1] =	sst s3  }
0xc: {  	[smem:$0x3FB2] =	sst s4  }
0xd: {  	[smem:$0x3FB3] =	sst s5  }
0xe: {  	[smem:$0x3FB4] =	sst s6  }
0xf: {  	[smem:$0x3FB5] =	sst s7  }
0x10: {  	[smem:$0x3FB6] =	sst s8  }
0x11: {  	[smem:$0x3FB7] =	sst s9;
	s0 =	simm.s32 @!p0 $0x0  }
0x12: {  	s1 =	sld [smem:$0x3F9D];
	s0 =	simm.s32 @p0 $0x1  }
0x13: {  	[smem:$0x3FB8] =	sst s0;
	s0 =	simm.s32 @!p1 $0x0  }
0x14: {  	s2 =	sld [smem:$0x3F9C];
	s0 =	simm.s32 @p1 $0x1  }
0x15: {  	[smem:$0x3FB9] =	sst s0;
	s0 =	simm.s32 @!p2 $0x0  }
0x16: {  	s3 =	sld [smem:$0x3FDB];
	s0 =	simm.s32 @p2 $0x1  }
0x17: {  	s4 =	simm.s32 $0x1BF5;
	[smem:$0x3FBB] =	sst s0  }
0x18: {  	s0 =	sld [smem:$0x3F9E];
	_ =	swait.ge [sflag:s4], $0x0  }
0x19: {  	s7 =	sld [smem:$0x3F9F]  }
0x1a: {  	s8 =	sadd.s32 $0xFFFFE003, lr  }
0x1b: {  	s9 =	sadd.s32 $0xFFFFFEF7, lr;
	s5 =	simm.s32 $0xFFFFFFFF;
	p2 =	slt.u32 s8, $0xFFFFF086  }
0x1c: {  	p1 =	slt.u32 s9, $0xF7A;
	s5 =	simm.s32 @!p2 $0x0  }
0x1d: {  	s5 =	simm.s32 @p1 $0x1;
	p0 =	seq.s32 s7, s2  }
0x1e: {  	s7 =	smul.u32 @!p0 $0xF7A, s2;
	p2 =	seq.s32 @!p0 s5, $0x0  }
0x1f: {  	s9 =	smul.u32 $0xF7A, s1;
	s8 =	simm.s32 @!p0 $0x1BF5;
	p2 =	por !p2, p0  }
0x20: {  	[sflag:s8] =	ssyncset.s32 @!p0 $0xFFFFF086;
	s6 =	sadd.s32 @!p0 s3, s7;
	s7 =	simm.s32 @!p0 $0x108  }
0x21: {  	s3 =	sadd.s32 s3, s9;
	s6 =	sadd.s32 @!p0 $0x88, s6;
	s7 =	simm.s32 @p2 $0x1082  }
0x22: {  	[simem:s7], [sflag:s8] =	dma.local @!p0 [hbm:s6], $0xF7A  }
0x23: {  	s9 =	sor.u32 $0xD0000000, s2;
	s6 =	simm.s32 $0x108;
	_ =	swait.ge @!p0 [sflag:s8], $0x0  }
0x24: {  	s3 =	sadd.s32 $0x88, s3;
	s6 =	simm.s32 @!p1 $0x1082;
	[sflag:s4] =	ssyncset.s32 $0xFFFFF086  }
0x25: {  	[simem:s6], [sflag:s4] =	dma.local [hbm:s3], $0xF7A  }
0x26: {  	[smem:$0x3F9F] =	sst s1;
	(tag) =	ssettag s2;
	_ =	strace s9  }
0x27: {  	s1 =	sld [smem:$0x3FAF]  }
0x28: {  	s2 =	sld [smem:$0x3FB0]  }
0x29: {  	s4 =	sld [smem:$0x3FB2]  }
0x2a: {  	p0 =	seq.s32 s5, $0x0;
	s5 =	sld [smem:$0x3FB3]  }
0x2b: {  	s6 =	sld [smem:$0x3FB4]  }
0x2c: {  	s7 =	sld [smem:$0x3FB5]  }
0x2d: {  	s3 =	simm.s32 $0x108;
	s8 =	sld [smem:$0x3FB6]  }
0x2e: {  	s3 =	simm.s32 @!p0 $0x1082;
	s9 =	sld [smem:$0x3FB7]  }
0x2f: {  	lr =	sadd.s32 s0, s3;
	s0 =	sld [smem:$0x3FAE]  }
0x30: {  	s3 =	sld [smem:$0x3FB1]  }
0x31: {  	[smem:$0x3FBA] =	sst s10  }
0x32: {  	s10 =	sld [smem:$0x3FB8];
	_ =	sdelay $0x3  }
0x33: {  	p0 =	seq.s32 s10, $0x1;
	s10 =	sld [smem:$0x3FBA];
	_ =	sdelay $0x3  }
0x34: {  	[smem:$0x3FBA] =	sst s10  }
0x35: {  	s10 =	sld [smem:$0x3FB9];
	_ =	sdelay $0x3  }
0x36: {  	p1 =	seq.s32 s10, $0x1;
	s10 =	sld [smem:$0x3FBA];
	_ =	sdelay $0x3  }
0x37: {  	[smem:$0x3FBA] =	sst s10  }
0x38: {  	s10 =	sld [smem:$0x3FBB]  }
0x39: {  	_ = 	snop;
	(pc) =	sbr.ind lr, $3  }
0x3a: {  	_ = 	snop  }
0x3b: {  	_ = 	snop  }
0x3c: {  	p2 =	seq.s32 s10, $0x1;
	s10 =	sld [smem:$0x3FBA]  }
0x3d: {  	_ =	shalt  }
0x3e: {  	_ =	shalt  }
0x3f: {  	_ =	shalt  }
0x40: {  	_ =	shalt  }
0x41: {  	_ =	shalt  }
0x42: {  	_ =	shalt  }
0x43: {  	_ =	shalt  }
0x44: {  	_ =	shalt  }
0x45: {  	_ =	shalt  }
0x46: {  	_ =	shalt  }
0x47: {  	_ =	shalt  }
0x48: {  	_ =	shalt  }
0x49: {  	_ =	shalt  }
0x4a: {  	_ =	shalt  }
0x4b: {  	_ =	shalt  }
0x4c: {  	_ =	shalt  }
0x4d: {  	_ =	shalt  }
0x4e: {  	_ =	shalt  }
0x4f: {  	_ =	shalt  }
0x50: {  	_ =	shalt  }
0x51: {  	_ =	shalt  }
0x52: {  	_ =	shalt  }
0x53: {  	_ =	shalt  }
0x54: {  	_ =	shalt  }
0x55: {  	_ =	shalt  }
0x56: {  	_ =	shalt  }
0x57: {  	_ =	shalt  }
0x58: {  	_ =	shalt  }
0x59: {  	_ =	shalt  }
0x5a: {  	_ =	shalt  }
0x5b: {  	_ =	shalt  }
0x5c: {  	_ =	shalt  }
0x5d: {  	_ =	shalt  }
0x5e: {  	_ =	shalt  }
0x5f: {  	_ =	shalt  }
0x60: {  	_ =	shalt  }
0x61: {  	_ =	shalt  }
0x62: {  	_ =	shalt  }
0x63: {  	_ =	shalt  }
0x64: {  	_ =	shalt  }
0x65: {  	_ =	shalt  }
0x66: {  	_ =	shalt  }
0x67: {  	_ =	shalt  }
0x68: {  	_ =	shalt  }
0x69: {  	_ =	shalt  }
0x6a: {  	_ =	shalt  }
0x6b: {  	_ =	shalt  }
0x6c: {  	_ =	shalt  }
0x6d: {  	_ =	shalt  }
0x6e: {  	_ =	shalt  }
0x6f: {  	_ =	shalt  }
0x70: {  	_ =	shalt  }
0x71: {  	_ =	shalt  }
0x72: {  	_ =	shalt  }
0x73: {  	_ =	shalt  }
0x74: {  	_ =	shalt  }
0x75: {  	_ =	shalt  }
0x76: {  	_ =	shalt  }
0x77: {  	_ =	shalt  }
0x78: {  	_ =	shalt  }
0x79: {  	_ =	shalt  }
0x7a: {  	_ =	shalt  }
0x7b: {  	_ =	shalt  }
0x7c: {  	_ =	shalt  }
0x7d: {  	_ =	shalt  }
0x7e: {  	_ =	shalt  }
0x7f: {  	_ =	shalt  }
0x80: {  	_ =	shalt  }
0x81: {  	_ =	shalt  }
0x82: {  	_ =	shalt  }
0x83: {  	_ =	shalt  }
0x84: {  	_ =	shalt  }
0x85: {  	_ =	shalt  }
0x86: {  	_ =	shalt  }
0x87: {  	_ =	shalt  }
.Lfunc_end0:
.L_simem_size_0:
called_computation_lowered:
.L_overlay_start_0:
0x88: {  	s2 =	sld [smem:$0x3FD9]  }
0x89: {  	s3 =	sld [smem:$0x3FFE];
	_ =	sdelay $0x1  }
0x8a: {  	s1 =	srdreg.scid  }
0x8b: {  	s0 =	sand.u32 $0x1, s1  }
0x8c: {  	s17 =	sshll.u32 s0, $0xA;
	s2 =	sadd.s32 s3, s2  }
0x8d: {  	s2 =	sadd.s32 s2, s17  }
0x8e: {  	[smem:$0x3FC6] =	sst s2  }
0x8f: {  	_ = 	snop  }
0x90: {  	s2 =	sld [smem:$0x3FC9]  }
0x91: {  	s18 =	sld [smem:$0x3FD0];
	(tm) =	ssettm $0x1  }
0x92: {  	s4 =	sld [smem:$0x3FFB];
	_ =	sdelay $0x3  }
0x93: {  	_ =	strace s4  }
0x94: {  	s4 =	sld [smem:$0x3FFC];
	_ =	sdelay $0x3  }
0x95: {  	_ =	strace s4  }
0x96: {  	s4 =	sld [smem:$0x3FFD];
	_ =	sdelay $0x3  }
0x97: {  	_ =	strace s4  }
0x98: {  	_ =	strace $0x8FFFFFFF  }
0x99: {  	s19 =	sld [smem:$0x3FDB];
	_ =	sdelay $0x1  }
0x9a: {  	s5 =	simm.s32 $_scs_section_size  }
0x9b: {  	s6 =	simm.s32 $_size__tile_overlayer_lowered;
	s7 =	simm.s32 $_tile_overlayer_lowered  }
0x9c: {  	s22 =	simm.s32 $0x1BFF;
	s21 =	sshll.u32 s7, $0x1;
	s4 =	sadd.s32 s5, s19  }
0x9d: {  	s8 =	simm.s32 $0x0;
	s20 =	sshll.u32 s6, $0x1;
	s6 =	sadd.s32 s21, s4  }
0x9e: {  	[timem:s8], [sflag:s22] =	dma.local [hbm:s6], s20  }
0x9f: {  	_ =	swait.ge [sflag:s22], s20  }
0xa0: {  	s5 =	ssub.s32 $0x0, s20;
	[sflag:s22] =	ssyncset.done $0x0  }
0xa1: {  	[sflag:s22] =	ssyncadd.s32 s5;
	_ =	sdelay $0x1  }
0xa2: {  	s23 =	simm.s32 $0x1B8B  }
0xa3: {  	_ =	swait.ge [sflag:s23], $0x1  }
0xa4: {  	[sflag:s23] =	ssyncset.done $0x0  }
0xa5: {  	s25 =	simm.s32 $0x1B8E;
	s24 =	sld [smem:$0x3FFE];
	[sflag:s23] =	ssyncadd.s32 $0xFFFFFFFF  }
0xa6: {  	s26 =	simm.s32 $execute0_lowered;
	[smem:$0x3FD2] =	sst s25  }
0xa7: {  	s6 =	sshll.u32 s26, $0x1;
	_ =	strace $0x80000046;
	[dreg:$0x1] =	wrdreg $0xFFFFFFFF  }
0xa8: {  	s28 =	simm.s32 $_size_execute0_lowered;
	s4 =	sadd.s32 s4, s6;
	[dreg:$0x0] =	wrdreg $0x0  }
0xa9: {  	s6 =	sshll.u32 s28, $0x1;
	[dreg:$0x2] =	wrdreg s4  }
0xaa: {  	[dreg:$0x3] =	wrdreg s6  }
0xab: {  	[dreg:$0x4] =	wrdreg $0xC0  }
0xac: {  	_ =	task [dreg:s8], $0x5FFFF  }
0xad: {  	[dreg:$0x1] =	wrdreg $0xFFFFFFFF  }
0xae: {  	[dreg:$0x0] =	wrdreg $0x60  }
0xaf: {  	[dreg:$0x2] =	wrdreg s2  }
0xb0: {  	[dreg:$0x3] =	wrdreg s24  }
0xb1: {  	[dreg:$0x4] =	wrdreg s18  }
0xb2: {  	[dreg:$0x5] =	wrdreg $0x9  }
0xb3: {  	_ =	task.clear_ibuf [dreg:s8], $0x6FFFF;
	_ =	strace $0x90000046  }
0xb4: {  	s29 =	simm.s32 $0x9;
	_ =	strace $0x80000048  }
0xb5: {  	_ =	swait.ge [sflag:s29], $0x1  }
0xb6: {  	[sflag:s29] =	ssyncadd.s32 $0xFFFFFFFF  }
0xb7: {  	_ =	strace $0x90000048  }
0xb8: {  	_ =	sfence  }
0xb9: {  	s30 =	sld [smem:$0x0];
	_ =	sdelay $0x2  }
0xba: {  	s31 =	sshll.u32 s1, $0xD;
	s1 =	sshrl.u32 s1, $0x2  }
0xbb: {  	s3 =	sand.u32 $0x4000, s31;
	s1 =	sadd.s32 s1, s30  }
0xbc: {  	s0 =	sor.u32 s3, s0;
	s1 =	sshll.u32 s1, $0x11  }
0xbd: {  	s0 =	sor.u32 s1, s0  }
0xbe: {  	s0 =	sadd.s32 $0x8F2B, s0  }
0xbf: {  	[sflag:s0] =	ssyncadd.remote.s32 $0x1  }
0xc0: {  	_ =	sfence.sel $0xFFFF  }
0xc1: {  	[dreg:$0x0] =	wrdreg $0xFFFFFFFF;
	(pc) =	sbr.abs _section_cstart, $3  }
0xc2: {  	[dreg:$0x1] =	wrdreg $0xFFFFFFFF  }
0xc3: {  	_ =	task.clear_ibuf [dreg:s8], $0x2FFFF;
	_ =	strace $0x9FFFFFFF  }
0xc4: {  	(tm) =	ssettm $0x7FFFFFFF  }
0xc5: {  	_ =	shalt  }
tec
execute0_lowered:
.L_overlay_start_1:
0x0: {  	(tag) =	ssettag $0x1  }
0x1: {  	s4 =	rddreg [dreg:$0x0]  }
0x2: {  	s3 =	rddreg [dreg:$0x1]  }
0x3: {  	s5 =	rddreg [dreg:$0x2]  }
0x4: {  	s0 =	rddreg [dreg:$0x3];
	s1 =	simm.s32 $0x0  }
0x5: {  	s2 =	srdreg.scid;
	s10 =	simm.s32 $0x80000;
	s11 =	simm.s32 $0x8000  }
0x6: {  	s12 =	simm.s32 $0x0;
	[smem:$0x7FF] =	sst s1;
	s6 =	sand.u32 $0x1, s2  }
0x7: {  	s2 =	stileid.u32;
	s3 =	sadd.s32 $0x400, s3;
	_ =	strace $0x80000047  }
0x8: {  	s7 =	ssub.s32 $0x2, s6;
	s9 =	sshll.u32 s2, $0xC;
	s6 =	sshll.u32 s6, $0xB  }
0x9: {  	v0 =	vimm.f32 $1.000000000e+00;
	s8 =	sshrl.u32 s7, $0x1;
	s6 =	sor.u32 s6, s9;
	s9 =	simm.s32 $0x4000  }
0xa: {  	v43 =	vand.u32 $0x7FFFFFFF, v0;
	s7 =	ssub.s32 s7, s8;
	s4 =	sadd.s32 s4, s6;
	s5 =	sadd.s32 s5, s6  }
0xb: {  	[tilespmem:$0x1FFF0] =	vst v43;
	s8 =	simm.s32 $0x1;
	s6 =	smax.u32 s7, $0x1;
	s7 =	simm.s32 $0x10000  }
.LBB2_1:
0xc: {  	[tilespmem:s7], [sflag:$0x1] =	stream.linear.gather [hbm4b:s3+s1], $0x80, $0x38;
	[tilespmem:$0x10080] =	vst v63  }
0xd: {  	_ =	swait.ge [sflag:s8], $0x80  }
0xe: {  	[sflag:s8] =	ssyncset.done $0x0  }
0xf: {  	[sflag:s8] =	ssyncadd.s32 $0xFFFFFF80  }
0x10: {  	[tilespmem:s1], [sflag:$0x1] =	stream.strided.gather [hbm4b:s4+s9], $0x8000, s10, s9, $0x38;
	[tilespmem:$0x10080] =	vst v63  }
0x11: {  	_ =	swait.ge [sflag:s8], $0x8000  }
0x12: {  	[sflag:s8] =	ssyncset.done $0x0  }
0x13: {  	[sflag:s8] =	ssyncadd.s32 $0xFFFF8000  }
0x14: {  	v0 =	vld [tilespmem:$0x10000];
	_ =	sdelay $0x4  }
0x15: {  	(erf) = vrcp.f32 v0;
	_ =	sdelay $0x8  }
0x16: {  	[tilespmem:$0x1FFD0] =	vst v0;
	v0 =	vpop (erf)  }
0x17: {  	s13 =	simm.s32 $0x0;
	s14 =	simm.s32 $0x0;
	s15 =	simm.s32 $0x0;
	[tilespmem:$0x1FFE0] =	vst v0  }
.LBB2_2:
0x18: {  	s16 =	sand.u32 $0x70, s15;
	s17 =	sand.u32 $0x3C00, s14  }
0x19: {  	v39 =	vld [tilespmem:$0x1FFE0];
	s16 =	sor.u32 s16, s17  }
0x1a: {  	v0 =	vld [tilespmem:s16+$0x0]  }
0x1b: {  	v1 =	vld [tilespmem:s16+$0x80]  }
0x1c: {  	v2 =	vld [tilespmem:s16+$0x100]  }
0x1d: {  	v3 =	vld [tilespmem:s16+$0x180]  }
0x1e: {  	v4 =	vld [tilespmem:s16+$0x200]  }
0x1f: {  	v5 =	vld [tilespmem:s16+$0x280]  }
0x20: {  	v6 =	vld [tilespmem:s16+$0x300]  }
0x21: {  	s31 =	sand.u32 $0x7, s13  }
0x22: {  	s17 =	sshll.u32 s31, $0x4;
	v0 =	vmul.f32 v0, v39;
	v1 =	vmul.f32 v1, v39  }
0x23: {  	s18 =	sadd.s32 s17, s14;
	v28 =	vmul.f32 v2, v39;
	v30 =	vmul.f32 v3, v39  }
0x24: {  	s17 =	sor.u32 $0x380, s18;
	v44 =	vmul.f32 v4, v39;
	v45 =	vmul.f32 v5, v39  }
0x25: {  	v7 =	vld [tilespmem:s17+$0x0];
	v46 =	vmul.f32 v6, v39;
	v10 =	vmul.f32 $5.000000000e-01, v0  }
0x26: {  	v29 =	vmul.f32 $5.000000000e-01, v1;
	v31 =	vmul.f32 $5.000000000e-01, v28  }
0x27: {  	v11 =	vmul.f32 $5.000000000e-01, v30;
	v12 =	vmul.f32 $5.000000000e-01, v44  }
0x28: {  	v13 =	vmul.f32 $5.000000000e-01, v45;
	v48 =	vadd.f32 $1.258291200e+07, v10;
	v4 =	vadd.f32 $1.258291200e+07, v29  }
0x29: {  	v14 =	vmul.f32 $5.000000000e-01, v46;
	v5 =	vadd.f32 $1.258291200e+07, v31;
	v9 =	vadd.f32 $1.258291200e+07, v11  }
0x2a: {  	v47 =	vmul.f32 v7, v39;
	v8 =	vadd.f32 $1.258291200e+07, v12;
	v7 =	vadd.f32 $1.258291200e+07, v13  }
0x2b: {  	v6 =	vadd.f32 $1.258291200e+07, v14;
	v49 =	vadd.f32 $-5.000000000e-01, v10  }
0x2c: {  	v50 =	vadd.f32 $-5.000000000e-01, v29;
	v51 =	vadd.f32 $-5.000000000e-01, v31  }
0x2d: {  	v52 =	vadd.f32 $-5.000000000e-01, v11;
	v53 =	vadd.f32 $-5.000000000e-01, v12  }
0x2e: {  	v15 =	vmul.f32 $5.000000000e-01, v47;
	v54 =	vadd.f32 $-5.000000000e-01, v13;
	v23 =	vadd.f32 $-1.258291200e+07, v48  }
0x2f: {  	v55 =	vadd.f32 $-5.000000000e-01, v14;
	v22 =	vadd.f32 $-1.258291200e+07, v4  }
0x30: {  	v1 =	vadd.f32 $1.258291200e+07, v15;
	v21 =	vadd.f32 $-1.258291200e+07, v5;
	[tilespmem:$0x1FD80] =	vst v23  }
0x31: {  	v20 =	vadd.f32 $-1.258291200e+07, v9;
	v19 =	vadd.f32 $-1.258291200e+07, v8;
	[tilespmem:$0x1FDA0] =	vst v22  }
0x32: {  	v24 =	vld [tilespmem:s16+$0x4000];
	v18 =	vadd.f32 $-1.258291200e+07, v7;
	v17 =	vadd.f32 $-1.258291200e+07, v6;
	[tilespmem:$0x1FDC0] =	vst v21  }
0x33: {  	v62 =	vadd.f32 $1.258291200e+07, v49;
	v2 =	vadd.f32 $1.258291200e+07, v50;
	[tilespmem:$0x1FDE0] =	vst v20  }
0x34: {  	v3 =	vadd.f32 $1.258291200e+07, v51;
	[tilespmem:$0x1FE00] =	vst v19;
	v16 =	vadd.f32 $-1.258291200e+07, v1  }
0x35: {  	[tilespmem:$0x1FE20] =	vst v18;
	v37 =	vsub.f32 v10, v23;
	v38 =	vsub.f32 v29, v22  }
0x36: {  	[tilespmem:$0x1FE40] =	vst v17;
	v40 =	vsub.f32 v31, v21;
	v41 =	vsub.f32 v11, v20  }
0x37: {  	v25 =	vld [tilespmem:s16+$0x4080];
	v24 =	vmul.f32 v24, v39;
	v42 =	vsub.f32 v12, v19;
	v35 =	vsub.f32 v13, v18;
	[tilespmem:$0x1FE60] =	vst v16  }
0x38: {  	v36 =	vsub.f32 v14, v17;
	v14 =	vadd.f32 $1.258291200e+07, v53;
	[tilespmem:$0x1FB80] =	vst v37  }
0x39: {  	v24 =	vmul.f32 $5.000000000e-01, v24;
	v12 =	vadd.f32 $1.258291200e+07, v54;
	v13 =	vadd.f32 $1.258291200e+07, v55;
	[tilespmem:$0x1FBA0] =	vst v38  }
0x3a: {  	v33 =	vadd.f32 $-1.258291200e+07, v62;
	v32 =	vadd.f32 $-1.258291200e+07, v2;
	[tilespmem:$0x1FBC0] =	vst v40  }
0x3b: {  	v31 =	vadd.f32 $-1.258291200e+07, v3;
	v23 =	vadd.f32 $1.258291200e+07, v24;
	[tilespmem:$0x1FBE0] =	vst v41  }
0x3c: {  	v17 =	vmul.f32 v25, v39;
	[tilespmem:$0x1FC00] =	vst v42;
	v34 =	vsub.f32 v15, v16;
	v15 =	vadd.f32 $-5.000000000e-01, v15  }
0x3d: {  	v2 =	vxor.u32 v4, v2;
	[tilespmem:$0x1FC20] =	vst v35;
	v16 =	vadd.f32 $1.258291200e+07, v52;
	v29 =	vadd.f32 $-1.258291200e+07, v14  }
0x3e: {  	v3 =	vxor.u32 v5, v3;
	[tilespmem:$0x1FC40] =	vst v36;
	v28 =	vadd.f32 $-1.258291200e+07, v12;
	v26 =	vadd.f32 $-1.258291200e+07, v13  }
0x3f: {  	[tilespmem:$0x1FD90] =	vst v33;
	v33 =	vsub.f32 v49, v33;
	v63 =	vsub.f32 v50, v32;
	v37 =	vmul.f32 v37, v37  }
0x40: {  	[tilespmem:$0x1FDD0] =	vst v31;
	v31 =	vsub.f32 v51, v31;
	v43 =	vmul.f32 v38, v38;
	v45 =	vmul.f32 v40, v40  }
0x41: {  	[tilespmem:$0x1FDB0] =	vst v32;
	v46 =	vmul.f32 v41, v41;
	v47 =	vmul.f32 v42, v42;
	v51 =	vadd.f32 $-5.000000000e-01, v24  }
0x42: {  	v49 =	vmul.f32 v35, v35;
	[tilespmem:$0x1FC60] =	vst v34;
	v10 =	vadd.f32 $1.258291200e+07, v15;
	v30 =	vadd.f32 $-1.258291200e+07, v16  }
0x43: {  	v17 =	vmul.f32 $5.000000000e-01, v17;
	[tilespmem:$0x1FE10] =	vst v29;
	v44 =	vsub.f32 v53, v29;
	v59 =	vsub.f32 v54, v28  }
0x44: {  	[tilespmem:$0x1FE30] =	vst v28;
	v58 =	vsub.f32 v55, v26;
	v50 =	vmul.f32 v33, v33;
	v18 =	vadd.f32 v43, v37  }
0x45: {  	[tilespmem:$0x1FE50] =	vst v26;
	v60 =	vmul.f32 v34, v34;
	v34 =	vadd.f32 v46, v45;
	v55 =	vadd.f32 v49, v47  }
0x46: {  	v61 =	vld [tilespmem:s16+$0x4100];
	[tilespmem:$0x1FBB0] =	vst v63;
	v56 =	vmul.f32 v63, v63;
	v21 =	vadd.f32 $1.258291200e+07, v17;
	v28 =	vadd.f32 $1.258291200e+07, v51  }
0x47: {  	[tilespmem:$0x1FBD0] =	vst v31;
	v63 =	vmul.f32 v31, v31;
	v27 =	vadd.f32 $-1.258291200e+07, v10;
	v32 =	vsub.f32 v52, v30  }
0x48: {  	v57 =	vmul.f32 v36, v36;
	[tilespmem:$0x1FDF0] =	vst v30;
	v30 =	vsub.f32 v50, v37;
	v31 =	vsub.f32 v56, v43  }
0x49: {  	[tilespmem:$0x1FB90] =	vst v33;
	v54 =	vld [tilespmem:s16+$0x4200];
	v35 =	vmul.f32 v44, v44;
	v36 =	vsub.f32 v63, v45;
	v37 =	vmul.f32 v59, v59  }
0x4a: {  	[tilespmem:$0x1FC10] =	vst v44;
	v40 =	vmul.f32 v58, v58;
	v41 =	vadd.f32 v34, v18;
	v50 =	vadd.f32 $-1.258291200e+07, v23  }
0x4b: {  	[tilespmem:$0x1FC30] =	vst v59;
	v45 =	vmul.f32 v61, v39;
	v53 =	vadd.f32 $-1.258291200e+07, v21;
	v61 =	vadd.f32 $-1.258291200e+07, v28  }
0x4c: {  	[tilespmem:$0x1FC50] =	vst v58;
	v52 =	vsub.f32 v15, v27;
	v33 =	vmul.f32 v32, v32;
	v43 =	vsub.f32 v35, v47  }
0x4d: {  	[tilespmem:$0x1FE70] =	vst v27;
	v44 =	vsub.f32 v37, v49;
	v49 =	vld [tilespmem:s16+$0x4180];
	v15 =	vadd.f32 v60, v57;
	v20 =	vmul.f32 $5.000000000e-01, v45  }
0x4e: {  	[tilespmem:$0x1FBF0] =	vst v32;
	v11 =	vsub.f32 v24, v50;
	v19 =	vsub.f32 v51, v61;
	v24 =	vmul.f32 v54, v39  }
0x4f: {  	[tilespmem:$0x1F4F0] =	vst v30;
	v38 =	vsub.f32 v33, v46;
	v42 =	vmul.f32 v52, v52;
	v46 =	vsub.f32 v40, v57  }
0x50: {  	v4 =	vxor.u32 v48, v4;
	[tilespmem:$0x1F520] =	vst v31;
	v27 =	vadd.f32 $1.258291200e+07, v20;
	v57 =	vadd.f32 $-5.000000000e-01, v17  }
0x51: {  	[tilespmem:$0x1F630] =	vst v43;
	v40 =	vadd.f32 $-5.000000000e-01, v20;
	v43 =	vld [tilespmem:s16+$0x4280];
	v24 =	vmul.f32 $5.000000000e-01, v24;
	v47 =	vsub.f32 v42, v60  }
0x52: {  	[tilespmem:$0x1F550] =	vst v36;
	v56 =	vadd.f32 $-1.258291200e+07, v27;
	v0 =	vadd.f32 $1.258291200e+07, v57;
	v18 =	vmul.f32 v49, v39  }
0x53: {  	[tilespmem:$0x1F4D0] =	vst v41;
	v54 =	vmul.f32 v11, v11;
	v60 =	vsub.f32 v17, v53;
	v31 =	vadd.f32 $1.258291200e+07, v40  }
0x54: {  	[tilespmem:$0x1F540] =	vst v38;
	v36 =	vadd.f32 $1.258291200e+07, v24;
	v42 =	vadd.f32 $-1.258291200e+07, v0;
	v63 =	vmul.f32 $5.000000000e-01, v18  }
0x55: {  	[tilespmem:$0x1FEC0] =	vst v56;
	v38 =	vsub.f32 v20, v56;
	v51 =	vadd.f32 $-1.258291200e+07, v31;
	v56 =	vmul.f32 v60, v60  }
0x56: {  	s18 =	sor.u32 $0x4380, s18;
	[tilespmem:$0x1F4E0] =	vst v46;
	v25 =	vmul.f32 v43, v39;
	v46 =	vsub.f32 v57, v42;
	v41 =	vadd.f32 $-5.000000000e-01, v63  }
0x57: {  	v4 =	vxor.u32 v5, v4;
	[tilespmem:$0x1FE80] =	vst v50;
	v45 =	vsub.f32 v40, v51;
	v40 =	vld [tilespmem:s18+$0x0];
	v30 =	vadd.f32 $1.258291200e+07, v63  }
0x58: {  	[tilespmem:$0x1FEA0] =	vst v53;
	v32 =	vadd.f32 v56, v54;
	v25 =	vmul.f32 $5.000000000e-01, v25;
	v33 =	vadd.f32 $1.258291200e+07, v41  }
0x59: {  	v49 =	vld [tilespmem:s16+$0x4300];
	[tilespmem:$0x1FEB0] =	vst v42;
	v42 =	vmul.f32 v38, v38;
	v29 =	vmul.f32 v46, v46;
	v50 =	vadd.f32 $-1.258291200e+07, v30  }
0x5a: {  	[tilespmem:$0x1FE90] =	vst v61;
	v43 =	vmul.f32 v45, v45;
	v35 =	vadd.f32 $1.258291200e+07, v25;
	v53 =	vadd.f32 $-1.258291200e+07, v33  }
0x5b: {  	[tilespmem:$0x1FCA0] =	vst v60;
	v60 =	vsub.f32 v29, v56;
	v57 =	vsub.f32 v63, v50;
	v63 =	vmul.f32 v19, v19  }
0x5c: {  	[tilespmem:$0x1FED0] =	vst v51;
	v51 =	vsub.f32 v43, v42;
	v18 =	vmul.f32 v40, v39;
	v22 =	vsub.f32 v41, v53  }
0x5d: {  	[tilespmem:$0x1F500] =	vst v44;
	v17 =	vsub.f32 v63, v54;
	v44 =	vmul.f32 v57, v57;
	v54 =	vadd.f32 $-1.258291200e+07, v36  }
0x5e: {  	[tilespmem:$0x1F510] =	vst v47;
	v56 =	vadd.f32 $-1.258291200e+07, v35;
	v41 =	vmul.f32 v49, v39;
	v18 =	vmul.f32 $5.000000000e-01, v18  }
0x5f: {  	[tilespmem:$0x1FEE0] =	vst v50;
	v47 =	vmul.f32 v22, v22;
	v34 =	vadd.f32 v44, v42;
	v50 =	vsub.f32 v24, v54  }
0x60: {  	[tilespmem:$0x1FCD0] =	vst v38;
	v20 =	vmul.f32 $5.000000000e-01, v41;
	v24 =	vadd.f32 $-5.000000000e-01, v24;
	v38 =	vadd.f32 $1.258291200e+07, v18  }
0x61: {  	v4 =	vxor.u32 v9, v4;
	[tilespmem:$0x1FF10] =	vst v54;
	v54 =	vsub.f32 v25, v56;
	v25 =	vadd.f32 $-5.000000000e-01, v25  }
0x62: {  	v14 =	vxor.u32 v8, v14;
	[tilespmem:$0x1FC80] =	vst v11;
	v61 =	vsub.f32 v47, v44;
	v37 =	vadd.f32 $1.258291200e+07, v20  }
0x63: {  	v4 =	vxor.u32 v8, v4;
	[tilespmem:$0x1FC90] =	vst v19;
	v63 =	vadd.f32 $-1.258291200e+07, v38;
	v39 =	vadd.f32 $1.258291200e+07, v24  }
0x64: {  	v16 =	vxor.u32 v9, v16;
	[tilespmem:$0x1FCE0] =	vst v57;
	v42 =	vadd.f32 $1.258291200e+07, v25;
	v57 =	vadd.f32 $-1.258291200e+07, v37  }
0x65: {  	v4 =	vxor.u32 v7, v4;
	[tilespmem:$0x1FEF0] =	vst v53;
	v44 =	vsub.f32 v18, v63;
	v18 =	vadd.f32 $-5.000000000e-01, v18  }
0x66: {  	v4 =	vxor.u32 v6, v4;
	[tilespmem:$0x1FF40] =	vst v56;
	v11 =	vadd.f32 $-1.258291200e+07, v39;
	v29 =	vadd.f32 $-1.258291200e+07, v42  }
0x67: {  	v4 =	vxor.u32 v1, v4;
	[tilespmem:$0x1F530] =	vst v17;
	v40 =	vsub.f32 v20, v57;
	v20 =	vadd.f32 $-5.000000000e-01, v20  }
0x68: {  	v19 =	vand.u32 $0x7FFFFFFF, v19;
	[tilespmem:$0x1FF70] =	vst v57;
	v57 =	vsub.f32 v24, v11;
	v47 =	vadd.f32 $1.258291200e+07, v18  }
0x69: {  	v56 =	vmul.f32 v54, v54;
	[tilespmem:$0x1FFA0] =	vst v63;
	v63 =	vsub.f32 v25, v29;
	v43 =	vadd.f32 $1.258291200e+07, v20  }
0x6a: {  	[tilespmem:$0x1FCF0] =	vst v22;
	v25 =	vmul.f32 v50, v50;
	v49 =	vadd.f32 $-1.258291200e+07, v47;
	v24 =	vmul.f32 v57, v57  }
0x6b: {  	v32 =	vadd.f32 v34, v32;
	[tilespmem:$0x1FF20] =	vst v11;
	v53 =	vmul.f32 v63, v63;
	v41 =	vadd.f32 $-1.258291200e+07, v43  }
0x6c: {  	v22 =	vand.u32 $0x7FFFFFFF, v22;
	v34 =	vld [tilespmem:$0x1F4D0];
	[tilespmem:$0x1FF50] =	vst v29;
	v17 =	vsub.f32 v18, v49;
	v29 =	vsub.f32 v24, v25  }
0x6d: {  	[tilespmem:$0x1FFB0] =	vst v49;
	v11 =	vsub.f32 v53, v56;
	v49 =	vmul.f32 v44, v44;
	v18 =	vadd.f32 v15, v55  }
0x6e: {  	[tilespmem:$0x1FC70] =	vst v52;
	v15 =	vxor.u32 v7, v12;
	v7 =	vxor.u32 v6, v13;
	v26 =	vsub.f32 v20, v41  }
0x6f: {  	v55 =	vxor.u32 v27, v31;
	v9 =	vxor.u32 v37, v43;
	[tilespmem:$0x1FF80] =	vst v41;
	v41 =	vmul.f32 v40, v40  }
0x70: {  	[tilespmem:$0x1FCB0] =	vst v46;
	v20 =	vadd.f32 v56, v25;
	v53 =	vmul.f32 v17, v17;
	v56 =	vmul.f32 v26, v26  }
0x71: {  	[tilespmem:$0x1FCC0] =	vst v45;
	v6 =	vadd.f32 v18, v34;
	v18 =	vxor.u32 v1, v10;
	v43 =	vadd.f32 v11, v51  }
0x72: {  	[tilespmem:$0x1F5A0] =	vst v60;
	v25 =	vsub.f32 v53, v49;
	v53 =	vxor.u32 v21, v0;
	v24 =	vsub.f32 v56, v41  }
0x73: {  	[tilespmem:$0x1FD10] =	vst v50;
	v56 =	vadd.f32 v49, v41;
	v41 =	vxor.u32 v23, v28;
	v49 =	vxor.u32 v23, v4  }
0x74: {  	[tilespmem:$0x1FD30] =	vst v54;
	v23 =	vxor.u32 v35, v42;
	v28 =	vxor.u32 v47, v14;
	v1 =	vxor.u32 v21, v49  }
0x75: {  	[tilespmem:$0x1F570] =	vst v61;
	v5 =	vadd.f32 v56, v20;
	v1 =	vxor.u32 v27, v1;
	v56 =	vxor.u32 v62, v3  }
0x76: {  	[tilespmem:$0x1FD70] =	vst v44;
	v62 =	vxor.u32 v30, v33;
	v20 =	vxor.u32 v36, v39;
	v3 =	vxor.u32 v3, v16  }
0x77: {  	[tilespmem:$0x1FD00] =	vst v57;
	v42 =	vadd.f32 v25, v24;
	v1 =	vxor.u32 v30, v1;
	v5 =	vadd.f32 v5, v32  }
0x78: {  	[tilespmem:$0x1FD20] =	vst v63;
	v39 =	vld [tilespmem:$0x1FBF0];
	v3 =	vxor.u32 v14, v3;
	v30 =	vxor.u32 v16, v14;
	v14 =	vand.u32 $0x7FFFFFFF, v59  }
0x79: {  	[tilespmem:$0x1FD50] =	vst v40;
	v1 =	vxor.u32 v36, v1;
	v32 =	vadd.f32 v5, v6;
	v6 =	vxor.u32 v16, v56  }
0x7a: {  	[tilespmem:$0x1F820] =	vst v15;
	v31 =	vxor.u32 v15, v30;
	v1 =	vxor.u32 v35, v1;
	v21 =	vxor.u32 v48, v6  }
0x7b: {  	[tilespmem:$0x1F5B0] =	vst v29;
	v4 =	vxor.u32 v7, v31;
	v31 =	vand.u32 $0x7FFFFFFF, v17;
	v27 =	vxor.u32 v2, v21  }
0x7c: {  	[tilespmem:$0x1F580] =	vst v11;
	v1 =	vxor.u32 v37, v1;
	v34 =	vxor.u32 v41, v4;
	v0 =	vxor.u32 v27, v28  }
0x7d: {  	[tilespmem:$0x1F560] =	vst v24;
	v24 =	vld [tilespmem:$0x1F530];
	v8 =	vxor.u32 v38, v1;
	v48 =	vand.u32 $0x7FFFFFFF, v39;
	v0 =	vxor.u32 v15, v0  }
0x7e: {  	[tilespmem:$0x1FD60] =	vst v17;
	v59 =	vmovc v51;
	v51 =	vld [tilespmem:$0x1F4F0];
	v1 =	vand.u32 $0x7FFFFFFF, v52;
	v6 =	vand.u32 $0x7FFFFFFF, v26;
	v0 =	vxor.u32 v7, v0  }
0x7f: {  	[tilespmem:$0x1F810] =	vst v18;
	v36 =	vld [tilespmem:$0x1FB90];
	v2 =	vxor.u32 v2, v3;
	v3 =	vxor.u32 v15, v3;
	v0 =	vxor.u32 v18, v0  }
0x80: {  	[tilespmem:$0x1FD40] =	vst v26;
	v37 =	vld [tilespmem:$0x1FBB0];
	v21 =	vand.u32 $0x7FFFFFFF, v45;
	v2 =	vxor.u32 v7, v2;
	v0 =	vxor.u32 v41, v0  }
0x81: {  	v39 =	vld [tilespmem:$0x1F4E0];
	[tilespmem:$0x1F830] =	vst v27;
	v3 =	vxor.u32 v18, v3;
	v27 =	vand.u32 $0x7FFFFFFF, v63;
	v0 =	vxor.u32 v53, v0  }
0x82: {  	[tilespmem:$0x1F5C0] =	vst v43;
	v63 =	vld [tilespmem:$0x1F520];
	v2 =	vxor.u32 v41, v2;
	v3 =	vxor.u32 v53, v3;
	v0 =	vxor.u32 v55, v0  }
0x83: {  	[tilespmem:$0x1F590] =	vst v25;
	v33 =	vxor.u32 v55, v3;
	v3 =	vxor.u32 v55, v34;
	v34 =	vld [tilespmem:$0x1F550];
	v0 =	vxor.u32 v62, v0  }
0x84: {  	[tilespmem:$0x1F840] =	vst v41;
	v16 =	vadd.f32 v61, v51;
	v2 =	vxor.u32 v53, v2;
	v41 =	vld [tilespmem:$0x1FC10];
	v0 =	vxor.u32 v20, v0  }
0x85: {  	[tilespmem:$0x1F850] =	vst v62;
	v25 =	vmax.f32 v31, v6;
	v2 =	vxor.u32 v20, v2;
	v0 =	vxor.u32 v38, v0;
	v38 =	vld [tilespmem:$0x1FBD0]  }
0x86: {  	v15 =	vand.u32 $0x7FFFFFFF, v58;
	v58 =	vmax.f32 v1, v14;
	[tilespmem:$0x1F6D0] =	vst v2;
	v2 =	vadd.f32 v42, v43;
	v43 =	vld [tilespmem:$0x1F540]  }
0x87: {  	v10 =	vmovc v62;
	[tilespmem:$0x1F640] =	vst v42;
	v7 =	vand.u32 $0x7FFFFFFF, v54;
	v35 =	vxor.u32 v23, v33;
	v33 =	vand.u32 $0x7FFFFFFF, v36  }
0x88: {  	v47 =	vadd.f32 v29, v39;
	v49 =	vxor.u32 v10, v3;
	[tilespmem:$0x1F5E0] =	vst v35;
	v35 =	vld [tilespmem:$0x1F510];
	v18 =	vadd.f32 v24, v63  }
0x89: {  	[tilespmem:$0x1F870] =	vst v8;
	v55 =	vand.u32 $0x7FFFFFFF, v37;
	v0 =	vxor.u32 v23, v0;
	v23 =	vand.u32 $0x7FFFFFFF, v57;
	v57 =	vld [tilespmem:$0x1F500]  }
0x8a: {  	[tilespmem:$0x1F5F0] =	vst v25;
	v37 =	vmax.f32 v33, v22;
	v42 =	vmax.f32 v55, v19;
	v62 =	vand.u32 $0x7FFFFFFF, v38;
	v38 =	vld [tilespmem:$0x1F630]  }
0x8b: {  	[tilespmem:$0x1F660] =	vst v16;
	v20 =	vand.u32 $0x7FFFFFFF, v46;
	v28 =	vand.u32 $0x7FFFFFFF, v41;
	v56 =	vadd.f32 v43, v34  }
0x8c: {  	[tilespmem:$0x1F650] =	vst v47;
	v41 =	vmax.f32 v27, v21;
	v45 =	vmax.f32 v20, v28;
	v36 =	vmax.f32 v23, v15  }
0x8d: {  	v10 =	vld [tilespmem:$0x1FC40];
	[tilespmem:$0x1F670] =	vst v18;
	v30 =	vmax.f32 v25, v41;
	v29 =	vadd.f32 v18, v56;
	v46 =	vmax.f32 v36, v45  }
0x8e: {  	v0 =	vxor.u32 v9, v0;
	[tilespmem:$0x1F680] =	vst v46;
	v52 =	vmax.f32 v30, v46;
	v46 =	vand.u32 $0x7FFFFFFF, v44;
	v44 =	vld [tilespmem:$0x1FC60]  }
0x8f: {  	[tilespmem:$0x1F6E0] =	vst v30;
	v30 =	vand.u32 $0x7FFFFFFF, v40;
	v11 =	vadd.f32 v60, v38;
	v60 =	vadd.f32 v35, v57  }
0x90: {  	v9 =	vxor.u32 v9, v49;
	[tilespmem:$0x1F600] =	vst v36;
	v40 =	vmax.f32 v46, v30;
	v18 =	vmax.f32 v62, v48  }
0x91: {  	v4 =	vld [tilespmem:$0x1FCD0];
	[tilespmem:$0x1F700] =	vst v29;
	v17 =	vmax.f32 v42, v18;
	v5 =	vadd.f32 v47, v11;
	v26 =	vadd.f32 v16, v60  }
0x92: {  	[tilespmem:$0x1F5D0] =	vst v11;
	v47 =	vmax.f32 v37, v58;
	v16 =	vand.u32 $0x1, v8;
	v8 =	vand.u32 $0x7FFFFFFF, v50  }
0x93: {  	v36 =	vld [tilespmem:$0x1FCE0];
	v11 =	vand.u32 $0x7FFFFFFF, v10;
	[tilespmem:$0x1F6F0] =	vst v47;
	v53 =	vmax.f32 v47, v17;
	v47 =	vand.u32 $0x7FFFFFFF, v44  }
0x94: {  	[tilespmem:$0x1F8A0] =	vst v52;
	v50 =	vld [tilespmem:$0x1FC20];
	v61 =	vadd.f32 v2, v5;
	v12 =	vadd.f32 v26, v29;
	v3 =	vmax.f32 v52, v53  }
0x95: {  	v10 =	vld [tilespmem:$0x1FC80];
	[tilespmem:$0x1F710] =	vst v5;
	v29 =	vand.u32 $0x1, v0;
	v52 =	vmax.f32 v46, v6;
	v5 =	vmax.f32 v31, v30  }
0x96: {  	[tilespmem:$0x1F620] =	vst v42;
	v6 =	vand.u32 $0x7FFFFFFF, v4;
	v46 =	vmax.f32 v8, v15;
	v30 =	vmax.f32 v8, v11;
	v4 =	vld [tilespmem:$0x1FBA0]  }
0x97: {  	[tilespmem:$0x1F860] =	vst v53;
	v53 =	vmax.f32 v23, v11;
	v13 =	vadd.f32 v3, v3;
	v42 =	vmax.f32 v27, v6;
	v27 =	vld [tilespmem:$0x1FB80]  }
0x98: {  	[tilespmem:$0x1F610] =	vst v37;
	vm0 =	vgt.f32 v3, $0.0e+00;
	vm1 =	veq.s32 v16, v29;
	v25 =	vadd.f32 v61, v12  }
0x99: {  	[tilespmem:$0x1F690] =	vst v17;
	v17 =	vld [tilespmem:$0x1FC00];
	v54 =	vmax.f32 v7, v6;
	vm0 =	vmneg vm0;
	v37 =	vsub.f32 $1.000000000e+00, v13  }
0x9a: {  	[tilespmem:$0x1F730] =	vst v26;
	vm0 =	vmor vm1, vm0;
	v3 =	vand.u32 $0x7FFFFFFF, v50;
	v26 =	vadd.f32 v25, v32;
	v25 =	vld [tilespmem:$0x1FCA0]  }
0x9b: {  	[tilespmem:$0x1F8D0] =	vst v12;
	v12 =	vld [tilespmem:$0x1F560];
	v11 =	vand.u32 $0x7FFFFFFF, v10;
	v37 =	vsel vm0, $0x0, v37;
	v6 =	vand.u32 $0x7FFFFFFF, v4  }
0x9c: {  	[tilespmem:$0x1F8E0] =	vst v61;
	v61 =	vadd.f32 v37, v26;
	v31 =	vand.u32 $0x7FFFFFFF, v27;
	v37 =	vand.u32 $0x7FFFFFFF, v36  }
0x9d: {  	v23 =	vmax.f32 v6, v19;
	v15 =	vmax.f32 v6, v11;
	v27 =	vmax.f32 v31, v22  }
0x9e: {  	v36 =	vmax.f32 v33, v37;
	v33 =	vmax.f32 v47, v14;
	[tilespmem:$0x1FA60] =	vst v61;
	v61 =	vmax.f32 v7, v21;
	v7 =	vld [tilespmem:$0x1FBC0]  }
0x9f: {  	[tilespmem:$0x1F720] =	vst v2;
	v21 =	vand.u32 $0x7FFFFFFF, v17;
	v17 =	vmax.f32 v47, v3;
	v47 =	vld [tilespmem:$0x1FBE0];
	v26 =	vand.u32 $0x7FFFFFFF, v25  }
0xa0: {  	[tilespmem:$0x1F7E0] =	vst v56;
	v6 =	vadd.f32 v12, v59;
	v13 =	vmax.f32 v52, v61;
	v49 =	vmax.f32 v26, v28  }
0xa1: {  	[tilespmem:$0x1F7C0] =	vst v60;
	v25 =	vmax.f32 v26, v21;
	v28 =	vmax.f32 v20, v21;
	v20 =	vmax.f32 v55, v11;
	v11 =	vld [tilespmem:$0x1F570]  }
0xa2: {  	[tilespmem:$0x1F6A0] =	vst v6;
	v21 =	vmax.f32 v31, v37;
	v26 =	vmax.f32 v1, v3;
	v14 =	vmax.f32 v46, v49  }
0xa3: {  	[tilespmem:$0x1F6B0] =	vst v13;
	v31 =	vmax.f32 v27, v33;
	v1 =	vmax.f32 v13, v14;
	v8 =	vand.u32 $0x7FFFFFFF, v7  }
0xa4: {  	[tilespmem:$0x1F6C0] =	vst v31;
	v7 =	vadd.f32 v39, v38;
	v44 =	vmax.f32 v8, v48;
	v48 =	vand.u32 $0x7FFFFFFF, v47  }
0xa5: {  	[tilespmem:$0x1F780] =	vst v14;
	v47 =	vadd.f32 v24, v43;
	v37 =	vmax.f32 v23, v44;
	v13 =	vmax.f32 v8, v48  }
0xa6: {  	[tilespmem:$0x1F8B0] =	vst v1;
	v14 =	vmax.f32 v62, v48;
	v55 =	vadd.f32 v11, v57;
	v48 =	vmax.f32 v53, v28  }
0xa7: {  	[tilespmem:$0x1F7A0] =	vst v37;
	v50 =	vmax.f32 v31, v37;
	v37 =	vand.u32 $0x1, v9;
	v31 =	vadd.f32 v6, v7  }
0xa8: {  	[tilespmem:$0x1F740] =	vst v7;
	v6 =	vmax.f32 v36, v26;
	v62 =	vmax.f32 v20, v14;
	v4 =	vmax.f32 v1, v50  }
0xa9: {  	[tilespmem:$0x1F760] =	vst v47;
	vm7 =	veq.s32 v16, v37;
	v0 =	vadd.f32 v55, v47;
	v2 =	vmax.f32 v6, v62  }
0xaa: {  	[tilespmem:$0x1F8F0] =	vst v50;
	v19 =	vxor.u32 v37, v16;
	v47 =	vmax.f32 v15, v18;
	vm6 =	vgt.f32 v4, $0.0e+00  }
0xab: {  	[tilespmem:$0x1F7B0] =	vst v6;
	v22 =	vadd.f32 v4, v4;
	v4 =	vmax.f32 v5, v42;
	vm10 =	veq.s32 v19, v29  }
0xac: {  	v10 =	vmovc v24;
	v6 =	vld [tilespmem:$0x1F580];
	[tilespmem:$0x1FA90] =	vst v19;
	v19 =	vadd.f32 v34, v63;
	vm0 =	vmneg vm6;
	v1 =	vmax.f32 v4, v48  }
0xad: {  	v24 =	vmovc v5;
	[tilespmem:$0x1F880] =	vst v31;
	v5 =	vld [tilespmem:$0x1F5A0];
	v8 =	vadd.f32 v31, v0;
	v9 =	vsub.f32 $1.000000000e+00, v22;
	v7 =	vmax.f32 v1, v2  }
0xae: {  	[tilespmem:$0x1F8C0] =	vst v2;
	vm0 =	vmor vm7, vm0;
	vm8 =	vgt.f32 v7, $0.0e+00;
	v50 =	vadd.f32 v7, v7;
	v7 =	vld [tilespmem:$0x1F590]  }
0xaf: {  	v38 =	vmovc v43;
	[tilespmem:$0x1F800] =	vst v47;
	v31 =	vmax.f32 v40, v41;
	v41 =	vmax.f32 v30, v45;
	v43 =	vsel vm0, $0x0, v9;
	v9 =	vld [tilespmem:$0x1F5B0]  }
0xb0: {  	v45 =	vmov v35;
	v35 =	vadd.f32 v35, v51;
	[tilespmem:$0x1F7D0] =	vst v31;
	v18 =	vmax.f32 v31, v41;
	v31 =	vld [tilespmem:$0x1F5C0]  }
0xb1: {  	[tilespmem:$0x1F7F0] =	vst v41;
	v41 =	vld [tilespmem:$0x1F5D0];
	v3 =	vadd.f32 v8, v32  }
0xb2: {  	[tilespmem:$0x1F770] =	vst v35;
	v8 =	vmov v51;
	v51 =	vadd.f32 v35, v19;
	v35 =	vadd.f32 v60, v56;
	v60 =	vld [tilespmem:$0x1F5E0]  }
0xb3: {  	v58 =	vmax.f32 v21, v58;
	[tilespmem:$0x1F790] =	vst v4  }
0xb4: {  	v47 =	vmax.f32 v58, v47;
	[tilespmem:$0x1F900] =	vst v1;
	v1 =	vadd.f32 v7, v6;
	v22 =	vadd.f32 v9, v5  }
0xb5: {  	[tilespmem:$0x1F970] =	vst v47;
	vm9 =	vmneg vm8  }
0xb6: {  	v4 =	vmovc v34;
	[tilespmem:$0x1F940] =	vst v18;
	vm0 =	vmor vm10, vm9;
	v56 =	vsub.f32 $1.000000000e+00, v50;
	v34 =	vadd.f32 v1, v22  }
0xb7: {  	v2 =	vadd.f32 v31, v41;
	[tilespmem:$0x1F750] =	vst v1;
	v50 =	vand.u32 $0x1, v60;
	v1 =	vmax.f32 v18, v47  }
0xb8: {  	v47 =	vsel vm0, $0x0, v56;
	v56 =	vld [tilespmem:$0x1F5F0];
	v18 =	vadd.f32 v1, v1;
	[tilespmem:$0x1F920] =	vst v34;
	v34 =	vadd.f32 v34, v51  }
0xb9: {  	[tilespmem:$0x1F960] =	vst v35;
	v35 =	vadd.f32 v2, v35;
	v60 =	vld [tilespmem:$0x1F600];
	vm2 =	veq.s32 v16, v50;
	vm11 =	vgt.f32 v1, $0.0e+00  }
0xba: {  	[tilespmem:$0x1F910] =	vst v0;
	vm1 =	vmneg vm11;
	v18 =	vsub.f32 $1.000000000e+00, v18;
	v0 =	vadd.f32 v34, v32  }
0xbb: {  	v1 =	vadd.f32 v32, v35;
	vm1 =	vmor vm2, vm1  }
0xbc: {  	v52 =	vmax.f32 v52, v42;
	v18 =	vsel vm1, $0x0, v18;
	v0 =	vadd.f32 v47, v0  }
0xbd: {  	v45 =	vadd.f32 v11, v45;
	[tilespmem:$0x1F890] =	vst v51;
	v51 =	vadd.f32 v18, v1;
	v18 =	vmax.f32 v56, v54;
	v56 =	vld [tilespmem:$0x1F630]  }
0xbe: {  	v3 =	vadd.f32 v43, v3;
	v1 =	vmax.f32 v60, v25;
	[tilespmem:$0x1FA80] =	vst v0;
	v0 =	vmax.f32 v30, v25;
	v25 =	vld [tilespmem:$0x1F610]  }
0xbf: {  	v43 =	vmax.f32 v40, v54;
	v40 =	vmax.f32 v46, v28;
	v35 =	vmax.f32 v15, v13;
	v30 =	vld [tilespmem:$0x1F620]  }
0xc0: {  	v54 =	vmax.f32 v21, v17;
	v47 =	vadd.f32 v12, v6;
	v21 =	vadd.f32 v7, v59  }
0xc1: {  	v7 =	vadd.f32 v38, v63;
	v63 =	vmax.f32 v53, v49;
	v60 =	vxor.u32 v50, v16  }
0xc2: {  	[tilespmem:$0x1FA70] =	vst v3;
	v34 =	vmax.f32 v18, v1;
	vm13 =	veq.s32 v60, v29;
	vm4 =	veq.s32 v60, v37  }
0xc3: {  	[tilespmem:$0x1FAA0] =	vst v51;
	v51 =	vmax.f32 v23, v14;
	v42 =	vadd.f32 v9, v56;
	v3 =	vmax.f32 v25, v17  }
0xc4: {  	[tilespmem:$0x1F930] =	vst v2;
	v2 =	vmax.f32 v30, v13;
	v13 =	vadd.f32 v5, v39;
	v39 =	vadd.f32 v10, v4  }
0xc5: {  	v25 =	vmax.f32 v27, v26;
	v10 =	vadd.f32 v57, v8;
	v17 =	vmax.f32 v24, v61  }
0xc6: {  	v61 =	vmax.f32 v52, v40;
	v27 =	vmax.f32 v20, v44;
	v46 =	vmax.f32 v3, v2  }
0xc7: {  	v11 =	vld [tilespmem:$0x1F670];
	v28 =	vmax.f32 v25, v51;
	v56 =	vmax.f32 v17, v63;
	v4 =	vmax.f32 v34, v46  }
0xc8: {  	[tilespmem:$0x1FAE0] =	vst v60;
	v24 =	vld [tilespmem:$0x1F660];
	v30 =	vmax.f32 v61, v28;
	v38 =	vadd.f32 v47, v13;
	v44 =	vadd.f32 v45, v39  }
0xc9: {  	v6 =	vld [tilespmem:$0x1F640];
	[tilespmem:$0x1F980] =	vst v34;
	v34 =	vmovc v60;
	v60 =	vadd.f32 v21, v42;
	vm12 =	vgt.f32 v4, $0.0e+00;
	v59 =	vadd.f32 v4, v4  }
0xca: {  	[tilespmem:$0x1F950] =	vst v46;
	v46 =	vld [tilespmem:$0x1F650];
	v4 =	vmax.f32 v36, v33;
	vm14 =	vgt.f32 v30, $0.0e+00;
	v15 =	vadd.f32 v30, v30  }
0xcb: {  	v5 =	vxor.u32 v37, v34;
	vm0 =	vmneg vm12;
	vm15 =	vmneg vm14  }
0xcc: {  	v53 =	vadd.f32 v38, v44;
	vm6 =	veq.s32 v5, v29;
	v8 =	vsub.f32 $1.000000000e+00, v59  }
0xcd: {  	[tilespmem:$0x1F990] =	vst v61;
	v36 =	vadd.f32 v24, v11;
	vm0 =	vmor vm13, vm0;
	v59 =	vmax.f32 v4, v27  }
0xce: {  	[tilespmem:$0x1F9E0] =	vst v28;
	v15 =	vsub.f32 $1.000000000e+00, v15;
	v61 =	vmax.f32 v56, v59;
	v28 =	vadd.f32 v53, v32  }
0xcf: {  	v57 =	vadd.f32 v6, v46;
	v12 =	vsel vm0, $0x0, v8;
	v30 =	vadd.f32 v61, v61  }
0xd0: {  	vm0 =	vmor vm4, vm15;
	v8 =	vadd.f32 v10, v7;
	vm5 =	vgt.f32 v61, $0.0e+00  }
0xd1: {  	[tilespmem:$0x1F9C0] =	vst v44;
	v44 =	vld [tilespmem:$0x1F6B0];
	vm1 =	vmneg vm5;
	v15 =	vsel vm0, $0x0, v15;
	v30 =	vsub.f32 $1.000000000e+00, v30  }
0xd2: {  	[tilespmem:$0x1F9A0] =	vst v59;
	v59 =	vld [tilespmem:$0x1F710];
	v33 =	vadd.f32 v57, v36;
	v9 =	vadd.f32 v60, v8;
	vm7 =	vmor vm6, vm1  }
0xd3: {  	v23 =	vadd.f32 v15, v28;
	v26 =	vsel vm7, $0x0, v30;
	v30 =	vld [tilespmem:$0x1F680]  }
0xd4: {  	v49 =	vadd.f32 v33, v32;
	v34 =	vadd.f32 v9, v32;
	v33 =	vld [tilespmem:$0x1F690]  }
0xd5: {  	[tilespmem:$0x1FAC0] =	vst v23;
	v23 =	vld [tilespmem:$0x1F6E0]  }
0xd6: {  	v20 =	vadd.f32 v12, v49;
	v28 =	vadd.f32 v26, v34;
	v34 =	vld [tilespmem:$0x1F6A0]  }
0xd7: {  	[tilespmem:$0x1F9B0] =	vst v38;
	v26 =	vld [tilespmem:$0x1F6F0]  }
0xd8: {  	[tilespmem:$0x1FAB0] =	vst v20;
	v20 =	vld [tilespmem:$0x1F6C0]  }
0xd9: {  	[tilespmem:$0x1FAD0] =	vst v28;
	v28 =	vadd.f32 v55, v19;
	v55 =	vld [tilespmem:$0x1F700]  }
0xda: {  	[tilespmem:$0x1FAF0] =	vst v5;
	v14 =	vmax.f32 v43, v30;
	v5 =	vmax.f32 v54, v33  }
0xdb: {  	[tilespmem:$0x1F9D0] =	vst v60;
	v49 =	vmax.f32 v44, v48;
	v60 =	vmax.f32 v23, v0;
	v38 =	vmax.f32 v14, v5  }
0xdc: {  	v33 =	vadd.f32 v34, v22;
	vm8 =	vgt.f32 v38, $0.0e+00;
	v9 =	vadd.f32 v38, v38  }
0xdd: {  	v22 =	vld [tilespmem:$0x1F6D0];
	v34 =	vmax.f32 v26, v35;
	v26 =	vmax.f32 v43, v0;
	vm0 =	vmneg vm8  }
0xde: {  	v44 =	vmax.f32 v60, v34;
	v53 =	vmax.f32 v20, v62;
	v30 =	vadd.f32 v59, v55  }
0xdf: {  	v12 =	vld [tilespmem:$0x1F730];
	v9 =	vsub.f32 $1.000000000e+00, v9;
	vm10 =	vgt.f32 v44, $0.0e+00;
	v19 =	vadd.f32 v44, v44  }
0xe0: {  	[tilespmem:$0x1FA30] =	vst v28;
	v28 =	vadd.f32 v33, v28;
	v48 =	vmax.f32 v49, v53;
	v15 =	vadd.f32 v32, v30;
	v30 =	vld [tilespmem:$0x1F720]  }
0xe1: {  	v43 =	vld [tilespmem:$0x1F770];
	vm11 =	vmneg vm10;
	v19 =	vsub.f32 $1.000000000e+00, v19;
	vm12 =	vgt.f32 v48, $0.0e+00  }
0xe2: {  	[tilespmem:$0x1FA10] =	vst v33;
	v33 =	vld [tilespmem:$0x1F760];
	v20 =	vadd.f32 v48, v48;
	v28 =	vadd.f32 v28, v32;
	v38 =	vand.u32 $0x1, v22  }
0xe3: {  	[tilespmem:$0x1F9F0] =	vst v56;
	v44 =	vld [tilespmem:$0x1F780];
	vm1 =	vmneg vm12;
	vm9 =	veq.s32 v16, v38;
	v56 =	vxor.u32 v38, v16  }
0xe4: {  	v48 =	vld [tilespmem:$0x1F790];
	v20 =	vsub.f32 $1.000000000e+00, v20;
	vm0 =	vmor vm9, vm0;
	vm13 =	veq.s32 v56, v29  }
0xe5: {  	v61 =	vmovc v16;
	[tilespmem:$0x1FA20] =	vst v49;
	v16 =	vld [tilespmem:$0x1F7D0];
	vm14 =	veq.s32 v56, v37;
	v9 =	vsel vm0, $0x0, v9;
	v49 =	vadd.f32 v30, v12  }
0xe6: {  	vm0 =	vmor vm13, vm11;
	vm1 =	vmor vm14, vm1;
	v62 =	vadd.f32 v9, v15;
	v9 =	vld [tilespmem:$0x1F7C0]  }
0xe7: {  	[tilespmem:$0x1FA00] =	vst v5;
	v5 =	vsel vm0, $0x0, v19;
	v19 =	vsel vm1, $0x0, v20;
	v23 =	vadd.f32 v49, v32;
	v49 =	vld [tilespmem:$0x1F7A0]  }
0xe8: {  	v22 =	vadd.f32 v19, v28;
	[tilespmem:$0x1FB00] =	vst v62;
	v62 =	vld [tilespmem:$0x1F7B0]  }
0xe9: {  	v28 =	vld [tilespmem:$0x1F750]  }
0xea: {  	v2 =	vmax.f32 v58, v2;
	v42 =	vadd.f32 v47, v42;
	v46 =	vadd.f32 v31, v46;
	[tilespmem:$0x1FB20] =	vst v22;
	v22 =	vld [tilespmem:$0x1F7E0]  }
0xeb: {  	v4 =	vmax.f32 v4, v51;
	v15 =	vadd.f32 v33, v43;
	v20 =	vadd.f32 v5, v23;
	v23 =	vld [tilespmem:$0x1F740]  }
0xec: {  	v35 =	vmax.f32 v54, v35;
	v33 =	vadd.f32 v6, v41;
	v41 =	vld [tilespmem:$0x1F800];
	v5 =	vadd.f32 v11, v9  }
0xed: {  	vm6 =	veq.s32 v56, v50;
	v43 =	vmax.f32 v48, v44;
	[tilespmem:$0x1FB10] =	vst v20;
	v20 =	vmax.f32 v62, v49  }
0xee: {  	v49 =	vmax.f32 v16, v1;
	v11 =	vadd.f32 v46, v5;
	v19 =	vmax.f32 v43, v20  }
0xef: {  	v31 =	vadd.f32 v24, v22;
	v24 =	vxor.u32 v37, v56;
	v44 =	vmax.f32 v49, v2  }
0xf0: {  	v28 =	vadd.f32 v28, v23;
	vm15 =	vgt.f32 v19, $0.0e+00;
	v0 =	vadd.f32 v19, v19  }
0xf1: {  	v23 =	vld [tilespmem:$0x1F7F0];
	vm4 =	veq.s32 v24, v29;
	v19 =	vmax.f32 v3, v41;
	vm5 =	vgt.f32 v44, $0.0e+00  }
0xf2: {  	v1 =	vadd.f32 v44, v44;
	v11 =	vadd.f32 v32, v11;
	v44 =	vimm.f32 $1.000000000e+00  }
0xf3: {  	[tilespmem:$0x1FA40] =	vst v5;
	vm0 =	vmneg vm15;
	v5 =	vadd.f32 v33, v31;
	v0 =	vsub.f32 $1.000000000e+00, v0  }
0xf4: {  	v31 =	vadd.f32 v46, v31;
	vm0 =	vmor vm4, vm0;
	v48 =	vadd.f32 v28, v15  }
0xf5: {  	v1 =	vsub.f32 $1.000000000e+00, v1;
	v22 =	vadd.f32 v5, v32;
	v0 =	vsel vm0, $0x0, v0  }
0xf6: {  	vm0 =	vmneg vm5;
	v6 =	vadd.f32 v48, v32;
	v62 =	vmax.f32 v18, v23  }
0xf7: {  	v48 =	vxor.u32 v50, v56;
	vm0 =	vmor vm6, vm0;
	v58 =	vmax.f32 v62, v19  }
0xf8: {  	vm8 =	veq.s32 v48, v29;
	vm10 =	veq.s32 v48, v37;
	v9 =	vadd.f32 v58, v58  }
0xf9: {  	v0 =	vadd.f32 v0, v6;
	v16 =	vsel vm0, $0x0, v1;
	vm7 =	vgt.f32 v58, $0.0e+00  }
0xfa: {  	[tilespmem:$0x1FB40] =	vst v24;
	v58 =	vadd.f32 v45, v7;
	vm1 =	vmneg vm7;
	v9 =	vsub.f32 $1.000000000e+00, v9  }
0xfb: {  	v24 =	vld [tilespmem:$0x1F810];
	v7 =	vadd.f32 v39, v10;
	[tilespmem:$0x1FB30] =	vst v0;
	v0 =	vadd.f32 v16, v11;
	vm1 =	vmor vm8, vm1  }
0xfc: {  	v10 =	vld [tilespmem:$0x1F850];
	v16 =	vmax.f32 v17, v40;
	v41 =	vadd.f32 v42, v58;
	v18 =	vsel vm1, $0x0, v9  }
0xfd: {  	v45 =	vimm.s32 $0xFFFF;
	v40 =	vld [tilespmem:$0x1F830];
	v47 =	vmax.f32 v16, v4;
	v23 =	vadd.f32 v18, v22  }
0xfe: {  	v17 =	vld [tilespmem:$0x1F870];
	vm11 =	vgt.f32 v47, $0.0e+00;
	v5 =	vadd.f32 v47, v47;
	v51 =	vadd.f32 v41, v32  }
0xff: {  	vm1 =	vmneg vm11;
	[tilespmem:$0x1FB60] =	vst v23;
	v23 =	vmax.f32 v52, v63;
	v52 =	vmax.f32 v25, v27;
	v25 =	vld [tilespmem:$0x1F820]  }
0x100: {  	v47 =	vld [tilespmem:$0x1F8D0];
	v5 =	vsub.f32 $1.000000000e+00, v5;
	v27 =	vadd.f32 v21, v13;
	v39 =	vmax.f32 v23, v52  }
0x101: {  	v63 =	vld [tilespmem:$0x1F840];
	v4 =	vmax.f32 v23, v4;
	v16 =	vmax.f32 v16, v52;
	vm9 =	vgt.f32 v39, $0.0e+00  }
0x102: {  	v13 =	vld [tilespmem:$0x1F860];
	v1 =	vadd.f32 v39, v39;
	v54 =	vadd.f32 v27, v7;
	vm0 =	vmneg vm9  }
0x103: {  	v18 =	vld [tilespmem:$0x1F880];
	v7 =	vadd.f32 v42, v7;
	v27 =	vadd.f32 v27, v58;
	vm0 =	vmor vm10, vm0  }
0x104: {  	[tilespmem:$0x1FB50] =	vst v0;
	v21 =	vld [tilespmem:$0x1F890];
	v1 =	vsub.f32 $1.000000000e+00, v1;
	v9 =	vadd.f32 v54, v32;
	v0 =	vxor.u32 v25, v24  }
0x105: {  	v39 =	vld [tilespmem:$0x1F8C0];
	v7 =	vadd.f32 v7, v32;
	v3 =	vxor.u32 v40, v0;
	v0 =	vxor.u32 v37, v48  }
0x106: {  	v27 =	vadd.f32 v27, v32;
	v24 =	vld [tilespmem:$0x1F8A0];
	v1 =	vsel vm0, $0x0, v1;
	vm12 =	veq.s32 v0, v29  }
0x107: {  	v25 =	vld [tilespmem:$0x1F8B0];
	v40 =	vadd.f32 v1, v51;
	v1 =	vxor.u32 v63, v3;
	v3 =	vmax.f32 v26, v13  }
0x108: {  	v26 =	vmax.f32 v26, v35;
	vm13 =	vmor vm12, vm1;
	v1 =	vxor.u32 v10, v1  }
0x109: {  	vm14 =	vgt.f32 v3, $0.0e+00;
	v3 =	vadd.f32 v3, v3;
	v6 =	vsel vm13, $0x0, v5  }
0x10a: {  	v51 =	vld [tilespmem:$0x1F8E0];
	v1 =	vxor.u32 v17, v1;
	v5 =	vadd.f32 v18, v21;
	vm0 =	vmneg vm14  }
0x10b: {  	v13 =	vld [tilespmem:$0x1F900];
	v11 =	vadd.f32 v6, v9;
	v41 =	vand.u32 $0x1, v1;
	v22 =	vsub.f32 $1.000000000e+00, v3  }
0x10c: {  	v17 =	vld [tilespmem:$0x1F910];
	v3 =	vmax.f32 v24, v35;
	v6 =	vmax.f32 v25, v39;
	v9 =	vadd.f32 v32, v47  }
0x10d: {  	v18 =	vld [tilespmem:$0x1F920];
	vm15 =	veq.s32 v41, $0x0;
	vm4 =	vgt.f32 v3, $0.0e+00;
	v3 =	vadd.f32 v3, v3  }
0x10e: {  	v24 =	vld [tilespmem:$0x1F940];
	vm6 =	vgt.f32 v6, $0.0e+00;
	v6 =	vadd.f32 v6, v6;
	vm7 =	veq.s32 v41, v29  }
0x10f: {  	[tilespmem:$0x1FA50] =	vst v2;
	v39 =	vld [tilespmem:$0x1F970];
	vm8 =	veq.s32 v41, v37;
	v5 =	vadd.f32 v5, v32;
	v2 =	vxor.u32 v37, v41  }
0x110: {  	v47 =	vld [tilespmem:$0x1F980];
	vm12 =	veq.s32 v41, v50;
	vm1 =	vmneg vm6;
	v6 =	vsub.f32 $1.000000000e+00, v6  }
0x111: {  	v25 =	vld [tilespmem:$0x1F950];
	vm0 =	vmor vm15, vm0;
	vm5 =	vmneg vm4;
	vm1 =	vmor vm8, vm1  }
0x112: {  	v10 =	vadd.f32 v51, v32;
	v3 =	vsub.f32 $1.000000000e+00, v3;
	v63 =	vsel vm1, $0x0, v6;
	v6 =	vld [tilespmem:$0x1F8F0]  }
0x113: {  	vm10 =	veq.s32 v2, v29;
	v1 =	vsel vm0, $0x0, v22;
	vm0 =	vmor vm7, vm5;
	v22 =	vld [tilespmem:$0x1F930]  }
0x114: {  	vm8 =	veq.s32 v41, v38;
	v9 =	vadd.f32 v1, v9;
	v54 =	vsel vm0, $0x0, v3  }
0x115: {  	v3 =	vadd.f32 v18, v17;
	v17 =	vmax.f32 v47, v39;
	v54 =	vadd.f32 v54, v10  }
0x116: {  	v10 =	vadd.f32 v63, v5;
	vm13 =	vgt.f32 v17, $0.0e+00;
	v17 =	vadd.f32 v17, v17  }
0x117: {  	v3 =	vadd.f32 v3, v32;
	v1 =	vmax.f32 v13, v6;
	v6 =	vmax.f32 v24, v25  }
0x118: {  	v21 =	vadd.f32 v1, v1;
	vm9 =	vgt.f32 v1, $0.0e+00;
	v1 =	vadd.f32 v22, v36;
	v36 =	vld [tilespmem:$0x1F960]  }
0x119: {  	vm1 =	vmneg vm13;
	vm11 =	vgt.f32 v6, $0.0e+00;
	v6 =	vadd.f32 v6, v6  }
0x11a: {  	v17 =	vsub.f32 $1.000000000e+00, v17;
	vm0 =	vmneg vm9;
	v5 =	vsub.f32 $1.000000000e+00, v21  }
0x11b: {  	vm0 =	vmor vm10, vm0;
	v51 =	vsub.f32 $1.000000000e+00, v6;
	v6 =	vxor.u32 v50, v41;
	v21 =	vld [tilespmem:$0x1F9B0]  }
0x11c: {  	v1 =	vadd.f32 v32, v1;
	v5 =	vsel vm0, $0x0, v5;
	vm0 =	vmneg vm11  }
0x11d: {  	v47 =	vld [tilespmem:$0x1F9E0];
	vm14 =	veq.s32 v6, v29;
	v13 =	vadd.f32 v57, v36;
	vm0 =	vmor vm12, vm0  }
0x11e: {  	vm1 =	vmor vm14, vm1;
	v24 =	vadd.f32 v5, v3;
	v57 =	vsel vm0, $0x0, v51;
	v51 =	vld [tilespmem:$0x1F9F0]  }
0x11f: {  	v18 =	vld [tilespmem:$0x1F9A0];
	v63 =	vsel vm1, $0x0, v17;
	v13 =	vadd.f32 v13, v32;
	v17 =	vadd.f32 v57, v1  }
0x120: {  	v39 =	vld [tilespmem:$0x1F9D0];
	v3 =	vadd.f32 v21, v8;
	v57 =	vadd.f32 v59, v12;
	v59 =	vmax.f32 v14, v34  }
0x121: {  	vm6 =	vgt.f32 v59, $0.0e+00;
	v12 =	vadd.f32 v59, v59;
	v22 =	vadd.f32 v63, v13;
	v13 =	vld [tilespmem:$0x1F990]  }
0x122: {  	vm4 =	veq.s32 v6, v37;
	v36 =	vld [tilespmem:$0x1F9C0];
	v3 =	vadd.f32 v3, v32;
	vm1 =	vmneg vm6  }
0x123: {  	v12 =	vsub.f32 $1.000000000e+00, v12;
	vm9 =	vmor vm8, vm1;
	v8 =	vmax.f32 v51, v47  }
0x124: {  	vm8 =	vgt.f32 v26, $0.0e+00;
	vm5 =	vgt.f32 v8, $0.0e+00;
	v63 =	vadd.f32 v8, v8  }
0x125: {  	v35 =	vld [tilespmem:$0x1FA30];
	v8 =	vxor.u32 v37, v6;
	v34 =	vsel vm9, $0x0, v12;
	vm9 =	vmneg vm8  }
0x126: {  	v59 =	vld [tilespmem:$0x1FA20];
	vm7 =	veq.s32 v8, v29;
	v1 =	vmax.f32 v13, v18;
	v13 =	vadd.f32 v32, v57  }
0x127: {  	v25 =	vadd.f32 v1, v1;
	vm15 =	vgt.f32 v1, $0.0e+00;
	v1 =	vadd.f32 v39, v36;
	v39 =	vld [tilespmem:$0x1FA00]  }
0x128: {  	v18 =	vsub.f32 $1.000000000e+00, v63;
	v36 =	vadd.f32 v30, v55;
	v55 =	vld [tilespmem:$0x1FA10];
	vm0 =	vmneg vm15  }
0x129: {  	v47 =	vadd.f32 v34, v13;
	v34 =	vmax.f32 v49, v19;
	v5 =	vsub.f32 $1.000000000e+00, v25  }
0x12a: {  	v19 =	vadd.f32 v28, v35;
	v35 =	vimm.s32 $0x8ECA;
	vm0 =	vmor vm4, vm0  }
0x12b: {  	v1 =	vadd.f32 v1, v32;
	v5 =	vsel vm0, $0x0, v5;
	vm0 =	vmneg vm5  }
0x12c: {  	v19 =	vadd.f32 v19, v32;
	vm5 =	vgt.f32 v34, $0.0e+00;
	vm0 =	vmor vm7, vm0  }
0x12d: {  	v46 =	vld [tilespmem:$0x1FA50];
	v51 =	vmax.f32 v60, v39;
	v57 =	vadd.f32 v55, v15;
	v60 =	vmax.f32 v59, v20  }
0x12e: {  	v20 =	vmax.f32 v43, v53;
	vm6 =	vmneg vm5;
	v15 =	vadd.f32 v26, v26  }
0x12f: {  	v39 =	vadd.f32 v32, v31;
	v21 =	vsel vm0, $0x0, v18;
	v18 =	vadd.f32 v5, v3  }
0x130: {  	vm10 =	vgt.f32 v51, $0.0e+00;
	v5 =	vadd.f32 v51, v51;
	v13 =	vadd.f32 v60, v60  }
0x131: {  	vm11 =	vgt.f32 v60, $0.0e+00;
	v3 =	vadd.f32 v36, v32;
	v30 =	vadd.f32 v20, v20  }
0x132: {  	vm15 =	vgt.f32 v20, $0.0e+00;
	v36 =	vadd.f32 v34, v34;
	v20 =	vmax.f32 v62, v46  }
0x133: {  	v60 =	vimm.s32 $0x943B;
	v62 =	vimm.s32 $0xB287;
	v25 =	vadd.f32 v21, v1  }
0x134: {  	v1 =	vxor.u32 v38, v41;
	vm0 =	vmneg vm10;
	vm1 =	vmneg vm11  }
0x135: {  	v63 =	vadd.f32 v57, v32;
	v15 =	vsub.f32 $1.000000000e+00, v15;
	vm10 =	veq.s32 v61, $0x0  }
0x136: {  	vm11 =	vgt.f32 v20, $0.0e+00;
	v20 =	vadd.f32 v20, v20;
	vm12 =	veq.s32 v1, v29  }
0x137: {  	v5 =	vsub.f32 $1.000000000e+00, v5;
	v13 =	vsub.f32 $1.000000000e+00, v13;
	vm13 =	veq.s32 v1, v37  }
0x138: {  	v38 =	vsub.f32 $1.000000000e+00, v36;
	vm7 =	veq.s32 v1, v50;
	v36 =	vimm.s32 $0xECA1  }
0x139: {  	vm0 =	vmor vm12, vm0;
	vm14 =	vmor vm13, vm1;
	vm13 =	vgt.f32 v4, $0.0e+00  }
0x13a: {  	v52 =	vld [tilespmem:$0x1FA70];
	v4 =	vadd.f32 v4, v4;
	v20 =	vsub.f32 $1.000000000e+00, v20;
	v5 =	vsel vm0, $0x0, v5  }
0x13b: {  	v53 =	vld [tilespmem:$0x1FA80];
	v21 =	vsel vm14, $0x0, v13;
	vm0 =	vmneg vm15;
	vm1 =	vmneg vm13  }
0x13c: {  	v43 =	vld [tilespmem:$0x1FA40];
	vm15 =	vgt.f32 v16, $0.0e+00;
	v12 =	vadd.f32 v5, v3;
	v3 =	vxor.u32 v37, v1  }
0x13d: {  	v16 =	vadd.f32 v16, v16;
	v5 =	vsub.f32 $1.000000000e+00, v30;
	vm4 =	veq.s32 v3, v29  }
0x13e: {  	v13 =	vadd.f32 v21, v63;
	vm2 =	vmneg vm15;
	vm0 =	vmor vm4, vm0  }
0x13f: {  	v30 =	vimm.s32 $0xB;
	v5 =	vsel vm0, $0x0, v5;
	vm0 =	vmor vm7, vm6  }
0x140: {  	v16 =	vsub.f32 $1.000000000e+00, v16;
	vm6 =	vle.f32 v52, v53;
	v14 =	vsel vm0, $0x0, v38  }
0x141: {  	v19 =	vadd.f32 v5, v19;
	vm0 =	vmor vm10, vm9;
	v5 =	vadd.f32 v33, v43  }
0x142: {  	v57 =	vsel vm6, $0x0, v29;
	v43 =	vimm.s32 $0xF650;
	v38 =	vimm.s32 $0xCA1D  }
0x143: {  	v51 =	vld [tilespmem:$0x1FA60];
	v14 =	vadd.f32 v14, v39;
	v15 =	vsel vm0, $0x0, v15;
	vm0 =	vmneg vm11  }
0x144: {  	v39 =	vimm.s32 $0x8765;
	v15 =	vadd.f32 v15, v32;
	v49 =	vadd.f32 v5, v32  }
0x145: {  	v5 =	vxor.u32 v50, v1;
	v50 =	vsub.f32 $1.000000000e+00, v4;
	v32 =	vsel vm6, $0x4D78, v62  }
0x146: {  	vm12 =	veq.s32 v5, v29;
	vm14 =	veq.s32 v5, v37;
	v4 =	vxor.u32 v37, v5  }
0x147: {  	v37 =	vimm.s32 $0xA1D9;
	vm0 =	vmor vm12, vm0;
	vm1 =	vmor vm14, vm1  }
0x148: {  	vm3 =	veq.s32 v4, v29;
	vm5 =	vle.f32 v15, v51;
	v20 =	vsel vm0, $0x0, v20  }
0x149: {  	v58 =	vld [tilespmem:$0x1FA90];
	v28 =	vsel vm1, $0x0, v50;
	vm4 =	vmor vm3, vm2;
	v15 =	vsel vm5, v15, v51  }
0x14a: {  	v55 =	vsel vm5, $0x0, v29;
	v59 =	vsel vm5, $0x0, v45;
	vm2 =	vle.f32 v47, v12  }
0x14b: {  	v20 =	vadd.f32 v20, v49;
	v7 =	vadd.f32 v28, v7;
	v16 =	vsel vm4, $0x0, v16  }
0x14c: {  	v23 =	vxor.u32 v61, v55;
	v28 =	vsel vm6, v52, v53;
	v61 =	vimm.s32 $0xD943  }
0x14d: {  	v42 =	vld [tilespmem:$0x1FAA0];
	vm4 =	vle.f32 v40, v11;
	v12 =	vsel vm2, v47, v12;
	vm6 =	vle.f32 v13, v19  }
0x14e: {  	v45 =	vld [tilespmem:$0x1FAB0];
	v16 =	vadd.f32 v16, v27;
	v27 =	vxor.u32 v58, v57;
	vm7 =	vle.f32 v15, v28  }
0x14f: {  	v50 =	vld [tilespmem:$0x1FAD0];
	v11 =	vsel vm4, v40, v11;
	v13 =	vsel vm6, v13, v19;
	v19 =	vimm.s32 $0x0  }
0x150: {  	v49 =	vld [tilespmem:$0x1FAC0];
	v40 =	vimm.s32 $0xD0EC;
	v15 =	vsel vm7, v15, v28;
	v63 =	vsel vm7, v59, v32  }
0x151: {  	v23 =	vsel vm7, v23, v27;
	vm7 =	vle.f32 v14, v20;
	vm3 =	vle.f32 v12, v13  }
0x152: {  	v55 =	vld [tilespmem:$0x1FAE0];
	vm1 =	vle.f32 v7, v16;
	v14 =	vsel vm7, v14, v20;
	v12 =	vsel vm3, v12, v13  }
0x153: {  	v57 =	vld [tilespmem:$0x1FAF0];
	v20 =	vimm.s32 $0x3;
	v13 =	vimm.s32 $0x0;
	vm8 =	vle.f32 v42, v45  }
0x154: {  	v7 =	vsel vm1, v7, v16;
	v16 =	vimm.s32 $0x0;
	v46 =	vsel vm8, v42, v45  }
0x155: {  	vm9 =	vle.f32 v49, v50;
	v52 =	vsel vm8, $0x0, v29;
	v59 =	vsel vm8, $0x26BC, v61  }
0x156: {  	v62 =	vld [tilespmem:$0x1FB10];
	vm8 =	vle.f32 v9, v54;
	v51 =	vsel vm9, v49, v50;
	v53 =	vsel vm9, $0x0, v29  }
0x157: {  	v61 =	vld [tilespmem:$0x1FB00];
	v26 =	vxor.u32 v55, v52;
	v60 =	vsel vm9, $0x6BC4, v60;
	v9 =	vsel vm8, v9, v54  }
0x158: {  	v42 =	vld [tilespmem:$0x1FB20];
	vm9 =	vle.f32 v10, v24;
	v58 =	vxor.u32 v57, v53;
	vm10 =	vle.f32 v46, v51  }
0x159: {  	v45 =	vld [tilespmem:$0x1FB30];
	v10 =	vsel vm9, v10, v24;
	v27 =	vsel vm10, v46, v51;
	v31 =	vsel vm10, v59, v60  }
0x15a: {  	v26 =	vsel vm10, v26, v58;
	v58 =	vsel vm4, $0x0, v29;
	v60 =	vsel vm4, $0x789A, v39  }
0x15b: {  	vm10 =	vle.f32 v9, v10;
	vm4 =	vle.f32 v14, v7;
	v39 =	vimm.s32 $0x9D94  }
0x15c: {  	vm11 =	vle.f32 v15, v27;
	v0 =	vxor.u32 v0, v58;
	v9 =	vsel vm10, v9, v10  }
0x15d: {  	v7 =	vsel vm4, v14, v7;
	v15 =	vsel vm11, v15, v27;
	v27 =	vsel vm11, v63, v31  }
0x15e: {  	v50 =	vld [tilespmem:$0x1FB40];
	vm12 =	vle.f32 v61, v62;
	v23 =	vsel vm11, v23, v26;
	vm13 =	vle.f32 v42, v45  }
0x15f: {  	v55 =	vld [tilespmem:$0x1FB60];
	vm11 =	vle.f32 v17, v22;
	v63 =	vsel vm12, v61, v62;
	v28 =	vsel vm13, v42, v45  }
0x160: {  	v53 =	vld [tilespmem:$0x1FB50];
	v46 =	vsel vm12, $0x0, v29;
	v49 =	vsel vm13, $0x0, v29;
	v51 =	vsel vm12, $0x135E, v36  }
0x161: {  	v52 =	vsel vm13, $0x5E26, v37;
	vm13 =	vle.f32 v18, v25;
	v61 =	vsel vm11, v17, v22  }
0x162: {  	v36 =	vimm.s32 $0xC3B2;
	v37 =	vimm.s32 $0xA876;
	v42 =	vsel vm9, $0x0, v29  }
0x163: {  	v45 =	vsel vm11, $0x0, v29;
	v47 =	vsel vm11, $0x2F13, v40;
	v17 =	vimm.s32 $0x0  }
0x164: {  	v31 =	vxor.u32 v56, v46;
	v32 =	vxor.u32 v50, v49;
	vm14 =	vle.f32 v63, v28  }
0x165: {  	vm15 =	vle.f32 v53, v55;
	v62 =	vsel vm13, v18, v25;
	v25 =	vsel vm8, $0x0, v29  }
0x166: {  	v6 =	vxor.u32 v6, v45;
	v46 =	vsel vm13, $0x0, v29;
	v49 =	vsel vm2, $0x0, v29  }
0x167: {  	v50 =	vsel vm6, $0x0, v29;
	v26 =	vsel vm14, v63, v28;
	v28 =	vsel vm14, v51, v52  }
0x168: {  	v31 =	vsel vm14, v31, v32;
	v56 =	vsel vm15, v53, v55;
	v57 =	vsel vm15, $0x0, v29  }
0x169: {  	v59 =	vsel vm15, $0x35E2, v38;
	v63 =	vimm.s32 $0x0;
	vm15 =	vle.f32 v61, v62  }
0x16a: {  	v32 =	vimm.s32 $0xF;
	v38 =	vimm.s32 $0xE50E;
	v8 =	vxor.u32 v8, v46  }
0x16b: {  	v1 =	vxor.u32 v1, v49;
	v3 =	vxor.u32 v3, v50;
	v52 =	vsel vm6, $0x5789, v37  }
0x16c: {  	v55 =	vsel vm1, $0x7135, v35;
	v33 =	vxor.u32 v48, v57;
	vm5 =	vle.f32 v56, v11  }
0x16d: {  	v18 =	vsel vm7, $0xFFFFFFFF, v63;
	v10 =	vsel vm15, v61, v62;
	vm7 =	vle.f32 v12, v7  }
0x16e: {  	v48 =	vsel vm13, $0x626B, v39;
	v6 =	vsel vm15, v6, v8;
	v51 =	vsel vm2, $0x1AF1, v38  }
0x16f: {  	v57 =	vsel vm1, $0x0, v29;
	v1 =	vsel vm3, v1, v3;
	v11 =	vsel vm5, v56, v11  }
0x170: {  	v21 =	vsel vm5, v59, v60;
	v0 =	vsel vm5, v33, v0;
	vm5 =	vle.f32 v9, v10  }
0x171: {  	v7 =	vsel vm7, v12, v7;
	v8 =	vsel vm3, v51, v52;
	vm12 =	vle.f32 v26, v11  }
0x172: {  	[tilespmem:$0x1FB70] =	vst v18;
	v9 =	vsel vm5, v9, v10;
	v10 =	vxor.u32 v2, v42;
	v2 =	vxor.u32 v4, v57  }
0x173: {  	v53 =	vld [tilespmem:$0x1FB70];
	v11 =	vsel vm12, v26, v11;
	v21 =	vsel vm12, v28, v21;
	v0 =	vsel vm12, v31, v0  }
0x174: {  	vm14 =	vle.f32 v9, v7;
	v26 =	vxor.u32 v41, v25;
	v31 =	vimm.s32 $0xD  }
0x175: {  	v41 =	vimm.s32 $0xBB28;
	vm0 =	vle.f32 v15, v11;
	v7 =	vsel vm14, v9, v7  }
0x176: {  	v9 =	vsel vm9, $0x44D7, v41;
	v22 =	vsel vm0, v15, v11;
	v24 =	vsel vm0, v27, v21  }
0x177: {  	v34 =	vld [tilespmem:$0x1FC00];
	v12 =	vsel vm0, v23, v0;
	v27 =	vsel vm8, $0x9AF, v43;
	v23 =	vimm.s32 $0x9  }
0x178: {  	v40 =	vld [tilespmem:$0x1FC40];
	v21 =	vimm.s32 $0x5;
	vm12 =	vle.f32 v22, v7;
	vm11 =	vnez.u8 v53  }
0x179: {  	v35 =	vld [tilespmem:$0x1FC10];
	v7 =	vsel vm10, v27, v9;
	v9 =	vsel vm15, v47, v48;
	v54 =	vsel vm11, $0x3C4D, v36  }
0x17a: {  	v49 =	vld [tilespmem:$0x1FC80];
	v7 =	vsel vm5, v7, v9;
	v56 =	vsel vm11, $0x0, v29;
	v9 =	vsel vm4, v54, v55  }
0x17b: {  	v50 =	vld [tilespmem:$0x1FC90];
	v0 =	vsel vm10, v26, v10;
	v5 =	vxor.u32 v5, v56;
	v58 =	vsel vm7, v8, v9  }
0x17c: {  	v38 =	vld [tilespmem:$0x1FC20];
	v22 =	vimm.s32 $0x7;
	v2 =	vsel vm4, v5, v2;
	v59 =	vsel vm14, v7, v58  }
0x17d: {  	v39 =	vld [tilespmem:$0x1FC30];
	v0 =	vsel vm5, v0, v6;
	v1 =	vsel vm7, v1, v2;
	v2 =	vsel vm12, v24, v59  }
0x17e: {  	v18 =	vld [tilespmem:$0x1FB80];
	v1 =	vsel vm14, v0, v1;
	v60 =	vand.u32 $0x1, v2;
	v3 =	vand.u32 $0x2, v2  }
0x17f: {  	v33 =	vld [tilespmem:$0x1FBF0];
	v61 =	vand.u32 $0x4, v2;
	v62 =	vand.u32 $0x8, v2;
	v63 =	vand.u32 $0x10, v2  }
0x180: {  	v25 =	vld [tilespmem:$0x1FBA0];
	v5 =	vand.u32 $0x20, v2;
	v6 =	vand.u32 $0x40, v2;
	v7 =	vand.u32 $0x80, v2  }
0x181: {  	v41 =	vld [tilespmem:$0x1FC50];
	v8 =	vand.u32 $0x100, v2;
	v9 =	vand.u32 $0x200, v2;
	v10 =	vand.u32 $0x400, v2  }
0x182: {  	v26 =	vld [tilespmem:$0x1FBB0];
	v11 =	vand.u32 $0x800, v2;
	v14 =	vand.u32 $0x1000, v2;
	v15 =	vand.u32 $0x2000, v2  }
0x183: {  	v47 =	vld [tilespmem:$0x1FC60];
	v1 =	vsel vm12, v12, v1;
	vm4 =	veq.s32 v60, $0x0;
	vm15 =	veq.s32 v3, $0x0  }
0x184: {  	v48 =	vld [tilespmem:$0x1FC70];
	vm14 =	veq.s32 v61, $0x0;
	vm13 =	veq.s32 v62, $0x0;
	vm11 =	veq.s32 v63, $0x0  }
0x185: {  	v28 =	vld [tilespmem:$0x1FBD0];
	vm10 =	veq.s32 v5, $0x0;
	vm9 =	veq.s32 v6, $0x0;
	vm8 =	veq.s32 v7, $0x0  }
0x186: {  	v27 =	vld [tilespmem:$0x1FBC0];
	vm7 =	veq.s32 v8, $0x0;
	vm6 =	veq.s32 v9, $0x0;
	vm5 =	veq.s32 v10, $0x0  }
0x187: {  	v29 =	vld [tilespmem:$0x1FBE0];
	vm2 =	veq.s32 v11, $0x0;
	vm1 =	veq.s32 v14, $0x0;
	vm0 =	veq.s32 v15, $0x0  }
0x188: {  	v24 =	vld [tilespmem:$0x1FB90];
	v0 =	vsel vm2, $0xFFFFFFFF, v13;
	v15 =	vsel vm15, v25, v26;
	v11 =	vsel vm10, v38, v39  }
0x189: {  	v58 =	vld [tilespmem:$0x1FCA0];
	v9 =	vsel vm9, v40, v41;
	v10 =	vsel vm8, v47, v48;
	v6 =	vsel vm7, v49, v50  }
0x18a: {  	v59 =	vld [tilespmem:$0x1FCB0];
	v26 =	vand.u32 $0x4000, v2;
	v39 =	vimm.s32 $0x0;
	[tilespmem:$0x1FF00] =	vst v0;
	v0 =	vsel vm1, $0xFFFFFFFF, v16  }
0x18b: {  	v16 =	vsel vm14, v27, v28;
	v37 =	vand.u32 $0x7FFFFFFF, v15;
	v53 =	vand.u32 $0x7FFFFFFF, v11  }
0x18c: {  	v38 =	vld [tilespmem:$0x1FD30];
	v54 =	vand.u32 $0x7FFFFFFF, v9;
	v55 =	vand.u32 $0x7FFFFFFF, v10;
	v60 =	vand.u32 $0x7FFFFFFF, v6  }
0x18d: {  	v27 =	vimm.s32 $0x0;
	v28 =	vld [tilespmem:$0x1FCC0];
	[tilespmem:$0x1FF30] =	vst v0;
	v0 =	vsel vm0, $0xFFFFFFFF, v17;
	v13 =	vsel vm4, v18, v24  }
0x18e: {  	v17 =	vsel vm13, v29, v33;
	v18 =	vsel vm11, v34, v35;
	v29 =	vld [tilespmem:$0x1FCD0];
	v36 =	vand.u32 $0x7FFFFFFF, v13  }
0x18f: {  	v42 =	vand.u32 $0x7FFFFFFF, v16;
	v7 =	vsel vm6, v58, v59;
	v33 =	vld [tilespmem:$0x1FCE0];
	vm3 =	vge.f32 v36, v37  }
0x190: {  	v34 =	vld [tilespmem:$0x1FCF0];
	v45 =	vand.u32 $0x7FFFFFFF, v17;
	v51 =	vand.u32 $0x7FFFFFFF, v18;
	vm3 =	vmneg vm3  }
0x191: {  	v35 =	vld [tilespmem:$0x1FD00];
	[tilespmem:$0x1FF60] =	vst v0;
	v0 =	vsel vm3, v37, v36;
	v46 =	vsel vm3, $0x1, v19;
	vm3 =	vge.f32 v42, v45  }
0x192: {  	v62 =	vand.u32 $0x7FFFFFFF, v7;
	v59 =	vand.u32 $0x80000000, v13;
	v36 =	vld [tilespmem:$0x1FD10];
	v4 =	vsel vm3, v42, v45  }
0x193: {  	vm12 =	vgt.f32 v13, $0.0e+00;
	v37 =	vld [tilespmem:$0x1FD20];
	v52 =	vsel vm3, $0x2, v20;
	vm3 =	vge.f32 v0, v4  }
0x194: {  	v8 =	vsel vm5, v29, v28;
	v29 =	vand.u32 $0x80000000, v17;
	v14 =	vsel vm3, v0, v4  }
0x195: {  	v19 =	vsel vm3, v46, v52;
	vm3 =	vge.f32 v51, v53;
	v4 =	vsel vm2, v33, v34  }
0x196: {  	v56 =	vsel vm3, v51, v53;
	v57 =	vsel vm3, $0x4, v21;
	vm3 =	vge.f32 v54, v55  }
0x197: {  	v46 =	vand.u32 $0x7FFFFFFF, v8;
	v47 =	vand.u32 $0x7FFFFFFF, v4;
	v0 =	vsel vm3, v54, v55  }
0x198: {  	v43 =	vld [tilespmem:$0x1FFF0];
	v61 =	vsel vm3, $0x6, v22;
	v5 =	vsel vm1, v36, v35;
	v3 =	vsel vm0, v38, v37  }
0x199: {  	v40 =	vld [tilespmem:$0x1FD40];
	vm0 =	vlt.u32 v2, $0x8000;
	vm1 =	vge.f32 v46, v47;
	v35 =	vand.u32 $0x80000000, v11  }
0x19a: {  	v41 =	vld [tilespmem:$0x1FD50];
	v38 =	vand.u32 $0x80000000, v9;
	vm3 =	vge.f32 v56, v0;
	v48 =	vand.u32 $0x7FFFFFFF, v5  }
0x19b: {  	v33 =	vld [tilespmem:$0x1FE00];
	v49 =	vand.u32 $0x7FFFFFFF, v3;
	v24 =	vsel vm1, v46, v47;
	v54 =	vsel vm1, $0xA, v30  }
0x19c: {  	v34 =	vld [tilespmem:$0x1FE10];
	v63 =	vsel vm3, v56, v0;
	v22 =	vsel vm3, v57, v61;
	vm3 =	vge.f32 v60, v62  }
0x19d: {  	v42 =	vld [tilespmem:$0x1FD60];
	vm2 =	vge.f32 v48, v49;
	v20 =	vsel vm3, v60, v62;
	v23 =	vsel vm3, $0x8, v23  }
0x19e: {  	v45 =	vld [tilespmem:$0x1FD70];
	vm3 =	veq.s32 v26, $0x0;
	v52 =	vsel vm2, v48, v49;
	v55 =	vsel vm2, $0xC, v31  }
0x19f: {  	v60 =	vor.u32 v59, v43;
	v26 =	vand.u32 $0x80000000, v16;
	v49 =	vand.u32 $0x80000000, v6  }
0x1a0: {  	v28 =	vld [tilespmem:$0x1FDD0];
	v0 =	vsel vm3, $0xFFFFFFFF, v27;
	v2 =	vsel vm3, v41, v40;
	v21 =	vor.u32 v26, v43  }
0x1a1: {  	v36 =	vld [tilespmem:$0x1FE20];
	v26 =	vsel vm11, v33, v34;
	v33 =	vsel vm8, $0x0, v44;
	v34 =	vor.u32 v49, v43  }
0x1a2: {  	v27 =	vld [tilespmem:$0x1FDC0];
	[tilespmem:$0x1FF90] =	vst v0;
	v0 =	vsel vm0, $0xFFFFFFFF, v39;
	v50 =	vand.u32 $0x7FFFFFFF, v2;
	v39 =	vand.u32 $0x80000000, v10  }
0x1a3: {  	v37 =	vld [tilespmem:$0x1FE30];
	[tilespmem:$0x1FFC0] =	vst v0;
	v0 =	vsel vm0, v45, v42;
	vm0 =	vge.f32 v20, v24;
	v40 =	vor.u32 v39, v43  }
0x1a4: {  	v39 =	vsel vm5, $0x0, v44;
	v51 =	vand.u32 $0x7FFFFFFF, v0;
	v20 =	vsel vm0, v20, v24  }
0x1a5: {  	v23 =	vsel vm0, v23, v54;
	vm0 =	vge.f32 v14, v63;
	vm3 =	vge.f32 v50, v51  }
0x1a6: {  	v14 =	vsel vm0, v14, v63;
	v19 =	vsel vm0, v19, v22;
	v63 =	vsel vm4, $0x0, v44  }
0x1a7: {  	v53 =	vsel vm3, v50, v51;
	v56 =	vsel vm3, $0xE, v32;
	v22 =	vsel vm14, v27, v28  }
0x1a8: {  	v32 =	vand.u32 $0x80000000, v18;
	v27 =	vor.u32 v35, v43;
	v28 =	vsel vm10, v36, v37  }
0x1a9: {  	v35 =	vsel vm7, $0x0, v44;
	vm1 =	vge.f32 v52, v53;
	v22 =	vadd.f32 v22, v22  }
0x1aa: {  	v30 =	vld [tilespmem:$0x1FDE0];
	v25 =	vsel vm1, v52, v53;
	v24 =	vsel vm1, v55, v56;
	vm1 =	vlt.f32 v13, $0.0e+00  }
0x1ab: {  	v61 =	vld [tilespmem:$0x1FD80];
	v52 =	vand.u32 $0x80000000, v7;
	v55 =	vand.u32 $0x80000000, v8;
	v56 =	vand.u32 $0x80000000, v4  }
0x1ac: {  	v62 =	vld [tilespmem:$0x1FD90];
	vm2 =	vge.f32 v20, v25;
	vm12 =	vmor vm12, vm1;
	v36 =	vor.u32 v52, v43  }
0x1ad: {  	v54 =	vld [tilespmem:$0x1FED0];
	v20 =	vsel vm2, v20, v25;
	v57 =	vsel vm2, v23, v24;
	v12 =	vsel vm12, v60, v13  }
0x1ae: {  	v53 =	vld [tilespmem:$0x1FEC0];
	v23 =	vand.u32 $0x80000000, v15;
	vm12 =	vlt.f32 v15, $0.0e+00;
	vm0 =	vge.f32 v14, v20  }
0x1af: {  	v24 =	vld [tilespmem:$0x1FDA0];
	v12 =	vadd.f32 v12, v12;
	v13 =	vor.u32 v23, v43;
	v23 =	vor.u32 v29, v43  }
0x1b0: {  	v25 =	vld [tilespmem:$0x1FDB0];
	v29 =	vor.u32 v38, v43;
	v38 =	vor.u32 v55, v43;
	v55 =	vadd.f32 v28, v28  }
0x1b1: {  	v46 =	vld [tilespmem:$0x1FE70];
	v58 =	vsel vm0, v19, v57;
	vm0 =	veq.s32 v1, $0x1;
	v19 =	vsel vm4, v61, v62  }
0x1b2: {  	v31 =	vld [tilespmem:$0x1FDF0];
	vm4 =	vgt.f32 v15, $0.0e+00;
	v57 =	vand.u32 $0x80000000, v5;
	v1 =	vnsel vm0, $0x10, v58  }
0x1b3: {  	v45 =	vld [tilespmem:$0x1FE60];
	vm0 =	vmor vm4, vm12;
	vm4 =	vgt.f32 v16, $0.0e+00;
	v37 =	vsel vm5, v53, v54  }
0x1b4: {  	v19 =	vadd.f32 v19, v19;
	vm5 =	vgt.f32 v3, $0.0e+00;
	v15 =	vsel vm0, v13, v15  }
0x1b5: {  	vm12 =	veq.s32 v1, $0x0;
	v13 =	vsel vm15, $0x0, v44;
	v20 =	vsel vm15, v24, v25  }
0x1b6: {  	v12 =	vnsel vm12, $0x0, v12;
	v15 =	vadd.f32 v15, v15;
	vm15 =	vlt.f32 v16, $0.0e+00  }
0x1b7: {  	vm12 =	veq.s32 v1, $0x1;
	v24 =	vsel vm13, v30, v31;
	v25 =	vsel vm13, $0x0, v44  }
0x1b8: {  	vm13 =	vlt.f32 v11, $0.0e+00;
	v30 =	vsel vm9, $0x0, v44;
	v31 =	vsel vm8, v45, v46  }
0x1b9: {  	vm8 =	vgt.f32 v4, $0.0e+00;
	v14 =	vadd.f32 v19, v63;
	vm0 =	vmor vm4, vm15  }
0x1ba: {  	v47 =	vld [tilespmem:$0x1FE80];
	vm15 =	veq.s32 v1, $0x2;
	vm4 =	vlt.f32 v17, $0.0e+00;
	v61 =	vadd.f32 v20, v20  }
0x1bb: {  	v48 =	vld [tilespmem:$0x1FE90];
	v46 =	vadd.f32 v24, v24;
	v15 =	vnsel vm12, $0x0, v15;
	v16 =	vsel vm0, v21, v16  }
0x1bc: {  	v21 =	vsel vm14, $0x0, v44;
	vm12 =	vgt.f32 v17, $0.0e+00;
	v12 =	vadd.f32 v12, v14  }
0x1bd: {  	v16 =	vadd.f32 v16, v16;
	vm14 =	vmor vm12, vm4;
	vm4 =	vgt.f32 v18, $0.0e+00  }
0x1be: {  	vm12 =	veq.s32 v1, $0x3;
	v13 =	vadd.f32 v61, v13;
	v49 =	vadd.f32 v46, v25  }
0x1bf: {  	v61 =	vadd.f32 v31, v31;
	v17 =	vsel vm14, v23, v17;
	v23 =	vor.u32 v32, v43  }
0x1c0: {  	vm14 =	vgt.f32 v11, $0.0e+00;
	v32 =	vsel vm7, v47, v48;
	vm7 =	vlt.f32 v4, $0.0e+00  }
0x1c1: {  	v47 =	vadd.f32 v22, v21;
	v48 =	vand.u32 $0x80000000, v3;
	v16 =	vnsel vm15, $0x0, v16  }
0x1c2: {  	vm15 =	vlt.f32 v18, $0.0e+00;
	v17 =	vadd.f32 v17, v17;
	v13 =	vadd.f32 v15, v13  }
0x1c3: {  	v31 =	vadd.f32 v61, v33;
	v32 =	vadd.f32 v32, v32;
	vm0 =	vmor vm4, vm15  }
0x1c4: {  	vm15 =	veq.s32 v1, $0x4;
	vm4 =	veq.s32 v1, $0x5;
	v14 =	vadd.f32 v16, v47  }
0x1c5: {  	v41 =	vld [tilespmem:$0x1FE40];
	v18 =	vsel vm0, v23, v18;
	v17 =	vnsel vm12, $0x0, v17;
	v23 =	vsel vm11, $0x0, v44  }
0x1c6: {  	v42 =	vld [tilespmem:$0x1FE50];
	vm0 =	vmor vm14, vm13;
	vm11 =	vgt.f32 v9, $0.0e+00;
	vm13 =	vlt.f32 v10, $0.0e+00  }
0x1c7: {  	vm14 =	vgt.f32 v10, $0.0e+00;
	v18 =	vadd.f32 v18, v18;
	v11 =	vsel vm0, v27, v11  }
0x1c8: {  	v27 =	vsel vm10, $0x0, v44;
	vm10 =	vlt.f32 v9, $0.0e+00;
	v15 =	vadd.f32 v17, v49  }
0x1c9: {  	v11 =	vadd.f32 v11, v11;
	vm12 =	vmor vm11, vm10;
	vm10 =	vlt.f32 v6, $0.0e+00  }
0x1ca: {  	v50 =	vld [tilespmem:$0x1FEA0];
	vm11 =	vgt.f32 v6, $0.0e+00;
	v17 =	vadd.f32 v55, v27;
	v18 =	vnsel vm15, $0x0, v18  }
0x1cb: {  	v51 =	vld [tilespmem:$0x1FEB0];
	v9 =	vsel vm12, v29, v9;
	vm15 =	vmor vm14, vm13;
	v29 =	vsel vm9, v41, v42  }
0x1cc: {  	v60 =	vld [tilespmem:$0x1FF00];
	vm9 =	veq.s32 v1, $0x7;
	vm0 =	vmor vm11, vm10;
	vm12 =	vlt.f32 v7, $0.0e+00  }
0x1cd: {  	v45 =	vld [tilespmem:$0x1FF30];
	vm13 =	vgt.f32 v7, $0.0e+00;
	vm14 =	veq.s32 v1, $0x8;
	vm10 =	vgt.f32 v5, $0.0e+00  }
0x1ce: {  	vm11 =	veq.s32 v1, $0xA;
	v11 =	vnsel vm4, $0x0, v11;
	v10 =	vsel vm15, v40, v10  }
0x1cf: {  	v62 =	vld [tilespmem:$0x1FF10];
	v9 =	vadd.f32 v9, v9;
	vm4 =	veq.s32 v1, $0x6;
	v6 =	vsel vm0, v34, v6  }
0x1d0: {  	v63 =	vld [tilespmem:$0x1FF20];
	vm0 =	vmor vm13, vm12;
	v34 =	vsel vm6, v50, v51;
	vm15 =	vlt.f32 v8, $0.0e+00  }
0x1d1: {  	v40 =	vor.u32 v57, v43;
	vm12 =	vnez.u8 v60;
	v51 =	vadd.f32 v26, v26  }
0x1d2: {  	vm13 =	vnez.u8 v45;
	v60 =	vadd.f32 v29, v29;
	v45 =	vadd.f32 v32, v35  }
0x1d3: {  	v50 =	vor.u32 v48, v43;
	v48 =	vadd.f32 v37, v37;
	v10 =	vadd.f32 v10, v10  }
0x1d4: {  	v49 =	vld [tilespmem:$0x1FFD0];
	v6 =	vadd.f32 v6, v6;
	v7 =	vsel vm0, v36, v7;
	v36 =	vsel vm6, $0x0, v44  }
0x1d5: {  	vm6 =	veq.s32 v1, $0x9;
	v20 =	vsel vm13, v62, v63;
	v41 =	vsel vm13, $0x0, v44  }
0x1d6: {  	v11 =	vadd.f32 v11, v17;
	v33 =	vadd.f32 v34, v34;
	v34 =	vand.u32 $0x80000000, v2  }
0x1d7: {  	vm13 =	vgt.f32 v0, $0.0e+00;
	v9 =	vnsel vm4, $0x0, v9;
	v7 =	vadd.f32 v7, v7  }
0x1d8: {  	vm4 =	vgt.f32 v8, $0.0e+00;
	v16 =	vadd.f32 v51, v23;
	v30 =	vadd.f32 v60, v30  }
0x1d9: {  	v42 =	vor.u32 v34, v43;
	v12 =	vmul.f32 v12, v49;
	v23 =	vadd.f32 v48, v39  }
0x1da: {  	v54 =	vld [tilespmem:$0x1FF60];
	v13 =	vmul.f32 v13, v49;
	v20 =	vadd.f32 v20, v20;
	v51 =	vmul.f32 v14, v49  }
0x1db: {  	v10 =	vnsel vm9, $0x0, v10;
	v6 =	vnsel vm14, $0x0, v6;
	vm0 =	vmor vm4, vm15  }
0x1dc: {  	v59 =	vld [tilespmem:$0x1FEF0];
	vm9 =	vlt.f32 v5, $0.0e+00;
	vm14 =	veq.s32 v1, $0xB;
	vm15 =	veq.s32 v1, $0xC  }
0x1dd: {  	v52 =	vld [tilespmem:$0x1FF40];
	vm4 =	vlt.f32 v3, $0.0e+00;
	v46 =	vadd.f32 v33, v36;
	v11 =	vmul.f32 v11, v49  }
0x1de: {  	v58 =	vld [tilespmem:$0x1FEE0];
	v7 =	vnsel vm6, $0x0, v7;
	v8 =	vsel vm0, v38, v8;
	vm0 =	vmor vm8, vm7  }
0x1df: {  	v53 =	vld [tilespmem:$0x1FF50];
	vm1 =	vmor vm10, vm9;
	v38 =	vor.u32 v56, v43;
	vm6 =	vnez.u8 v54  }
0x1e0: {  	vm8 =	veq.s32 v1, $0xD;
	vm9 =	vlt.f32 v2, $0.0e+00;
	v16 =	vadd.f32 v18, v16  }
0x1e1: {  	vm10 =	vgt.f32 v2, $0.0e+00;
	v9 =	vadd.f32 v9, v30;
	v10 =	vadd.f32 v10, v31  }
0x1e2: {  	v6 =	vadd.f32 v6, v45;
	v54 =	vmul.f32 v15, v49;
	v8 =	vadd.f32 v8, v8  }
0x1e3: {  	v4 =	vsel vm0, v38, v4;
	v5 =	vsel vm1, v40, v5;
	v38 =	vsel vm12, v58, v59  }
0x1e4: {  	v40 =	vsel vm12, $0x0, v44;
	vm0 =	vmor vm5, vm4;
	v19 =	vsel vm6, v52, v53  }
0x1e5: {  	v29 =	vld [tilespmem:$0x1FFC0];
	v59 =	vsel vm6, $0x0, v44;
	v7 =	vadd.f32 v7, v46;
	v53 =	vadd.f32 v20, v41  }
0x1e6: {  	v28 =	vld [tilespmem:$0x1FFB0];
	vm12 =	vlt.f32 v0, $0.0e+00;
	v4 =	vadd.f32 v4, v4;
	v5 =	vadd.f32 v5, v5  }
0x1e7: {  	v63 =	vld [tilespmem:$0x1FFA0];
	v3 =	vsel vm0, v50, v3;
	vm0 =	vmor vm10, vm9;
	v50 =	vadd.f32 v38, v38  }
0x1e8: {  	v52 =	vadd.f32 v19, v19;
	v55 =	vmul.f32 v16, v49;
	v9 =	vmul.f32 v9, v49  }
0x1e9: {  	v57 =	vld [tilespmem:$0x1FF80];
	v10 =	vmul.f32 v10, v49;
	v6 =	vmul.f32 v6, v49;
	v8 =	vnsel vm11, $0x0, v8  }
0x1ea: {  	v58 =	vld [tilespmem:$0x1FF90];
	v3 =	vadd.f32 v3, v3;
	vm11 =	vnez.u8 v29;
	v2 =	vsel vm0, v42, v2  }
0x1eb: {  	v56 =	vld [tilespmem:$0x1FF70];
	[tilespmem:s16+$0x8000] =	vst v12;
	vm0 =	vmor vm13, vm12;
	v7 =	vmul.f32 v7, v49;
	v4 =	vnsel vm14, $0x0, v4  }
0x1ec: {  	[tilespmem:s16+$0x8080] =	vst v13;
	v5 =	vnsel vm15, $0x0, v5;
	v17 =	vsel vm11, v63, v28;
	v24 =	vadd.f32 v50, v40  }
0x1ed: {  	[tilespmem:s16+$0x8100] =	vst v51;
	v47 =	vsel vm11, $0x0, v44;
	v8 =	vadd.f32 v8, v23;
	v14 =	vadd.f32 v52, v59  }
0x1ee: {  	[tilespmem:s16+$0x8280] =	vst v11;
	v2 =	vadd.f32 v2, v2;
	vm14 =	veq.s32 v1, $0xE;
	vm15 =	veq.s32 v1, $0xF  }
0x1ef: {  	[tilespmem:s16+$0x8180] =	vst v54;
	v3 =	vnsel vm8, $0x0, v3;
	v5 =	vadd.f32 v5, v53;
	vm7 =	vnez.u8 v58  }
0x1f0: {  	[tilespmem:s16+$0x8200] =	vst v55;
	v4 =	vadd.f32 v4, v24;
	v58 =	vand.u32 $0x80000000, v0;
	v21 =	vsel vm7, v56, v57  }
0x1f1: {  	[tilespmem:s16+$0x8300] =	vst v9;
	v3 =	vadd.f32 v3, v14;
	v59 =	vor.u32 v58, v43;
	v56 =	vadd.f32 v21, v21  }
0x1f2: {  	[tilespmem:s17+$0x8000] =	vst v10;
	v62 =	vsel vm7, $0x0, v44;
	v57 =	vadd.f32 v17, v17;
	v0 =	vsel vm0, v59, v0  }
0x1f3: {  	[tilespmem:s16+$0xC000] =	vst v6;
	v60 =	vmul.f32 v8, v49;
	v0 =	vadd.f32 v0, v0;
	v13 =	vadd.f32 v56, v62  }
0x1f4: {  	v2 =	vnsel vm14, $0x0, v2;
	[tilespmem:s16+$0xC080] =	vst v7;
	v61 =	vmul.f32 v4, v49;
	v12 =	vadd.f32 v57, v47  }
0x1f5: {  	p0 =	sne.s32 s15, $0x7F0;
	[tilespmem:s16+$0xC100] =	vst v60;
	v63 =	vmul.f32 v3, v49;
	v0 =	vnsel vm15, $0x0, v0;
	v2 =	vadd.f32 v2, v13  }
.Ltmp0:
0x1f6: {  	v62 =	vmul.f32 v5, v49;
	[tilespmem:s16+$0xC180] =	vst v61;
	v0 =	vadd.f32 v0, v12;
	(pc) =	sbr.rel @p0 .LBB2_2-.Ltmp0, $4  }
0x1f7: {  	[tilespmem:s16+$0xC280] =	vst v63;
	v2 =	vmul.f32 v2, v49  }
0x1f8: {  	[tilespmem:s16+$0xC200] =	vst v62;
	v0 =	vmul.f32 v0, v49  }
0x1f9: {  	[tilespmem:s16+$0xC300] =	vst v2  }
0x1fa: {  	s13 =	sadd.s32 $0x1, s13;
	s15 =	sadd.s32 $0x10, s15;
	s14 =	sadd.s32 $0x80, s14;
	[tilespmem:s18+$0x8000] =	vst v0  }
0x1fb: {  	s12 =	sadd.s32 $0x1, s12  }
0x1fc: {  	p0 =	sne.s32 s12, s6  }
.Ltmp1:
0x1fd: {  	_ = 	snop;
	(pc) =	sbr.rel @p0 .LBB2_1-.Ltmp1, $4  }
0x1fe: {  	[hbm4b:s5+s9] =	stream.strided.scatter [tilespmem:s11], [sflag:$0x1], $0x8000, s10, s9, $0x38;
	[tilespmem:$0x10080] =	vst v63  }
0x1ff: {  	_ =	swait.ge [sflag:s8], $0x8000  }
0x200: {  	[sflag:s8] =	ssyncset.done $0x0  }
0x201: {  	[sflag:s8] =	ssyncadd.s32 $0xFFFF8000  }
0x202: {  	_ =	sfence.sel $0x180000  }
0x203: {  	[bflag:$0x0] =	sbarrier.arrive $0xFFFF  }
0x204: {  	p0 =	sne.s32 s2, $0x0;
	_ =	strace $0x90000047  }
0x205: {  	s0 =	sadd.s32 @!p0 $0x100000, s0;
	[bflag:$0x2] =	sbarrier.arrive $0xFFFF  }
0x206: {  	[sflag:s0] =	ssyncadd.tile.s32 @!p0 $0x1;
	_ =	shalt  }
.Lfunc_end2:
_tile_overlayer_lowered:
.L_overlay_start_2:
0x207: {  	(tag) =	ssettag $0x2  }
0x208: {  	s0 =	rddreg [dreg:$0x0];
	s2 =	stileid.u32  }
0x209: {  	s1 =	rddreg [dreg:$0x1];
	p0 =	sne.s32 s2, $0x0  }
0x20a: {  	s3 =	rddreg [dreg:$0x2];
	[bflag:$0x3] =	sbarrier.arrive $0xFFFF;
	s2 =	simm.s32 @!p0 $0x1C01  }
0x20b: {  	[timem:s3], [sflag:s2] =	dma.local @!p0 [hbm:s0], s1  }
0x20c: {  	s0 =	simm.s32 @!p0 $0x1  }
0x20d: {  	_ =	swait.ge @!p0 [sflag:s0], s1  }
0x20e: {  	s1 =	ssub.s32 @!p0 $0x0, s1;
	[sflag:s0] =	ssyncset.done @!p0 $0x0  }
0x20f: {  	[sflag:s0] =	ssyncadd.s32 @!p0 s1  }
0x210: {  	[bflag:$0x3] =	sbarrier.arrive $0xFFFF  }
0x211: {  	_ =	shalt  }

</sc_bundles>
